<compile_context>
chip_gen: v7x
topology: tpu7x:2x2x1
jax: 0.10.2.dev20260603
libtpu: 0.0.44.dev20260713+nightly
codegen_flags: <defaults>
</compile_context>

<pallas_src>
import functools

import jax
import jax.numpy as jnp
from jax import lax
from jax.experimental import pallas as pl
from jax.experimental.pallas import tpu as pltpu
from jax.experimental.pallas import tpu_sc as plsc

NC = 2
NS = 16
NW = NC * NS
CH = 128
NCH = 13
B_PER_W = NCH * CH
B_PAD = NW * B_PER_W
D = 64
DP = 2 * D
EPS = 1e-5


def _sc_gather_stats(n_total, x_hbm, table_hbm, h_hbm, stats_hbm,
                     idx_v, buf_v, acc_v, gsem0, gsem1, wsem0, wsem1):
    gsems = (gsem0, gsem1)
    wsems = (wsem0, wsem1)
    wid = lax.axis_index("s") * NC + lax.axis_index("c")
    base = wid * B_PER_W
    n_real = jnp.maximum(0, jnp.minimum(B_PER_W, n_total - base))

    pltpu.sync_copy(x_hbm.at[wid], idx_v)

    def gather(j):
        return pltpu.async_copy(table_hbm.at[idx_v.at[j]],
                                buf_v.at[j % 2], gsems[j % 2])

    carry = (jnp.zeros((16,), jnp.float32),) * 8
    gdesc = gather(0)
    wdescs = [None, None]
    for j in range(NCH):
        b = j % 2
        if j + 1 < NCH:
            if wdescs[1 - b] is not None:
                wdescs[1 - b].wait()
            next_gdesc = gather(j + 1)
        gdesc.wait()

        nj = jnp.maximum(0, jnp.minimum(CH, n_real - j * CH))

        def row_body(i, c, _b=b):
            accs = list(c)
            for k in range(4):
                v = buf_v[_b, i, pl.ds(16 * k, 16)]
                accs[k] = accs[k] + v
                accs[4 + k] = accs[4 + k] + v * v
            return tuple(accs)

        carry = lax.fori_loop(0, nj, row_body, carry)
        wdescs[b] = pltpu.async_copy(
            buf_v.at[b], h_hbm.at[pl.ds(base + j * CH, CH)], wsems[b])
        if j + 1 < NCH:
            gdesc = next_gdesc

    for k in range(4):
        acc_v[0, pl.ds(16 * k, 16)] = carry[k]
        acc_v[1, pl.ds(16 * k, 16)] = carry[4 + k]
    pltpu.sync_copy(acc_v.at[0], stats_hbm.at[0, wid])
    pltpu.sync_copy(acc_v.at[1], stats_hbm.at[1, wid])

    wdescs[0].wait()
    wdescs[1].wait()


def _tc_affine(n_total, stats_ref, w_ref, b_ref, ms_ref, h_ref, o_ref):
    inv_n = 1.0 / n_total
    m1 = jnp.sum(stats_ref[0], axis=0) * inv_n
    q = jnp.sum(stats_ref[1], axis=0) * inv_n
    w = w_ref[0]
    b = b_ref[0]
    ms = ms_ref[0]
    v1 = q - ms * m1 * m1 * (2.0 - ms)
    r1 = lax.rsqrt(v1 + EPS)
    a1 = w * r1
    c1 = b - a1 * m1 * ms
    m2 = a1 * m1 + c1
    c2 = c1 - m2 * ms
    v2 = a1 * a1 * q + 2.0 * a1 * c2 * m1 + c2 * c2
    r2 = lax.rsqrt(v2 + EPS)
    a_f = w * r2 * a1
    c_f = w * r2 * c2 + b
    a2 = jnp.concatenate([a_f, a_f])
    c2w = jnp.concatenate([c_f, c_f])
    o_ref[...] = h_ref[...] * a2[None, :] + c2w[None, :]


def kernel(x, edge_index, edge_weight, subG_nodes, batch_nodes,
           batch_nodes_mask, emb_table, gn_weight, gn_bias, gn_mean_scale):
    n_total = x.shape[0]
    xi = x.astype(jnp.int32)
    x_pad = jnp.pad(xi, (0, B_PAD - n_total)).reshape(NW, NCH, CH)
    table128 = jnp.pad(emb_table, ((0, 0), (0, DP - D)))

    mesh = plsc.VectorSubcoreMesh(core_axis_name="c", subcore_axis_name="s")
    sc_fn = pl.kernel(
        functools.partial(_sc_gather_stats, n_total),
        out_type=[
            jax.ShapeDtypeStruct((B_PAD, DP), jnp.float32),
            jax.ShapeDtypeStruct((2, NW, D), jnp.float32),
        ],
        mesh=mesh,
        scratch_types=[
            pltpu.VMEM((NCH, CH), jnp.int32),
            pltpu.VMEM((2, CH, DP), jnp.float32),
            pltpu.VMEM((2, D), jnp.float32),
            pltpu.SemaphoreType.DMA,
            pltpu.SemaphoreType.DMA,
            pltpu.SemaphoreType.DMA,
            pltpu.SemaphoreType.DMA,
        ],
    )
    h, stats = sc_fn(x_pad, table128)

    grid = 8
    rb = B_PAD // grid
    out_pad = pl.pallas_call(
        functools.partial(_tc_affine, n_total),
        grid=(grid,),
        in_specs=[
            pl.BlockSpec((2, NW, D), lambda i: (0, 0, 0)),
            pl.BlockSpec((1, D), lambda i: (0, 0)),
            pl.BlockSpec((1, D), lambda i: (0, 0)),
            pl.BlockSpec((1, D), lambda i: (0, 0)),
            pl.BlockSpec((rb, DP), lambda i: (i, 0)),
        ],
        out_specs=pl.BlockSpec((rb, DP), lambda i: (i, 0)),
        out_shape=jax.ShapeDtypeStruct((B_PAD, DP), jnp.float32),
    )(stats, gn_weight.reshape(1, D), gn_bias.reshape(1, D),
      gn_mean_scale.reshape(1, D), h)

    return out_pad[:n_total, :D]

# --- scband reference (transcript-rebuilt; emitter-appended) ---
"""Pipeline reference for scband-sub-graph-cl-86706799772232 (READ-ONLY COPY).

The authoritative reference and input builder live on the scoring server;
editing this copy changes nothing except your own understanding.
"""

import jax, jax.numpy as jnp
import numpy as np

NUM_NODES = 50000
NUM_EDGES = 800000
NUM_ATTR = 1000000
FEAT_DIM = 64


def _graph_norm(h, weight, bias, mean_scale, eps=1e-5):
    # torch_geometric-style GraphNorm over a single graph (all nodes form one segment)
    mean = jnp.mean(h, axis=0, keepdims=True)
    out = h - mean * mean_scale
    var = jnp.mean(out * out, axis=0, keepdims=True)
    return weight * out / jnp.sqrt(var + eps) + bias


def setup_inputs(seed: int = 0) -> dict:
    key = jax.random.key(seed)
    k1, k2, k3, k4, k5, k6 = jax.random.split(key, 6)
    x = jax.random.randint(k1, (NUM_NODES,), 0, NUM_ATTR, dtype=jnp.int64)
    edge_index = jax.random.randint(k2, (2, NUM_EDGES), 0, NUM_NODES, dtype=jnp.int64)
    edge_weight = jax.random.uniform(k3, (NUM_EDGES,), dtype=jnp.float32)
    subG_nodes = jax.random.randint(k4, (1024,), 0, NUM_NODES, dtype=jnp.int64)
    batch_nodes = jax.random.randint(k5, (1024,), 0, NUM_NODES, dtype=jnp.int64)
    batch_nodes_mask = jnp.ones((1024,), dtype=bool)
    # learned parameters
    emb_table = jax.random.normal(k6, (NUM_ATTR, FEAT_DIM), dtype=jnp.float32)
    gn_weight = jnp.ones((FEAT_DIM,), dtype=jnp.float32)
    gn_bias = jnp.zeros((FEAT_DIM,), dtype=jnp.float32)
    gn_mean_scale = jnp.ones((FEAT_DIM,), dtype=jnp.float32)
    return {
        'x': x, 'edge_index': edge_index, 'edge_weight': edge_weight,
        'subG_nodes': subG_nodes, 'batch_nodes': batch_nodes,
        'batch_nodes_mask': batch_nodes_mask,
        'emb_table': emb_table, 'gn_weight': gn_weight,
        'gn_bias': gn_bias, 'gn_mean_scale': gn_mean_scale,
    }


def reference(x, edge_index, edge_weight, subG_nodes, batch_nodes, batch_nodes_mask,
              emb_table, gn_weight, gn_bias, gn_mean_scale):
    num_nodes = x.shape[0]
    h = jnp.take(emb_table, x, axis=0).reshape(num_nodes, -1)
    h = _graph_norm(h, gn_weight, gn_bias, gn_mean_scale)
    # original code applies the graph norm a second time under `if self.input_gn:`
    h = _graph_norm(h, gn_weight, gn_bias, gn_mean_scale)
    return h

if __name__ == "__main__":
    import jax
    _d = setup_inputs()
    print(jax.jit(kernel)(*tuple(_d.values())))

</pallas_src>

<mosaic_0001>
#map = affine_map<(d0, d1) -> (0, 0, 0)>
#map1 = affine_map<(d0, d1) -> (0, 0)>
module attributes {stable_mosaic.version = 14 : i64} {
  func.func @_sc_gather_stats(%arg0: i32, %arg1: i32, %arg2: memref<32x13x128xi32, #tpu.memory_space<hbm>>, %arg3: memref<1000000x128xf32, #tpu.memory_space<hbm>>, %arg4: memref<53248x128xf32, #tpu.memory_space<hbm>>, %arg5: memref<2x32x64xf32, #tpu.memory_space<hbm>>, %arg6: memref<13x128xi32, #tpu.memory_space<vmem>>, %arg7: memref<2x128x128xf32, #tpu.memory_space<vmem>>, %arg8: memref<2x64xf32, #tpu.memory_space<vmem>>, %arg9: memref<!tpu.dma_semaphore, #tpu.memory_space<semaphore_mem>>, %arg10: memref<!tpu.dma_semaphore, #tpu.memory_space<semaphore_mem>>, %arg11: memref<!tpu.dma_semaphore, #tpu.memory_space<semaphore_mem>>, %arg12: memref<!tpu.dma_semaphore, #tpu.memory_space<semaphore_mem>>) attributes {dimension_semantics = [#tpu.dimension_semantics<core_parallel>, #tpu.dimension_semantics<subcore_parallel>], iteration_bounds = array<i64: 2, 16>, scalar_prefetch = 0 : i64, scratch_operands = 7 : i64, tpu.core_type = #tpu.core_type<sc_vector_subcore>, window_params = [{transform_indices = #map}, {transform_indices = #map1}, {transform_indices = #map1}, {transform_indices = #map}]} {
    %mul3A = arith.constant 2 : i32
    %mul3A_0 = arith.muli %arg1, %mul3A : i32
    %add3A = arith.addi %mul3A_0, %arg0 : i32
    %mul3A_1 = arith.constant 1664 : i32
    %mul3A_2 = arith.muli %add3A, %mul3A_1 : i32
    %sub3A = arith.constant 50000 : i32
    %sub3A_3 = arith.subi %sub3A, %mul3A_2 : i32
    %min3A = arith.constant 1664 : i32
    %min3A_4 = arith.minsi %min3A, %sub3A_3 : i32
    %max3A = arith.constant 0 : i32
    %max3A_5 = arith.maxsi %max3A, %min3A_4 : i32
    "tpu.region"() ({
      %run_scoped3A_951 = tpu.sem_alloc : memref<!tpu.dma_semaphore, #tpu.memory_space<semaphore_mem>>
      %dma_start3A_952 = arith.constant 0 : i32
      %dma_start3A_953 = arith.constant 0 : i32
      %dma_start3A_954 = tpu.memref_slice %arg2[%add3A, %dma_start3A_952, %dma_start3A_953] : memref<32x13x128xi32, #tpu.memory_space<hbm>> -> memref<1x13x128xi32, #tpu.memory_space<hbm>>
      %dma_start3A_955 = tpu.memref_squeeze %dma_start3A_954 : memref<1x13x128xi32, #tpu.memory_space<hbm>> -> memref<13x128xi32, #tpu.memory_space<hbm>>
      %dma_start3A_956 = arith.constant 0 : i32
      %dma_start3A_957 = arith.constant 0 : i32
      %dma_start3A_958 = tpu.memref_slice %arg2[%add3A, %dma_start3A_956, %dma_start3A_957] : memref<32x13x128xi32, #tpu.memory_space<hbm>> -> memref<1x13x128xi32, #tpu.memory_space<hbm>>
      %dma_start3A_959 = tpu.memref_squeeze %dma_start3A_958 : memref<1x13x128xi32, #tpu.memory_space<hbm>> -> memref<13x128xi32, #tpu.memory_space<hbm>>
      tpu.enqueue_dma source(%dma_start3A_959 : memref<13x128xi32, #tpu.memory_space<hbm>>) target(%arg6 : memref<13x128xi32, #tpu.memory_space<vmem>>) target_semaphore(%run_scoped3A_951 : memref<!tpu.dma_semaphore, #tpu.memory_space<semaphore_mem>>)
      %dma_wait3A_960 = arith.constant 0 : i32
      %dma_wait3A_961 = arith.constant 0 : i32
      %dma_wait3A_962 = tpu.memref_slice %arg2[%add3A, %dma_wait3A_960, %dma_wait3A_961] : memref<32x13x128xi32, #tpu.memory_space<hbm>> -> memref<1x13x128xi32, #tpu.memory_space<hbm>>
      %dma_wait3A_963 = tpu.memref_squeeze %dma_wait3A_962 : memref<1x13x128xi32, #tpu.memory_space<hbm>> -> memref<13x128xi32, #tpu.memory_space<hbm>>
      %dma_wait3A_964 = arith.constant 0 : i32
      %dma_wait3A_965 = arith.constant 0 : i32
      %dma_wait3A_966 = tpu.memref_slice %arg2[%add3A, %dma_wait3A_964, %dma_wait3A_965] : memref<32x13x128xi32, #tpu.memory_space<hbm>> -> memref<1x13x128xi32, #tpu.memory_space<hbm>>
      %dma_wait3A_967 = tpu.memref_squeeze %dma_wait3A_966 : memref<1x13x128xi32, #tpu.memory_space<hbm>> -> memref<13x128xi32, #tpu.memory_space<hbm>>
      tpu.wait_dma2 semaphore(%run_scoped3A_951 : memref<!tpu.dma_semaphore, #tpu.memory_space<semaphore_mem>>) src(%dma_wait3A_967 : memref<13x128xi32, #tpu.memory_space<hbm>>) dst(%arg6 : memref<13x128xi32, #tpu.memory_space<vmem>>)
      tpu.yield
    }) : () -> ()
    %broadcast_in_dim3A = arith.constant 0.000000e+00 : f32
    %broadcast_in_dim3A_6 = vector.broadcast %broadcast_in_dim3A : f32 to vector<16xf32>
    %dma_start3A = arith.constant 0 : i32
    %dma_start3A_7 = arith.constant 0 : i32
    %dma_start3A_8 = arith.constant 0 : i32
    %dma_start3A_9 = arith.constant 0 : i32
    %dma_start3A_10 = tpu.memref_slice %arg7[%dma_start3A_7, %dma_start3A_8, %dma_start3A_9] : memref<2x128x128xf32, #tpu.memory_space<vmem>> -> memref<1x128x128xf32, #tpu.memory_space<vmem>>
    %dma_start3A_11 = tpu.memref_squeeze %dma_start3A_10 : memref<1x128x128xf32, #tpu.memory_space<vmem>> -> memref<128x128xf32, #tpu.memory_space<vmem>>
    %dma_start3A_12 = arith.constant 0 : i32
    %dma_start3A_13 = tpu.memref_slice %arg6[%dma_start3A, %dma_start3A_12] : memref<13x128xi32, #tpu.memory_space<vmem>> -> memref<1x128xi32, #tpu.memory_space<vmem>>
    %dma_start3A_14 = tpu.memref_squeeze %dma_start3A_13 : memref<1x128xi32, #tpu.memory_space<vmem>> -> memref<128xi32, #tpu.memory_space<vmem>>
    %dma_start3A_15 = arith.constant 0 : i32
    %dma_start3A_16 = arith.constant 0 : i32
    %dma_start3A_17 = tpu.memref_slice %arg3[%dma_start3A_15, %dma_start3A_16] : memref<1000000x128xf32, #tpu.memory_space<hbm>> -> memref<1000000x128xf32, #tpu.memory_space<hbm>>
    tpu.enqueue_indirect_dma source(%dma_start3A_17 : memref<1000000x128xf32, #tpu.memory_space<hbm>>) target(%dma_start3A_11 : memref<128x128xf32, #tpu.memory_space<vmem>>) offsets(%dma_start3A_14 : memref<128xi32, #tpu.memory_space<vmem>>) semaphore(%arg9 : memref<!tpu.dma_semaphore, #tpu.memory_space<semaphore_mem>>)
    %dma_start3A_18 = arith.constant 1 : i32
    %dma_start3A_19 = arith.constant 1 : i32
    %dma_start3A_20 = arith.constant 0 : i32
    %dma_start3A_21 = arith.constant 0 : i32
    %dma_start3A_22 = tpu.memref_slice %arg7[%dma_start3A_19, %dma_start3A_20, %dma_start3A_21] : memref<2x128x128xf32, #tpu.memory_space<vmem>> -> memref<1x128x128xf32, #tpu.memory_space<vmem>>
    %dma_start3A_23 = tpu.memref_squeeze %dma_start3A_22 : memref<1x128x128xf32, #tpu.memory_space<vmem>> -> memref<128x128xf32, #tpu.memory_space<vmem>>
    %dma_start3A_24 = arith.constant 0 : i32
    %dma_start3A_25 = tpu.memref_slice %arg6[%dma_start3A_18, %dma_start3A_24] : memref<13x128xi32, #tpu.memory_space<vmem>> -> memref<1x128xi32, #tpu.memory_space<vmem>>
    %dma_start3A_26 = tpu.memref_squeeze %dma_start3A_25 : memref<1x128xi32, #tpu.memory_space<vmem>> -> memref<128xi32, #tpu.memory_space<vmem>>
    %dma_start3A_27 = arith.constant 0 : i32
    %dma_start3A_28 = arith.constant 0 : i32
    %dma_start3A_29 = tpu.memref_slice %arg3[%dma_start3A_27, %dma_start3A_28] : memref<1000000x128xf32, #tpu.memory_space<hbm>> -> memref<1000000x128xf32, #tpu.memory_space<hbm>>
    tpu.enqueue_indirect_dma source(%dma_start3A_29 : memref<1000000x128xf32, #tpu.memory_space<hbm>>) target(%dma_start3A_23 : memref<128x128xf32, #tpu.memory_space<vmem>>) offsets(%dma_start3A_26 : memref<128xi32, #tpu.memory_space<vmem>>) semaphore(%arg10 : memref<!tpu.dma_semaphore, #tpu.memory_space<semaphore_mem>>)
    %dma_wait3A = arith.constant 0 : i32
    %dma_wait3A_30 = arith.constant 0 : i32
    %dma_wait3A_31 = arith.constant 0 : i32
    %dma_wait3A_32 = arith.constant 0 : i32
    %dma_wait3A_33 = tpu.memref_slice %arg7[%dma_wait3A_30, %dma_wait3A_31, %dma_wait3A_32] : memref<2x128x128xf32, #tpu.memory_space<vmem>> -> memref<1x128x128xf32, #tpu.memory_space<vmem>>
    %dma_wait3A_34 = tpu.memref_squeeze %dma_wait3A_33 : memref<1x128x128xf32, #tpu.memory_space<vmem>> -> memref<128x128xf32, #tpu.memory_space<vmem>>
    %dma_wait3A_35 = arith.constant 0 : i32
    %dma_wait3A_36 = tpu.memref_slice %arg6[%dma_wait3A, %dma_wait3A_35] : memref<13x128xi32, #tpu.memory_space<vmem>> -> memref<1x128xi32, #tpu.memory_space<vmem>>
    %dma_wait3A_37 = tpu.memref_squeeze %dma_wait3A_36 : memref<1x128xi32, #tpu.memory_space<vmem>> -> memref<128xi32, #tpu.memory_space<vmem>>
    %dma_wait3A_38 = arith.constant 0 : i32
    %dma_wait3A_39 = arith.constant 0 : i32
    %dma_wait3A_40 = tpu.memref_slice %arg3[%dma_wait3A_38, %dma_wait3A_39] : memref<1000000x128xf32, #tpu.memory_space<hbm>> -> memref<1000000x128xf32, #tpu.memory_space<hbm>>
    tpu.wait_indirect_dma semaphore(%arg9 : memref<!tpu.dma_semaphore, #tpu.memory_space<semaphore_mem>>) src(%dma_wait3A_40 : memref<1000000x128xf32, #tpu.memory_space<hbm>>) dst(%dma_wait3A_34 : memref<128x128xf32, #tpu.memory_space<vmem>>)
    %sub3A_41 = arith.constant 0 : i32
    %sub3A_42 = arith.subi %max3A_5, %sub3A_41 : i32
    %min3A_43 = arith.constant 128 : i32
    %min3A_44 = arith.minsi %min3A_43, %sub3A_42 : i32
    %max3A_45 = arith.constant 0 : i32
    %max3A_46 = arith.maxsi %max3A_45, %min3A_44 : i32
    %while3A = arith.constant 0 : i32
    %while3A_47 = arith.subi %max3A_46, %while3A : i32
    %while3A_48 = arith.addi %while3A, %while3A_47 : i32
    %while3A_49 = arith.constant 1 : i32
    %while3A_50 = arith.divsi %while3A_47, %while3A_49 : i32
    %while3A_51 = arith.muli %while3A_50, %while3A_49 : i32
    %while3A_52 = arith.addi %while3A, %while3A_51 : i32
    %while3A_53 = arith.constant 1 : i32
    %while3A_54:8 = scf.for %while3A_951 = %while3A to %while3A_52 step %while3A_53 iter_args(%while3A_952 = %broadcast_in_dim3A_6, %while3A_953 = %broadcast_in_dim3A_6, %while3A_954 = %broadcast_in_dim3A_6, %while3A_955 = %broadcast_in_dim3A_6, %while3A_956 = %broadcast_in_dim3A_6, %while3A_957 = %broadcast_in_dim3A_6, %while3A_958 = %broadcast_in_dim3A_6, %while3A_959 = %broadcast_in_dim3A_6) -> (vector<16xf32>, vector<16xf32>, vector<16xf32>, vector<16xf32>, vector<16xf32>, vector<16xf32>, vector<16xf32>, vector<16xf32>)  : i32 {
      %get3A = arith.constant 0 : i32
      %get3A_960 = arith.index_cast %get3A : i32 to index
      %get3A_961 = arith.index_cast %while3A_951 : i32 to index
      %get3A_962 = arith.constant 0 : index
      %get3A_963 = tpu.vector_load %arg7[%get3A_960, %get3A_961, %get3A_962] {strides = array<i32>} : memref<2x128x128xf32, #tpu.memory_space<vmem>>, vector<1x1x16xf32>,
      %get3A_964 = vector.shape_cast %get3A_963 : vector<1x1x16xf32> to vector<16xf32>
      %add3A_965 = arith.addf %while3A_952, %get3A_964 : vector<16xf32>
      %mul3A_966 = arith.mulf %get3A_964, %get3A_964 : vector<16xf32>
      %add3A_967 = arith.addf %while3A_956, %mul3A_966 : vector<16xf32>
      %get3A_968 = arith.constant 0 : i32
      %get3A_969 = arith.index_cast %get3A_968 : i32 to index
      %get3A_970 = arith.index_cast %while3A_951 : i32 to index
      %get3A_971 = arith.constant 16 : index
      %get3A_972 = tpu.vector_load %arg7[%get3A_969, %get3A_970, %get3A_971] {strides = array<i32>} : memref<2x128x128xf32, #tpu.memory_space<vmem>>, vector<1x1x16xf32>,
      %get3A_973 = vector.shape_cast %get3A_972 : vector<1x1x16xf32> to vector<16xf32>
      %add3A_974 = arith.addf %while3A_953, %get3A_973 : vector<16xf32>
      %mul3A_975 = arith.mulf %get3A_973, %get3A_973 : vector<16xf32>
      %add3A_976 = arith.addf %while3A_957, %mul3A_975 : vector<16xf32>
      %get3A_977 = arith.constant 0 : i32
      %get3A_978 = arith.index_cast %get3A_977 : i32 to index
      %get3A_979 = arith.index_cast %while3A_951 : i32 to index
      %get3A_980 = arith.constant 32 : index
      %get3A_981 = tpu.vector_load %arg7[%get3A_978, %get3A_979, %get3A_980] {strides = array<i32>} : memref<2x128x128xf32, #tpu.memory_space<vmem>>, vector<1x1x16xf32>,
      %get3A_982 = vector.shape_cast %get3A_981 : vector<1x1x16xf32> to vector<16xf32>
      %add3A_983 = arith.addf %while3A_954, %get3A_982 : vector<16xf32>
      %mul3A_984 = arith.mulf %get3A_982, %get3A_982 : vector<16xf32>
      %add3A_985 = arith.addf %while3A_958, %mul3A_984 : vector<16xf32>
      %get3A_986 = arith.constant 0 : i32
      %get3A_987 = arith.index_cast %get3A_986 : i32 to index
      %get3A_988 = arith.index_cast %while3A_951 : i32 to index
      %get3A_989 = arith.constant 48 : index
      %get3A_990 = tpu.vector_load %arg7[%get3A_987, %get3A_988, %get3A_989] {strides = array<i32>} : memref<2x128x128xf32, #tpu.memory_space<vmem>>, vector<1x1x16xf32>,
      %get3A_991 = vector.shape_cast %get3A_990 : vector<1x1x16xf32> to vector<16xf32>
      %add3A_992 = arith.addf %while3A_955, %get3A_991 : vector<16xf32>
      %mul3A_993 = arith.mulf %get3A_991, %get3A_991 : vector<16xf32>
      %add3A_994 = arith.addf %while3A_959, %mul3A_993 : vector<16xf32>
      scf.yield %add3A_965, %add3A_974, %add3A_983, %add3A_992, %add3A_967, %add3A_976, %add3A_985, %add3A_994 : vector<16xf32>, vector<16xf32>, vector<16xf32>, vector<16xf32>, vector<16xf32>, vector<16xf32>, vector<16xf32>, vector<16xf32>
    }
    %while3A_55 = arith.constant 1 : i32
    %while3A_56:8 = scf.for %while3A_951 = %while3A_52 to %while3A_48 step %while3A_55 iter_args(%while3A_952 = %while3A_54#0, %while3A_953 = %while3A_54#1, %while3A_954 = %while3A_54#2, %while3A_955 = %while3A_54#3, %while3A_956 = %while3A_54#4, %while3A_957 = %while3A_54#5, %while3A_958 = %while3A_54#6, %while3A_959 = %while3A_54#7) -> (vector<16xf32>, vector<16xf32>, vector<16xf32>, vector<16xf32>, vector<16xf32>, vector<16xf32>, vector<16xf32>, vector<16xf32>)  : i32 {
      %get3A = arith.constant 0 : i32
      %get3A_960 = arith.index_cast %get3A : i32 to index
      %get3A_961 = arith.index_cast %while3A_951 : i32 to index
      %get3A_962 = arith.constant 0 : index
      %get3A_963 = tpu.vector_load %arg7[%get3A_960, %get3A_961, %get3A_962] {strides = array<i32>} : memref<2x128x128xf32, #tpu.memory_space<vmem>>, vector<1x1x16xf32>,
      %get3A_964 = vector.shape_cast %get3A_963 : vector<1x1x16xf32> to vector<16xf32>
      %add3A_965 = arith.addf %while3A_952, %get3A_964 : vector<16xf32>
      %mul3A_966 = arith.mulf %get3A_964, %get3A_964 : vector<16xf32>
      %add3A_967 = arith.addf %while3A_956, %mul3A_966 : vector<16xf32>
      %get3A_968 = arith.constant 0 : i32
      %get3A_969 = arith.index_cast %get3A_968 : i32 to index
      %get3A_970 = arith.index_cast %while3A_951 : i32 to index
      %get3A_971 = arith.constant 16 : index
      %get3A_972 = tpu.vector_load %arg7[%get3A_969, %get3A_970, %get3A_971] {strides = array<i32>} : memref<2x128x128xf32, #tpu.memory_space<vmem>>, vector<1x1x16xf32>,
      %get3A_973 = vector.shape_cast %get3A_972 : vector<1x1x16xf32> to vector<16xf32>
      %add3A_974 = arith.addf %while3A_953, %get3A_973 : vector<16xf32>
      %mul3A_975 = arith.mulf %get3A_973, %get3A_973 : vector<16xf32>
      %add3A_976 = arith.addf %while3A_957, %mul3A_975 : vector<16xf32>
      %get3A_977 = arith.constant 0 : i32
      %get3A_978 = arith.index_cast %get3A_977 : i32 to index
      %get3A_979 = arith.index_cast %while3A_951 : i32 to index
      %get3A_980 = arith.constant 32 : index
      %get3A_981 = tpu.vector_load %arg7[%get3A_978, %get3A_979, %get3A_980] {strides = array<i32>} : memref<2x128x128xf32, #tpu.memory_space<vmem>>, vector<1x1x16xf32>,
      %get3A_982 = vector.shape_cast %get3A_981 : vector<1x1x16xf32> to vector<16xf32>
      %add3A_983 = arith.addf %while3A_954, %get3A_982 : vector<16xf32>
      %mul3A_984 = arith.mulf %get3A_982, %get3A_982 : vector<16xf32>
      %add3A_985 = arith.addf %while3A_958, %mul3A_984 : vector<16xf32>
      %get3A_986 = arith.constant 0 : i32
      %get3A_987 = arith.index_cast %get3A_986 : i32 to index
      %get3A_988 = arith.index_cast %while3A_951 : i32 to index
      %get3A_989 = arith.constant 48 : index
      %get3A_990 = tpu.vector_load %arg7[%get3A_987, %get3A_988, %get3A_989] {strides = array<i32>} : memref<2x128x128xf32, #tpu.memory_space<vmem>>, vector<1x1x16xf32>,
      %get3A_991 = vector.shape_cast %get3A_990 : vector<1x1x16xf32> to vector<16xf32>
      %add3A_992 = arith.addf %while3A_955, %get3A_991 : vector<16xf32>
      %mul3A_993 = arith.mulf %get3A_991, %get3A_991 : vector<16xf32>
      %add3A_994 = arith.addf %while3A_959, %mul3A_993 : vector<16xf32>
      scf.yield %add3A_965, %add3A_974, %add3A_983, %add3A_992, %add3A_967, %add3A_976, %add3A_985, %add3A_994 : vector<16xf32>, vector<16xf32>, vector<16xf32>, vector<16xf32>, vector<16xf32>, vector<16xf32>, vector<16xf32>, vector<16xf32>
    }
    %add3A_57 = arith.constant 0 : i32
    %add3A_58 = arith.addi %mul3A_2, %add3A_57 : i32
    %dma_start3A_59 = arith.constant 0 : i32
    %dma_start3A_60 = arith.constant 0 : i32
    %dma_start3A_61 = arith.constant 0 : i32
    %dma_start3A_62 = tpu.memref_slice %arg7[%dma_start3A_59, %dma_start3A_60, %dma_start3A_61] : memref<2x128x128xf32, #tpu.memory_space<vmem>> -> memref<1x128x128xf32, #tpu.memory_space<vmem>>
    %dma_start3A_63 = tpu.memref_squeeze %dma_start3A_62 : memref<1x128x128xf32, #tpu.memory_space<vmem>> -> memref<128x128xf32, #tpu.memory_space<vmem>>
    %dma_start3A_64 = arith.constant 0 : i32
    %dma_start3A_65 = tpu.memref_slice %arg4[%add3A_58, %dma_start3A_64] : memref<53248x128xf32, #tpu.memory_space<hbm>> -> memref<128x128xf32, #tpu.memory_space<hbm>>
    %dma_start3A_66 = arith.constant 0 : i32
    %dma_start3A_67 = tpu.memref_slice %arg4[%add3A_58, %dma_start3A_66] : memref<53248x128xf32, #tpu.memory_space<hbm>> -> memref<128x128xf32, #tpu.memory_space<hbm>>
    %dma_start3A_68 = arith.constant 0 : i32
    %dma_start3A_69 = arith.constant 0 : i32
    %dma_start3A_70 = tpu.memref_slice %arg7[%dma_start3A_59, %dma_start3A_68, %dma_start3A_69] : memref<2x128x128xf32, #tpu.memory_space<vmem>> -> memref<1x128x128xf32, #tpu.memory_space<vmem>>
    %dma_start3A_71 = tpu.memref_squeeze %dma_start3A_70 : memref<1x128x128xf32, #tpu.memory_space<vmem>> -> memref<128x128xf32, #tpu.memory_space<vmem>>
    tpu.enqueue_dma source(%dma_start3A_71 : memref<128x128xf32, #tpu.memory_space<vmem>>) target(%dma_start3A_67 : memref<128x128xf32, #tpu.memory_space<hbm>>) target_semaphore(%arg11 : memref<!tpu.dma_semaphore, #tpu.memory_space<semaphore_mem>>)
    %dma_wait3A_72 = arith.constant 0 : i32
    %dma_wait3A_73 = arith.constant 0 : i32
    %dma_wait3A_74 = arith.constant 0 : i32
    %dma_wait3A_75 = tpu.memref_slice %arg7[%dma_wait3A_72, %dma_wait3A_73, %dma_wait3A_74] : memref<2x128x128xf32, #tpu.memory_space<vmem>> -> memref<1x128x128xf32, #tpu.memory_space<vmem>>
    %dma_wait3A_76 = tpu.memref_squeeze %dma_wait3A_75 : memref<1x128x128xf32, #tpu.memory_space<vmem>> -> memref<128x128xf32, #tpu.memory_space<vmem>>
    %dma_wait3A_77 = arith.constant 0 : i32
    %dma_wait3A_78 = tpu.memref_slice %arg4[%add3A_58, %dma_wait3A_77] : memref<53248x128xf32, #tpu.memory_space<hbm>> -> memref<128x128xf32, #tpu.memory_space<hbm>>
    %dma_wait3A_79 = arith.constant 0 : i32
    %dma_wait3A_80 = tpu.memref_slice %arg4[%add3A_58, %dma_wait3A_79] : memref<53248x128xf32, #tpu.memory_space<hbm>> -> memref<128x128xf32, #tpu.memory_space<hbm>>
    %dma_wait3A_81 = arith.constant 0 : i32
    %dma_wait3A_82 = arith.constant 0 : i32
    %dma_wait3A_83 = tpu.memref_slice %arg7[%dma_wait3A_72, %dma_wait3A_81, %dma_wait3A_82] : memref<2x128x128xf32, #tpu.memory_space<vmem>> -> memref<1x128x128xf32, #tpu.memory_space<vmem>>
    %dma_wait3A_84 = tpu.memref_squeeze %dma_wait3A_83 : memref<1x128x128xf32, #tpu.memory_space<vmem>> -> memref<128x128xf32, #tpu.memory_space<vmem>>
    tpu.wait_dma2 semaphore(%arg11 : memref<!tpu.dma_semaphore, #tpu.memory_space<semaphore_mem>>) src(%dma_wait3A_84 : memref<128x128xf32, #tpu.memory_space<vmem>>) dst(%dma_wait3A_80 : memref<128x128xf32, #tpu.memory_space<hbm>>)
    %dma_start3A_85 = arith.constant 2 : i32
    %dma_start3A_86 = arith.constant 0 : i32
    %dma_start3A_87 = arith.constant 0 : i32
    %dma_start3A_88 = arith.constant 0 : i32
    %dma_start3A_89 = tpu.memref_slice %arg7[%dma_start3A_86, %dma_start3A_87, %dma_start3A_88] : memref<2x128x128xf32, #tpu.memory_space<vmem>> -> memref<1x128x128xf32, #tpu.memory_space<vmem>>
    %dma_start3A_90 = tpu.memref_squeeze %dma_start3A_89 : memref<1x128x128xf32, #tpu.memory_space<vmem>> -> memref<128x128xf32, #tpu.memory_space<vmem>>
    %dma_start3A_91 = arith.constant 0 : i32
    %dma_start3A_92 = tpu.memref_slice %arg6[%dma_start3A_85, %dma_start3A_91] : memref<13x128xi32, #tpu.memory_space<vmem>> -> memref<1x128xi32, #tpu.memory_space<vmem>>
    %dma_start3A_93 = tpu.memref_squeeze %dma_start3A_92 : memref<1x128xi32, #tpu.memory_space<vmem>> -> memref<128xi32, #tpu.memory_space<vmem>>
    %dma_start3A_94 = arith.constant 0 : i32
    %dma_start3A_95 = arith.constant 0 : i32
    %dma_start3A_96 = tpu.memref_slice %arg3[%dma_start3A_94, %dma_start3A_95] : memref<1000000x128xf32, #tpu.memory_space<hbm>> -> memref<1000000x128xf32, #tpu.memory_space<hbm>>
    tpu.enqueue_indirect_dma source(%dma_start3A_96 : memref<1000000x128xf32, #tpu.memory_space<hbm>>) target(%dma_start3A_90 : memref<128x128xf32, #tpu.memory_space<vmem>>) offsets(%dma_start3A_93 : memref<128xi32, #tpu.memory_space<vmem>>) semaphore(%arg9 : memref<!tpu.dma_semaphore, #tpu.memory_space<semaphore_mem>>)
    %dma_wait3A_97 = arith.constant 1 : i32
    %dma_wait3A_98 = arith.constant 1 : i32
    %dma_wait3A_99 = arith.constant 0 : i32
    %dma_wait3A_100 = arith.constant 0 : i32
    %dma_wait3A_101 = tpu.memref_slice %arg7[%dma_wait3A_98, %dma_wait3A_99, %dma_wait3A_100] : memref<2x128x128xf32, #tpu.memory_space<vmem>> -> memref<1x128x128xf32, #tpu.memory_space<vmem>>
    %dma_wait3A_102 = tpu.memref_squeeze %dma_wait3A_101 : memref<1x128x128xf32, #tpu.memory_space<vmem>> -> memref<128x128xf32, #tpu.memory_space<vmem>>
    %dma_wait3A_103 = arith.constant 0 : i32
    %dma_wait3A_104 = tpu.memref_slice %arg6[%dma_wait3A_97, %dma_wait3A_103] : memref<13x128xi32, #tpu.memory_space<vmem>> -> memref<1x128xi32, #tpu.memory_space<vmem>>
    %dma_wait3A_105 = tpu.memref_squeeze %dma_wait3A_104 : memref<1x128xi32, #tpu.memory_space<vmem>> -> memref<128xi32, #tpu.memory_space<vmem>>
    %dma_wait3A_106 = arith.constant 0 : i32
    %dma_wait3A_107 = arith.constant 0 : i32
    %dma_wait3A_108 = tpu.memref_slice %arg3[%dma_wait3A_106, %dma_wait3A_107] : memref<1000000x128xf32, #tpu.memory_space<hbm>> -> memref<1000000x128xf32, #tpu.memory_space<hbm>>
    tpu.wait_indirect_dma semaphore(%arg10 : memref<!tpu.dma_semaphore, #tpu.memory_space<semaphore_mem>>) src(%dma_wait3A_108 : memref<1000000x128xf32, #tpu.memory_space<hbm>>) dst(%dma_wait3A_102 : memref<128x128xf32, #tpu.memory_space<vmem>>)
    %sub3A_109 = arith.constant 128 : i32
    %sub3A_110 = arith.subi %max3A_5, %sub3A_109 : i32
    %min3A_111 = arith.constant 128 : i32
    %min3A_112 = arith.minsi %min3A_111, %sub3A_110 : i32
    %max3A_113 = arith.constant 0 : i32
    %max3A_114 = arith.maxsi %max3A_113, %min3A_112 : i32
    %while3A_115 = arith.constant 0 : i32
    %while3A_116 = arith.subi %max3A_114, %while3A_115 : i32
    %while3A_117 = arith.addi %while3A_115, %while3A_116 : i32
    %while3A_118 = arith.constant 1 : i32
    %while3A_119 = arith.divsi %while3A_116, %while3A_118 : i32
    %while3A_120 = arith.muli %while3A_119, %while3A_118 : i32
    %while3A_121 = arith.addi %while3A_115, %while3A_120 : i32
    %while3A_122 = arith.constant 1 : i32
    %while3A_123:8 = scf.for %while3A_951 = %while3A_115 to %while3A_121 step %while3A_122 iter_args(%while3A_952 = %while3A_56#0, %while3A_953 = %while3A_56#1, %while3A_954 = %while3A_56#2, %while3A_955 = %while3A_56#3, %while3A_956 = %while3A_56#4, %while3A_957 = %while3A_56#5, %while3A_958 = %while3A_56#6, %while3A_959 = %while3A_56#7) -> (vector<16xf32>, vector<16xf32>, vector<16xf32>, vector<16xf32>, vector<16xf32>, vector<16xf32>, vector<16xf32>, vector<16xf32>)  : i32 {
      %get3A = arith.constant 1 : i32
      %get3A_960 = arith.index_cast %get3A : i32 to index
      %get3A_961 = arith.index_cast %while3A_951 : i32 to index
      %get3A_962 = arith.constant 0 : index
      %get3A_963 = tpu.vector_load %arg7[%get3A_960, %get3A_961, %get3A_962] {strides = array<i32>} : memref<2x128x128xf32, #tpu.memory_space<vmem>>, vector<1x1x16xf32>,
      %get3A_964 = vector.shape_cast %get3A_963 : vector<1x1x16xf32> to vector<16xf32>
      %add3A_965 = arith.addf %while3A_952, %get3A_964 : vector<16xf32>
      %mul3A_966 = arith.mulf %get3A_964, %get3A_964 : vector<16xf32>
      %add3A_967 = arith.addf %while3A_956, %mul3A_966 : vector<16xf32>
      %get3A_968 = arith.constant 1 : i32
      %get3A_969 = arith.index_cast %get3A_968 : i32 to index
      %get3A_970 = arith.index_cast %while3A_951 : i32 to index
      %get3A_971 = arith.constant 16 : index
      %get3A_972 = tpu.vector_load %arg7[%get3A_969, %get3A_970, %get3A_971] {strides = array<i32>} : memref<2x128x128xf32, #tpu.memory_space<vmem>>, vector<1x1x16xf32>,
      %get3A_973 = vector.shape_cast %get3A_972 : vector<1x1x16xf32> to vector<16xf32>
      %add3A_974 = arith.addf %while3A_953, %get3A_973 : vector<16xf32>
      %mul3A_975 = arith.mulf %get3A_973, %get3A_973 : vector<16xf32>
      %add3A_976 = arith.addf %while3A_957, %mul3A_975 : vector<16xf32>
      %get3A_977 = arith.constant 1 : i32
      %get3A_978 = arith.index_cast %get3A_977 : i32 to index
      %get3A_979 = arith.index_cast %while3A_951 : i32 to index
      %get3A_980 = arith.constant 32 : index
      %get3A_981 = tpu.vector_load %arg7[%get3A_978, %get3A_979, %get3A_980] {strides = array<i32>} : memref<2x128x128xf32, #tpu.memory_space<vmem>>, vector<1x1x16xf32>,
      %get3A_982 = vector.shape_cast %get3A_981 : vector<1x1x16xf32> to vector<16xf32>
      %add3A_983 = arith.addf %while3A_954, %get3A_982 : vector<16xf32>
      %mul3A_984 = arith.mulf %get3A_982, %get3A_982 : vector<16xf32>
      %add3A_985 = arith.addf %while3A_958, %mul3A_984 : vector<16xf32>
      %get3A_986 = arith.constant 1 : i32
      %get3A_987 = arith.index_cast %get3A_986 : i32 to index
      %get3A_988 = arith.index_cast %while3A_951 : i32 to index
      %get3A_989 = arith.constant 48 : index
      %get3A_990 = tpu.vector_load %arg7[%get3A_987, %get3A_988, %get3A_989] {strides = array<i32>} : memref<2x128x128xf32, #tpu.memory_space<vmem>>, vector<1x1x16xf32>,
      %get3A_991 = vector.shape_cast %get3A_990 : vector<1x1x16xf32> to vector<16xf32>
      %add3A_992 = arith.addf %while3A_955, %get3A_991 : vector<16xf32>
      %mul3A_993 = arith.mulf %get3A_991, %get3A_991 : vector<16xf32>
      %add3A_994 = arith.addf %while3A_959, %mul3A_993 : vector<16xf32>
      scf.yield %add3A_965, %add3A_974, %add3A_983, %add3A_992, %add3A_967, %add3A_976, %add3A_985, %add3A_994 : vector<16xf32>, vector<16xf32>, vector<16xf32>, vector<16xf32>, vector<16xf32>, vector<16xf32>, vector<16xf32>, vector<16xf32>
    }
    %while3A_124 = arith.constant 1 : i32
    %while3A_125:8 = scf.for %while3A_951 = %while3A_121 to %while3A_117 step %while3A_124 iter_args(%while3A_952 = %while3A_123#0, %while3A_953 = %while3A_123#1, %while3A_954 = %while3A_123#2, %while3A_955 = %while3A_123#3, %while3A_956 = %while3A_123#4, %while3A_957 = %while3A_123#5, %while3A_958 = %while3A_123#6, %while3A_959 = %while3A_123#7) -> (vector<16xf32>, vector<16xf32>, vector<16xf32>, vector<16xf32>, vector<16xf32>, vector<16xf32>, vector<16xf32>, vector<16xf32>)  : i32 {
      %get3A = arith.constant 1 : i32
      %get3A_960 = arith.index_cast %get3A : i32 to index
      %get3A_961 = arith.index_cast %while3A_951 : i32 to index
      %get3A_962 = arith.constant 0 : index
      %get3A_963 = tpu.vector_load %arg7[%get3A_960, %get3A_961, %get3A_962] {strides = array<i32>} : memref<2x128x128xf32, #tpu.memory_space<vmem>>, vector<1x1x16xf32>,
      %get3A_964 = vector.shape_cast %get3A_963 : vector<1x1x16xf32> to vector<16xf32>
      %add3A_965 = arith.addf %while3A_952, %get3A_964 : vector<16xf32>
      %mul3A_966 = arith.mulf %get3A_964, %get3A_964 : vector<16xf32>
      %add3A_967 = arith.addf %while3A_956, %mul3A_966 : vector<16xf32>
      %get3A_968 = arith.constant 1 : i32
      %get3A_969 = arith.index_cast %get3A_968 : i32 to index
      %get3A_970 = arith.index_cast %while3A_951 : i32 to index
      %get3A_971 = arith.constant 16 : index
      %get3A_972 = tpu.vector_load %arg7[%get3A_969, %get3A_970, %get3A_971] {strides = array<i32>} : memref<2x128x128xf32, #tpu.memory_space<vmem>>, vector<1x1x16xf32>,
      %get3A_973 = vector.shape_cast %get3A_972 : vector<1x1x16xf32> to vector<16xf32>
      %add3A_974 = arith.addf %while3A_953, %get3A_973 : vector<16xf32>
      %mul3A_975 = arith.mulf %get3A_973, %get3A_973 : vector<16xf32>
      %add3A_976 = arith.addf %while3A_957, %mul3A_975 : vector<16xf32>
      %get3A_977 = arith.constant 1 : i32
      %get3A_978 = arith.index_cast %get3A_977 : i32 to index
      %get3A_979 = arith.index_cast %while3A_951 : i32 to index
      %get3A_980 = arith.constant 32 : index
      %get3A_981 = tpu.vector_load %arg7[%get3A_978, %get3A_979, %get3A_980] {strides = array<i32>} : memref<2x128x128xf32, #tpu.memory_space<vmem>>, vector<1x1x16xf32>,
      %get3A_982 = vector.shape_cast %get3A_981 : vector<1x1x16xf32> to vector<16xf32>
      %add3A_983 = arith.addf %while3A_954, %get3A_982 : vector<16xf32>
      %mul3A_984 = arith.mulf %get3A_982, %get3A_982 : vector<16xf32>
      %add3A_985 = arith.addf %while3A_958, %mul3A_984 : vector<16xf32>
      %get3A_986 = arith.constant 1 : i32
      %get3A_987 = arith.index_cast %get3A_986 : i32 to index
      %get3A_988 = arith.index_cast %while3A_951 : i32 to index
      %get3A_989 = arith.constant 48 : index
      %get3A_990 = tpu.vector_load %arg7[%get3A_987, %get3A_988, %get3A_989] {strides = array<i32>} : memref<2x128x128xf32, #tpu.memory_space<vmem>>, vector<1x1x16xf32>,
      %get3A_991 = vector.shape_cast %get3A_990 : vector<1x1x16xf32> to vector<16xf32>
      %add3A_992 = arith.addf %while3A_955, %get3A_991 : vector<16xf32>
      %mul3A_993 = arith.mulf %get3A_991, %get3A_991 : vector<16xf32>
      %add3A_994 = arith.addf %while3A_959, %mul3A_993 : vector<16xf32>
      scf.yield %add3A_965, %add3A_974, %add3A_983, %add3A_992, %add3A_967, %add3A_976, %add3A_985, %add3A_994 : vector<16xf32>, vector<16xf32>, vector<16xf32>, vector<16xf32>, vector<16xf32>, vector<16xf32>, vector<16xf32>, vector<16xf32>
    }
    %add3A_126 = arith.constant 128 : i32
    %add3A_127 = arith.addi %mul3A_2, %add3A_126 : i32
    %dma_start3A_128 = arith.constant 1 : i32
    %dma_start3A_129 = arith.constant 0 : i32
    %dma_start3A_130 = arith.constant 0 : i32
    %dma_start3A_131 = tpu.memref_slice %arg7[%dma_start3A_128, %dma_start3A_129, %dma_start3A_130] : memref<2x128x128xf32, #tpu.memory_space<vmem>> -> memref<1x128x128xf32, #tpu.memory_space<vmem>>
    %dma_start3A_132 = tpu.memref_squeeze %dma_start3A_131 : memref<1x128x128xf32, #tpu.memory_space<vmem>> -> memref<128x128xf32, #tpu.memory_space<vmem>>
    %dma_start3A_133 = arith.constant 0 : i32
    %dma_start3A_134 = tpu.memref_slice %arg4[%add3A_127, %dma_start3A_133] : memref<53248x128xf32, #tpu.memory_space<hbm>> -> memref<128x128xf32, #tpu.memory_space<hbm>>
    %dma_start3A_135 = arith.constant 0 : i32
    %dma_start3A_136 = tpu.memref_slice %arg4[%add3A_127, %dma_start3A_135] : memref<53248x128xf32, #tpu.memory_space<hbm>> -> memref<128x128xf32, #tpu.memory_space<hbm>>
    %dma_start3A_137 = arith.constant 0 : i32
    %dma_start3A_138 = arith.constant 0 : i32
    %dma_start3A_139 = tpu.memref_slice %arg7[%dma_start3A_128, %dma_start3A_137, %dma_start3A_138] : memref<2x128x128xf32, #tpu.memory_space<vmem>> -> memref<1x128x128xf32, #tpu.memory_space<vmem>>
    %dma_start3A_140 = tpu.memref_squeeze %dma_start3A_139 : memref<1x128x128xf32, #tpu.memory_space<vmem>> -> memref<128x128xf32, #tpu.memory_space<vmem>>
    tpu.enqueue_dma source(%dma_start3A_140 : memref<128x128xf32, #tpu.memory_space<vmem>>) target(%dma_start3A_136 : memref<128x128xf32, #tpu.memory_space<hbm>>) target_semaphore(%arg12 : memref<!tpu.dma_semaphore, #tpu.memory_space<semaphore_mem>>)
    %dma_wait3A_141 = arith.constant 1 : i32
    %dma_wait3A_142 = arith.constant 0 : i32
    %dma_wait3A_143 = arith.constant 0 : i32
    %dma_wait3A_144 = tpu.memref_slice %arg7[%dma_wait3A_141, %dma_wait3A_142, %dma_wait3A_143] : memref<2x128x128xf32, #tpu.memory_space<vmem>> -> memref<1x128x128xf32, #tpu.memory_space<vmem>>
    %dma_wait3A_145 = tpu.memref_squeeze %dma_wait3A_144 : memref<1x128x128xf32, #tpu.memory_space<vmem>> -> memref<128x128xf32, #tpu.memory_space<vmem>>
    %dma_wait3A_146 = arith.constant 0 : i32
    %dma_wait3A_147 = tpu.memref_slice %arg4[%add3A_127, %dma_wait3A_146] : memref<53248x128xf32, #tpu.memory_space<hbm>> -> memref<128x128xf32, #tpu.memory_space<hbm>>
    %dma_wait3A_148 = arith.constant 0 : i32
    %dma_wait3A_149 = tpu.memref_slice %arg4[%add3A_127, %dma_wait3A_148] : memref<53248x128xf32, #tpu.memory_space<hbm>> -> memref<128x128xf32, #tpu.memory_space<hbm>>
    %dma_wait3A_150 = arith.constant 0 : i32
    %dma_wait3A_151 = arith.constant 0 : i32
    %dma_wait3A_152 = tpu.memref_slice %arg7[%dma_wait3A_141, %dma_wait3A_150, %dma_wait3A_151] : memref<2x128x128xf32, #tpu.memory_space<vmem>> -> memref<1x128x128xf32, #tpu.memory_space<vmem>>
    %dma_wait3A_153 = tpu.memref_squeeze %dma_wait3A_152 : memref<1x128x128xf32, #tpu.memory_space<vmem>> -> memref<128x128xf32, #tpu.memory_space<vmem>>
    tpu.wait_dma2 semaphore(%arg12 : memref<!tpu.dma_semaphore, #tpu.memory_space<semaphore_mem>>) src(%dma_wait3A_153 : memref<128x128xf32, #tpu.memory_space<vmem>>) dst(%dma_wait3A_149 : memref<128x128xf32, #tpu.memory_space<hbm>>)
    %dma_start3A_154 = arith.constant 3 : i32
    %dma_start3A_155 = arith.constant 1 : i32
    %dma_start3A_156 = arith.constant 0 : i32
    %dma_start3A_157 = arith.constant 0 : i32
    %dma_start3A_158 = tpu.memref_slice %arg7[%dma_start3A_155, %dma_start3A_156, %dma_start3A_157] : memref<2x128x128xf32, #tpu.memory_space<vmem>> -> memref<1x128x128xf32, #tpu.memory_space<vmem>>
    %dma_start3A_159 = tpu.memref_squeeze %dma_start3A_158 : memref<1x128x128xf32, #tpu.memory_space<vmem>> -> memref<128x128xf32, #tpu.memory_space<vmem>>
    %dma_start3A_160 = arith.constant 0 : i32
    %dma_start3A_161 = tpu.memref_slice %arg6[%dma_start3A_154, %dma_start3A_160] : memref<13x128xi32, #tpu.memory_space<vmem>> -> memref<1x128xi32, #tpu.memory_space<vmem>>
    %dma_start3A_162 = tpu.memref_squeeze %dma_start3A_161 : memref<1x128xi32, #tpu.memory_space<vmem>> -> memref<128xi32, #tpu.memory_space<vmem>>
    %dma_start3A_163 = arith.constant 0 : i32
    %dma_start3A_164 = arith.constant 0 : i32
    %dma_start3A_165 = tpu.memref_slice %arg3[%dma_start3A_163, %dma_start3A_164] : memref<1000000x128xf32, #tpu.memory_space<hbm>> -> memref<1000000x128xf32, #tpu.memory_space<hbm>>
    tpu.enqueue_indirect_dma source(%dma_start3A_165 : memref<1000000x128xf32, #tpu.memory_space<hbm>>) target(%dma_start3A_159 : memref<128x128xf32, #tpu.memory_space<vmem>>) offsets(%dma_start3A_162 : memref<128xi32, #tpu.memory_space<vmem>>) semaphore(%arg10 : memref<!tpu.dma_semaphore, #tpu.memory_space<semaphore_mem>>)
    %dma_wait3A_166 = arith.constant 2 : i32
    %dma_wait3A_167 = arith.constant 0 : i32
    %dma_wait3A_168 = arith.constant 0 : i32
    %dma_wait3A_169 = arith.constant 0 : i32
    %dma_wait3A_170 = tpu.memref_slice %arg7[%dma_wait3A_167, %dma_wait3A_168, %dma_wait3A_169] : memref<2x128x128xf32, #tpu.memory_space<vmem>> -> memref<1x128x128xf32, #tpu.memory_space<vmem>>
    %dma_wait3A_171 = tpu.memref_squeeze %dma_wait3A_170 : memref<1x128x128xf32, #tpu.memory_space<vmem>> -> memref<128x128xf32, #tpu.memory_space<vmem>>
    %dma_wait3A_172 = arith.constant 0 : i32
    %dma_wait3A_173 = tpu.memref_slice %arg6[%dma_wait3A_166, %dma_wait3A_172] : memref<13x128xi32, #tpu.memory_space<vmem>> -> memref<1x128xi32, #tpu.memory_space<vmem>>
    %dma_wait3A_174 = tpu.memref_squeeze %dma_wait3A_173 : memref<1x128xi32, #tpu.memory_space<vmem>> -> memref<128xi32, #tpu.memory_space<vmem>>
    %dma_wait3A_175 = arith.constant 0 : i32
    %dma_wait3A_176 = arith.constant 0 : i32
    %dma_wait3A_177 = tpu.memref_slice %arg3[%dma_wait3A_175, %dma_wait3A_176] : memref<1000000x128xf32, #tpu.memory_space<hbm>> -> memref<1000000x128xf32, #tpu.memory_space<hbm>>
    tpu.wait_indirect_dma semaphore(%arg9 : memref<!tpu.dma_semaphore, #tpu.memory_space<semaphore_mem>>) src(%dma_wait3A_177 : memref<1000000x128xf32, #tpu.memory_space<hbm>>) dst(%dma_wait3A_171 : memref<128x128xf32, #tpu.memory_space<vmem>>)
    %sub3A_178 = arith.constant 256 : i32
    %sub3A_179 = arith.subi %max3A_5, %sub3A_178 : i32
    %min3A_180 = arith.constant 128 : i32
    %min3A_181 = arith.minsi %min3A_180, %sub3A_179 : i32
    %max3A_182 = arith.constant 0 : i32
    %max3A_183 = arith.maxsi %max3A_182, %min3A_181 : i32
    %while3A_184 = arith.constant 0 : i32
    %while3A_185 = arith.subi %max3A_183, %while3A_184 : i32
    %while3A_186 = arith.addi %while3A_184, %while3A_185 : i32
    %while3A_187 = arith.constant 1 : i32
    %while3A_188 = arith.divsi %while3A_185, %while3A_187 : i32
    %while3A_189 = arith.muli %while3A_188, %while3A_187 : i32
    %while3A_190 = arith.addi %while3A_184, %while3A_189 : i32
    %while3A_191 = arith.constant 1 : i32
    %while3A_192:8 = scf.for %while3A_951 = %while3A_184 to %while3A_190 step %while3A_191 iter_args(%while3A_952 = %while3A_125#0, %while3A_953 = %while3A_125#1, %while3A_954 = %while3A_125#2, %while3A_955 = %while3A_125#3, %while3A_956 = %while3A_125#4, %while3A_957 = %while3A_125#5, %while3A_958 = %while3A_125#6, %while3A_959 = %while3A_125#7) -> (vector<16xf32>, vector<16xf32>, vector<16xf32>, vector<16xf32>, vector<16xf32>, vector<16xf32>, vector<16xf32>, vector<16xf32>)  : i32 {
      %get3A = arith.constant 0 : i32
      %get3A_960 = arith.index_cast %get3A : i32 to index
      %get3A_961 = arith.index_cast %while3A_951 : i32 to index
      %get3A_962 = arith.constant 0 : index
      %get3A_963 = tpu.vector_load %arg7[%get3A_960, %get3A_961, %get3A_962] {strides = array<i32>} : memref<2x128x128xf32, #tpu.memory_space<vmem>>, vector<1x1x16xf32>,
      %get3A_964 = vector.shape_cast %get3A_963 : vector<1x1x16xf32> to vector<16xf32>
      %add3A_965 = arith.addf %while3A_952, %get3A_964 : vector<16xf32>
      %mul3A_966 = arith.mulf %get3A_964, %get3A_964 : vector<16xf32>
      %add3A_967 = arith.addf %while3A_956, %mul3A_966 : vector<16xf32>
      %get3A_968 = arith.constant 0 : i32
      %get3A_969 = arith.index_cast %get3A_968 : i32 to index
      %get3A_970 = arith.index_cast %while3A_951 : i32 to index
      %get3A_971 = arith.constant 16 : index
      %get3A_972 = tpu.vector_load %arg7[%get3A_969, %get3A_970, %get3A_971] {strides = array<i32>} : memref<2x128x128xf32, #tpu.memory_space<vmem>>, vector<1x1x16xf32>,
      %get3A_973 = vector.shape_cast %get3A_972 : vector<1x1x16xf32> to vector<16xf32>
      %add3A_974 = arith.addf %while3A_953, %get3A_973 : vector<16xf32>
      %mul3A_975 = arith.mulf %get3A_973, %get3A_973 : vector<16xf32>
      %add3A_976 = arith.addf %while3A_957, %mul3A_975 : vector<16xf32>
      %get3A_977 = arith.constant 0 : i32
      %get3A_978 = arith.index_cast %get3A_977 : i32 to index
      %get3A_979 = arith.index_cast %while3A_951 : i32 to index
      %get3A_980 = arith.constant 32 : index
      %get3A_981 = tpu.vector_load %arg7[%get3A_978, %get3A_979, %get3A_980] {strides = array<i32>} : memref<2x128x128xf32, #tpu.memory_space<vmem>>, vector<1x1x16xf32>,
      %get3A_982 = vector.shape_cast %get3A_981 : vector<1x1x16xf32> to vector<16xf32>
      %add3A_983 = arith.addf %while3A_954, %get3A_982 : vector<16xf32>
      %mul3A_984 = arith.mulf %get3A_982, %get3A_982 : vector<16xf32>
      %add3A_985 = arith.addf %while3A_958, %mul3A_984 : vector<16xf32>
      %get3A_986 = arith.constant 0 : i32
      %get3A_987 = arith.index_cast %get3A_986 : i32 to index
      %get3A_988 = arith.index_cast %while3A_951 : i32 to index
      %get3A_989 = arith.constant 48 : index
      %get3A_990 = tpu.vector_load %arg7[%get3A_987, %get3A_988, %get3A_989] {strides = array<i32>} : memref<2x128x128xf32, #tpu.memory_space<vmem>>, vector<1x1x16xf32>,
      %get3A_991 = vector.shape_cast %get3A_990 : vector<1x1x16xf32> to vector<16xf32>
      %add3A_992 = arith.addf %while3A_955, %get3A_991 : vector<16xf32>
      %mul3A_993 = arith.mulf %get3A_991, %get3A_991 : vector<16xf32>
      %add3A_994 = arith.addf %while3A_959, %mul3A_993 : vector<16xf32>
      scf.yield %add3A_965, %add3A_974, %add3A_983, %add3A_992, %add3A_967, %add3A_976, %add3A_985, %add3A_994 : vector<16xf32>, vector<16xf32>, vector<16xf32>, vector<16xf32>, vector<16xf32>, vector<16xf32>, vector<16xf32>, vector<16xf32>
    }
    %while3A_193 = arith.constant 1 : i32
    %while3A_194:8 = scf.for %while3A_951 = %while3A_190 to %while3A_186 step %while3A_193 iter_args(%while3A_952 = %while3A_192#0, %while3A_953 = %while3A_192#1, %while3A_954 = %while3A_192#2, %while3A_955 = %while3A_192#3, %while3A_956 = %while3A_192#4, %while3A_957 = %while3A_192#5, %while3A_958 = %while3A_192#6, %while3A_959 = %while3A_192#7) -> (vector<16xf32>, vector<16xf32>, vector<16xf32>, vector<16xf32>, vector<16xf32>, vector<16xf32>, vector<16xf32>, vector<16xf32>)  : i32 {
      %get3A = arith.constant 0 : i32
      %get3A_960 = arith.index_cast %get3A : i32 to index
      %get3A_961 = arith.index_cast %while3A_951 : i32 to index
      %get3A_962 = arith.constant 0 : index
      %get3A_963 = tpu.vector_load %arg7[%get3A_960, %get3A_961, %get3A_962] {strides = array<i32>} : memref<2x128x128xf32, #tpu.memory_space<vmem>>, vector<1x1x16xf32>,
      %get3A_964 = vector.shape_cast %get3A_963 : vector<1x1x16xf32> to vector<16xf32>
      %add3A_965 = arith.addf %while3A_952, %get3A_964 : vector<16xf32>
      %mul3A_966 = arith.mulf %get3A_964, %get3A_964 : vector<16xf32>
      %add3A_967 = arith.addf %while3A_956, %mul3A_966 : vector<16xf32>
      %get3A_968 = arith.constant 0 : i32
      %get3A_969 = arith.index_cast %get3A_968 : i32 to index
      %get3A_970 = arith.index_cast %while3A_951 : i32 to index
      %get3A_971 = arith.constant 16 : index
      %get3A_972 = tpu.vector_load %arg7[%get3A_969, %get3A_970, %get3A_971] {strides = array<i32>} : memref<2x128x128xf32, #tpu.memory_space<vmem>>, vector<1x1x16xf32>,
      %get3A_973 = vector.shape_cast %get3A_972 : vector<1x1x16xf32> to vector<16xf32>
      %add3A_974 = arith.addf %while3A_953, %get3A_973 : vector<16xf32>
      %mul3A_975 = arith.mulf %get3A_973, %get3A_973 : vector<16xf32>
      %add3A_976 = arith.addf %while3A_957, %mul3A_975 : vector<16xf32>
      %get3A_977 = arith.constant 0 : i32
      %get3A_978 = arith.index_cast %get3A_977 : i32 to index
      %get3A_979 = arith.index_cast %while3A_951 : i32 to index
      %get3A_980 = arith.constant 32 : index
      %get3A_981 = tpu.vector_load %arg7[%get3A_978, %get3A_979, %get3A_980] {strides = array<i32>} : memref<2x128x128xf32, #tpu.memory_space<vmem>>, vector<1x1x16xf32>,
      %get3A_982 = vector.shape_cast %get3A_981 : vector<1x1x16xf32> to vector<16xf32>
      %add3A_983 = arith.addf %while3A_954, %get3A_982 : vector<16xf32>
      %mul3A_984 = arith.mulf %get3A_982, %get3A_982 : vector<16xf32>
      %add3A_985 = arith.addf %while3A_958, %mul3A_984 : vector<16xf32>
      %get3A_986 = arith.constant 0 : i32
      %get3A_987 = arith.index_cast %get3A_986 : i32 to index
      %get3A_988 = arith.index_cast %while3A_951 : i32 to index
      %get3A_989 = arith.constant 48 : index
      %get3A_990 = tpu.vector_load %arg7[%get3A_987, %get3A_988, %get3A_989] {strides = array<i32>} : memref<2x128x128xf32, #tpu.memory_space<vmem>>, vector<1x1x16xf32>,
      %get3A_991 = vector.shape_cast %get3A_990 : vector<1x1x16xf32> to vector<16xf32>
      %add3A_992 = arith.addf %while3A_955, %get3A_991 : vector<16xf32>
      %mul3A_993 = arith.mulf %get3A_991, %get3A_991 : vector<16xf32>
      %add3A_994 = arith.addf %while3A_959, %mul3A_993 : vector<16xf32>
      scf.yield %add3A_965, %add3A_974, %add3A_983, %add3A_992, %add3A_967, %add3A_976, %add3A_985, %add3A_994 : vector<16xf32>, vector<16xf32>, vector<16xf32>, vector<16xf32>, vector<16xf32>, vector<16xf32>, vector<16xf32>, vector<16xf32>
    }
    %add3A_195 = arith.constant 256 : i32
    %add3A_196 = arith.addi %mul3A_2, %add3A_195 : i32
    %dma_start3A_197 = arith.constant 0 : i32
    %dma_start3A_198 = arith.constant 0 : i32
    %dma_start3A_199 = arith.constant 0 : i32
    %dma_start3A_200 = tpu.memref_slice %arg7[%dma_start3A_197, %dma_start3A_198, %dma_start3A_199] : memref<2x128x128xf32, #tpu.memory_space<vmem>> -> memref<1x128x128xf32, #tpu.memory_space<vmem>>
    %dma_start3A_201 = tpu.memref_squeeze %dma_start3A_200 : memref<1x128x128xf32, #tpu.memory_space<vmem>> -> memref<128x128xf32, #tpu.memory_space<vmem>>
    %dma_start3A_202 = arith.constant 0 : i32
    %dma_start3A_203 = tpu.memref_slice %arg4[%add3A_196, %dma_start3A_202] : memref<53248x128xf32, #tpu.memory_space<hbm>> -> memref<128x128xf32, #tpu.memory_space<hbm>>
    %dma_start3A_204 = arith.constant 0 : i32
    %dma_start3A_205 = tpu.memref_slice %arg4[%add3A_196, %dma_start3A_204] : memref<53248x128xf32, #tpu.memory_space<hbm>> -> memref<128x128xf32, #tpu.memory_space<hbm>>
    %dma_start3A_206 = arith.constant 0 : i32
    %dma_start3A_207 = arith.constant 0 : i32
    %dma_start3A_208 = tpu.memref_slice %arg7[%dma_start3A_197, %dma_start3A_206, %dma_start3A_207] : memref<2x128x128xf32, #tpu.memory_space<vmem>> -> memref<1x128x128xf32, #tpu.memory_space<vmem>>
    %dma_start3A_209 = tpu.memref_squeeze %dma_start3A_208 : memref<1x128x128xf32, #tpu.memory_space<vmem>> -> memref<128x128xf32, #tpu.memory_space<vmem>>
    tpu.enqueue_dma source(%dma_start3A_209 : memref<128x128xf32, #tpu.memory_space<vmem>>) target(%dma_start3A_205 : memref<128x128xf32, #tpu.memory_space<hbm>>) target_semaphore(%arg11 : memref<!tpu.dma_semaphore, #tpu.memory_space<semaphore_mem>>)
    %dma_wait3A_210 = arith.constant 0 : i32
    %dma_wait3A_211 = arith.constant 0 : i32
    %dma_wait3A_212 = arith.constant 0 : i32
    %dma_wait3A_213 = tpu.memref_slice %arg7[%dma_wait3A_210, %dma_wait3A_211, %dma_wait3A_212] : memref<2x128x128xf32, #tpu.memory_space<vmem>> -> memref<1x128x128xf32, #tpu.memory_space<vmem>>
    %dma_wait3A_214 = tpu.memref_squeeze %dma_wait3A_213 : memref<1x128x128xf32, #tpu.memory_space<vmem>> -> memref<128x128xf32, #tpu.memory_space<vmem>>
    %dma_wait3A_215 = arith.constant 0 : i32
    %dma_wait3A_216 = tpu.memref_slice %arg4[%add3A_196, %dma_wait3A_215] : memref<53248x128xf32, #tpu.memory_space<hbm>> -> memref<128x128xf32, #tpu.memory_space<hbm>>
    %dma_wait3A_217 = arith.constant 0 : i32
    %dma_wait3A_218 = tpu.memref_slice %arg4[%add3A_196, %dma_wait3A_217] : memref<53248x128xf32, #tpu.memory_space<hbm>> -> memref<128x128xf32, #tpu.memory_space<hbm>>
    %dma_wait3A_219 = arith.constant 0 : i32
    %dma_wait3A_220 = arith.constant 0 : i32
    %dma_wait3A_221 = tpu.memref_slice %arg7[%dma_wait3A_210, %dma_wait3A_219, %dma_wait3A_220] : memref<2x128x128xf32, #tpu.memory_space<vmem>> -> memref<1x128x128xf32, #tpu.memory_space<vmem>>
    %dma_wait3A_222 = tpu.memref_squeeze %dma_wait3A_221 : memref<1x128x128xf32, #tpu.memory_space<vmem>> -> memref<128x128xf32, #tpu.memory_space<vmem>>
    tpu.wait_dma2 semaphore(%arg11 : memref<!tpu.dma_semaphore, #tpu.memory_space<semaphore_mem>>) src(%dma_wait3A_222 : memref<128x128xf32, #tpu.memory_space<vmem>>) dst(%dma_wait3A_218 : memref<128x128xf32, #tpu.memory_space<hbm>>)
    %dma_start3A_223 = arith.constant 4 : i32
    %dma_start3A_224 = arith.constant 0 : i32
    %dma_start3A_225 = arith.constant 0 : i32
    %dma_start3A_226 = arith.constant 0 : i32
    %dma_start3A_227 = tpu.memref_slice %arg7[%dma_start3A_224, %dma_start3A_225, %dma_start3A_226] : memref<2x128x128xf32, #tpu.memory_space<vmem>> -> memref<1x128x128xf32, #tpu.memory_space<vmem>>
    %dma_start3A_228 = tpu.memref_squeeze %dma_start3A_227 : memref<1x128x128xf32, #tpu.memory_space<vmem>> -> memref<128x128xf32, #tpu.memory_space<vmem>>
    %dma_start3A_229 = arith.constant 0 : i32
    %dma_start3A_230 = tpu.memref_slice %arg6[%dma_start3A_223, %dma_start3A_229] : memref<13x128xi32, #tpu.memory_space<vmem>> -> memref<1x128xi32, #tpu.memory_space<vmem>>
    %dma_start3A_231 = tpu.memref_squeeze %dma_start3A_230 : memref<1x128xi32, #tpu.memory_space<vmem>> -> memref<128xi32, #tpu.memory_space<vmem>>
    %dma_start3A_232 = arith.constant 0 : i32
    %dma_start3A_233 = arith.constant 0 : i32
    %dma_start3A_234 = tpu.memref_slice %arg3[%dma_start3A_232, %dma_start3A_233] : memref<1000000x128xf32, #tpu.memory_space<hbm>> -> memref<1000000x128xf32, #tpu.memory_space<hbm>>
    tpu.enqueue_indirect_dma source(%dma_start3A_234 : memref<1000000x128xf32, #tpu.memory_space<hbm>>) target(%dma_start3A_228 : memref<128x128xf32, #tpu.memory_space<vmem>>) offsets(%dma_start3A_231 : memref<128xi32, #tpu.memory_space<vmem>>) semaphore(%arg9 : memref<!tpu.dma_semaphore, #tpu.memory_space<semaphore_mem>>)
    %dma_wait3A_235 = arith.constant 3 : i32
    %dma_wait3A_236 = arith.constant 1 : i32
    %dma_wait3A_237 = arith.constant 0 : i32
    %dma_wait3A_238 = arith.constant 0 : i32
    %dma_wait3A_239 = tpu.memref_slice %arg7[%dma_wait3A_236, %dma_wait3A_237, %dma_wait3A_238] : memref<2x128x128xf32, #tpu.memory_space<vmem>> -> memref<1x128x128xf32, #tpu.memory_space<vmem>>
    %dma_wait3A_240 = tpu.memref_squeeze %dma_wait3A_239 : memref<1x128x128xf32, #tpu.memory_space<vmem>> -> memref<128x128xf32, #tpu.memory_space<vmem>>
    %dma_wait3A_241 = arith.constant 0 : i32
    %dma_wait3A_242 = tpu.memref_slice %arg6[%dma_wait3A_235, %dma_wait3A_241] : memref<13x128xi32, #tpu.memory_space<vmem>> -> memref<1x128xi32, #tpu.memory_space<vmem>>
    %dma_wait3A_243 = tpu.memref_squeeze %dma_wait3A_242 : memref<1x128xi32, #tpu.memory_space<vmem>> -> memref<128xi32, #tpu.memory_space<vmem>>
    %dma_wait3A_244 = arith.constant 0 : i32
    %dma_wait3A_245 = arith.constant 0 : i32
    %dma_wait3A_246 = tpu.memref_slice %arg3[%dma_wait3A_244, %dma_wait3A_245] : memref<1000000x128xf32, #tpu.memory_space<hbm>> -> memref<1000000x128xf32, #tpu.memory_space<hbm>>
    tpu.wait_indirect_dma semaphore(%arg10 : memref<!tpu.dma_semaphore, #tpu.memory_space<semaphore_mem>>) src(%dma_wait3A_246 : memref<1000000x128xf32, #tpu.memory_space<hbm>>) dst(%dma_wait3A_240 : memref<128x128xf32, #tpu.memory_space<vmem>>)
    %sub3A_247 = arith.constant 384 : i32
    %sub3A_248 = arith.subi %max3A_5, %sub3A_247 : i32
    %min3A_249 = arith.constant 128 : i32
    %min3A_250 = arith.minsi %min3A_249, %sub3A_248 : i32
    %max3A_251 = arith.constant 0 : i32
    %max3A_252 = arith.maxsi %max3A_251, %min3A_250 : i32
    %while3A_253 = arith.constant 0 : i32
    %while3A_254 = arith.subi %max3A_252, %while3A_253 : i32
    %while3A_255 = arith.addi %while3A_253, %while3A_254 : i32
    %while3A_256 = arith.constant 1 : i32
    %while3A_257 = arith.divsi %while3A_254, %while3A_256 : i32
    %while3A_258 = arith.muli %while3A_257, %while3A_256 : i32
    %while3A_259 = arith.addi %while3A_253, %while3A_258 : i32
    %while3A_260 = arith.constant 1 : i32
    %while3A_261:8 = scf.for %while3A_951 = %while3A_253 to %while3A_259 step %while3A_260 iter_args(%while3A_952 = %while3A_194#0, %while3A_953 = %while3A_194#1, %while3A_954 = %while3A_194#2, %while3A_955 = %while3A_194#3, %while3A_956 = %while3A_194#4, %while3A_957 = %while3A_194#5, %while3A_958 = %while3A_194#6, %while3A_959 = %while3A_194#7) -> (vector<16xf32>, vector<16xf32>, vector<16xf32>, vector<16xf32>, vector<16xf32>, vector<16xf32>, vector<16xf32>, vector<16xf32>)  : i32 {
      %get3A = arith.constant 1 : i32
      %get3A_960 = arith.index_cast %get3A : i32 to index
      %get3A_961 = arith.index_cast %while3A_951 : i32 to index
      %get3A_962 = arith.constant 0 : index
      %get3A_963 = tpu.vector_load %arg7[%get3A_960, %get3A_961, %get3A_962] {strides = array<i32>} : memref<2x128x128xf32, #tpu.memory_space<vmem>>, vector<1x1x16xf32>,
      %get3A_964 = vector.shape_cast %get3A_963 : vector<1x1x16xf32> to vector<16xf32>
      %add3A_965 = arith.addf %while3A_952, %get3A_964 : vector<16xf32>
      %mul3A_966 = arith.mulf %get3A_964, %get3A_964 : vector<16xf32>
      %add3A_967 = arith.addf %while3A_956, %mul3A_966 : vector<16xf32>
      %get3A_968 = arith.constant 1 : i32
      %get3A_969 = arith.index_cast %get3A_968 : i32 to index
      %get3A_970 = arith.index_cast %while3A_951 : i32 to index
      %get3A_971 = arith.constant 16 : index
      %get3A_972 = tpu.vector_load %arg7[%get3A_969, %get3A_970, %get3A_971] {strides = array<i32>} : memref<2x128x128xf32, #tpu.memory_space<vmem>>, vector<1x1x16xf32>,
      %get3A_973 = vector.shape_cast %get3A_972 : vector<1x1x16xf32> to vector<16xf32>
      %add3A_974 = arith.addf %while3A_953, %get3A_973 : vector<16xf32>
      %mul3A_975 = arith.mulf %get3A_973, %get3A_973 : vector<16xf32>
      %add3A_976 = arith.addf %while3A_957, %mul3A_975 : vector<16xf32>
      %get3A_977 = arith.constant 1 : i32
      %get3A_978 = arith.index_cast %get3A_977 : i32 to index
      %get3A_979 = arith.index_cast %while3A_951 : i32 to index
      %get3A_980 = arith.constant 32 : index
      %get3A_981 = tpu.vector_load %arg7[%get3A_978, %get3A_979, %get3A_980] {strides = array<i32>} : memref<2x128x128xf32, #tpu.memory_space<vmem>>, vector<1x1x16xf32>,
      %get3A_982 = vector.shape_cast %get3A_981 : vector<1x1x16xf32> to vector<16xf32>
      %add3A_983 = arith.addf %while3A_954, %get3A_982 : vector<16xf32>
      %mul3A_984 = arith.mulf %get3A_982, %get3A_982 : vector<16xf32>
      %add3A_985 = arith.addf %while3A_958, %mul3A_984 : vector<16xf32>
      %get3A_986 = arith.constant 1 : i32
      %get3A_987 = arith.index_cast %get3A_986 : i32 to index
      %get3A_988 = arith.index_cast %while3A_951 : i32 to index
      %get3A_989 = arith.constant 48 : index
      %get3A_990 = tpu.vector_load %arg7[%get3A_987, %get3A_988, %get3A_989] {strides = array<i32>} : memref<2x128x128xf32, #tpu.memory_space<vmem>>, vector<1x1x16xf32>,
      %get3A_991 = vector.shape_cast %get3A_990 : vector<1x1x16xf32> to vector<16xf32>
      %add3A_992 = arith.addf %while3A_955, %get3A_991 : vector<16xf32>
      %mul3A_993 = arith.mulf %get3A_991, %get3A_991 : vector<16xf32>
      %add3A_994 = arith.addf %while3A_959, %mul3A_993 : vector<16xf32>
      scf.yield %add3A_965, %add3A_974, %add3A_983, %add3A_992, %add3A_967, %add3A_976, %add3A_985, %add3A_994 : vector<16xf32>, vector<16xf32>, vector<16xf32>, vector<16xf32>, vector<16xf32>, vector<16xf32>, vector<16xf32>, vector<16xf32>
    }
    %while3A_262 = arith.constant 1 : i32
    %while3A_263:8 = scf.for %while3A_951 = %while3A_259 to %while3A_255 step %while3A_262 iter_args(%while3A_952 = %while3A_261#0, %while3A_953 = %while3A_261#1, %while3A_954 = %while3A_261#2, %while3A_955 = %while3A_261#3, %while3A_956 = %while3A_261#4, %while3A_957 = %while3A_261#5, %while3A_958 = %while3A_261#6, %while3A_959 = %while3A_261#7) -> (vector<16xf32>, vector<16xf32>, vector<16xf32>, vector<16xf32>, vector<16xf32>, vector<16xf32>, vector<16xf32>, vector<16xf32>)  : i32 {
      %get3A = arith.constant 1 : i32
      %get3A_960 = arith.index_cast %get3A : i32 to index
      %get3A_961 = arith.index_cast %while3A_951 : i32 to index
      %get3A_962 = arith.constant 0 : index
      %get3A_963 = tpu.vector_load %arg7[%get3A_960, %get3A_961, %get3A_962] {strides = array<i32>} : memref<2x128x128xf32, #tpu.memory_space<vmem>>, vector<1x1x16xf32>,
      %get3A_964 = vector.shape_cast %get3A_963 : vector<1x1x16xf32> to vector<16xf32>
      %add3A_965 = arith.addf %while3A_952, %get3A_964 : vector<16xf32>
      %mul3A_966 = arith.mulf %get3A_964, %get3A_964 : vector<16xf32>
      %add3A_967 = arith.addf %while3A_956, %mul3A_966 : vector<16xf32>
      %get3A_968 = arith.constant 1 : i32
      %get3A_969 = arith.index_cast %get3A_968 : i32 to index
      %get3A_970 = arith.index_cast %while3A_951 : i32 to index
      %get3A_971 = arith.constant 16 : index
      %get3A_972 = tpu.vector_load %arg7[%get3A_969, %get3A_970, %get3A_971] {strides = array<i32>} : memref<2x128x128xf32, #tpu.memory_space<vmem>>, vector<1x1x16xf32>,
      %get3A_973 = vector.shape_cast %get3A_972 : vector<1x1x16xf32> to vector<16xf32>
      %add3A_974 = arith.addf %while3A_953, %get3A_973 : vector<16xf32>
      %mul3A_975 = arith.mulf %get3A_973, %get3A_973 : vector<16xf32>
      %add3A_976 = arith.addf %while3A_957, %mul3A_975 : vector<16xf32>
      %get3A_977 = arith.constant 1 : i32
      %get3A_978 = arith.index_cast %get3A_977 : i32 to index
      %get3A_979 = arith.index_cast %while3A_951 : i32 to index
      %get3A_980 = arith.constant 32 : index
      %get3A_981 = tpu.vector_load %arg7[%get3A_978, %get3A_979, %get3A_980] {strides = array<i32>} : memref<2x128x128xf32, #tpu.memory_space<vmem>>, vector<1x1x16xf32>,
      %get3A_982 = vector.shape_cast %get3A_981 : vector<1x1x16xf32> to vector<16xf32>
      %add3A_983 = arith.addf %while3A_954, %get3A_982 : vector<16xf32>
      %mul3A_984 = arith.mulf %get3A_982, %get3A_982 : vector<16xf32>
      %add3A_985 = arith.addf %while3A_958, %mul3A_984 : vector<16xf32>
      %get3A_986 = arith.constant 1 : i32
      %get3A_987 = arith.index_cast %get3A_986 : i32 to index
      %get3A_988 = arith.index_cast %while3A_951 : i32 to index
      %get3A_989 = arith.constant 48 : index
      %get3A_990 = tpu.vector_load %arg7[%get3A_987, %get3A_988, %get3A_989] {strides = array<i32>} : memref<2x128x128xf32, #tpu.memory_space<vmem>>, vector<1x1x16xf32>,
      %get3A_991 = vector.shape_cast %get3A_990 : vector<1x1x16xf32> to vector<16xf32>
      %add3A_992 = arith.addf %while3A_955, %get3A_991 : vector<16xf32>
      %mul3A_993 = arith.mulf %get3A_991, %get3A_991 : vector<16xf32>
      %add3A_994 = arith.addf %while3A_959, %mul3A_993 : vector<16xf32>
      scf.yield %add3A_965, %add3A_974, %add3A_983, %add3A_992, %add3A_967, %add3A_976, %add3A_985, %add3A_994 : vector<16xf32>, vector<16xf32>, vector<16xf32>, vector<16xf32>, vector<16xf32>, vector<16xf32>, vector<16xf32>, vector<16xf32>
    }
    %add3A_264 = arith.constant 384 : i32
    %add3A_265 = arith.addi %mul3A_2, %add3A_264 : i32
    %dma_start3A_266 = arith.constant 1 : i32
    %dma_start3A_267 = arith.constant 0 : i32
    %dma_start3A_268 = arith.constant 0 : i32
    %dma_start3A_269 = tpu.memref_slice %arg7[%dma_start3A_266, %dma_start3A_267, %dma_start3A_268] : memref<2x128x128xf32, #tpu.memory_space<vmem>> -> memref<1x128x128xf32, #tpu.memory_space<vmem>>
    %dma_start3A_270 = tpu.memref_squeeze %dma_start3A_269 : memref<1x128x128xf32, #tpu.memory_space<vmem>> -> memref<128x128xf32, #tpu.memory_space<vmem>>
    %dma_start3A_271 = arith.constant 0 : i32
    %dma_start3A_272 = tpu.memref_slice %arg4[%add3A_265, %dma_start3A_271] : memref<53248x128xf32, #tpu.memory_space<hbm>> -> memref<128x128xf32, #tpu.memory_space<hbm>>
    %dma_start3A_273 = arith.constant 0 : i32
    %dma_start3A_274 = tpu.memref_slice %arg4[%add3A_265, %dma_start3A_273] : memref<53248x128xf32, #tpu.memory_space<hbm>> -> memref<128x128xf32, #tpu.memory_space<hbm>>
    %dma_start3A_275 = arith.constant 0 : i32
    %dma_start3A_276 = arith.constant 0 : i32
    %dma_start3A_277 = tpu.memref_slice %arg7[%dma_start3A_266, %dma_start3A_275, %dma_start3A_276] : memref<2x128x128xf32, #tpu.memory_space<vmem>> -> memref<1x128x128xf32, #tpu.memory_space<vmem>>
    %dma_start3A_278 = tpu.memref_squeeze %dma_start3A_277 : memref<1x128x128xf32, #tpu.memory_space<vmem>> -> memref<128x128xf32, #tpu.memory_space<vmem>>
    tpu.enqueue_dma source(%dma_start3A_278 : memref<128x128xf32, #tpu.memory_space<vmem>>) target(%dma_start3A_274 : memref<128x128xf32, #tpu.memory_space<hbm>>) target_semaphore(%arg12 : memref<!tpu.dma_semaphore, #tpu.memory_space<semaphore_mem>>)
    %dma_wait3A_279 = arith.constant 1 : i32
    %dma_wait3A_280 = arith.constant 0 : i32
    %dma_wait3A_281 = arith.constant 0 : i32
    %dma_wait3A_282 = tpu.memref_slice %arg7[%dma_wait3A_279, %dma_wait3A_280, %dma_wait3A_281] : memref<2x128x128xf32, #tpu.memory_space<vmem>> -> memref<1x128x128xf32, #tpu.memory_space<vmem>>
    %dma_wait3A_283 = tpu.memref_squeeze %dma_wait3A_282 : memref<1x128x128xf32, #tpu.memory_space<vmem>> -> memref<128x128xf32, #tpu.memory_space<vmem>>
    %dma_wait3A_284 = arith.constant 0 : i32
    %dma_wait3A_285 = tpu.memref_slice %arg4[%add3A_265, %dma_wait3A_284] : memref<53248x128xf32, #tpu.memory_space<hbm>> -> memref<128x128xf32, #tpu.memory_space<hbm>>
    %dma_wait3A_286 = arith.constant 0 : i32
    %dma_wait3A_287 = tpu.memref_slice %arg4[%add3A_265, %dma_wait3A_286] : memref<53248x128xf32, #tpu.memory_space<hbm>> -> memref<128x128xf32, #tpu.memory_space<hbm>>
    %dma_wait3A_288 = arith.constant 0 : i32
    %dma_wait3A_289 = arith.constant 0 : i32
    %dma_wait3A_290 = tpu.memref_slice %arg7[%dma_wait3A_279, %dma_wait3A_288, %dma_wait3A_289] : memref<2x128x128xf32, #tpu.memory_space<vmem>> -> memref<1x128x128xf32, #tpu.memory_space<vmem>>
    %dma_wait3A_291 = tpu.memref_squeeze %dma_wait3A_290 : memref<1x128x128xf32, #tpu.memory_space<vmem>> -> memref<128x128xf32, #tpu.memory_space<vmem>>
    tpu.wait_dma2 semaphore(%arg12 : memref<!tpu.dma_semaphore, #tpu.memory_space<semaphore_mem>>) src(%dma_wait3A_291 : memref<128x128xf32, #tpu.memory_space<vmem>>) dst(%dma_wait3A_287 : memref<128x128xf32, #tpu.memory_space<hbm>>)
    %dma_start3A_292 = arith.constant 5 : i32
    %dma_start3A_293 = arith.constant 1 : i32
    %dma_start3A_294 = arith.constant 0 : i32
    %dma_start3A_295 = arith.constant 0 : i32
    %dma_start3A_296 = tpu.memref_slice %arg7[%dma_start3A_293, %dma_start3A_294, %dma_start3A_295] : memref<2x128x128xf32, #tpu.memory_space<vmem>> -> memref<1x128x128xf32, #tpu.memory_space<vmem>>
    %dma_start3A_297 = tpu.memref_squeeze %dma_start3A_296 : memref<1x128x128xf32, #tpu.memory_space<vmem>> -> memref<128x128xf32, #tpu.memory_space<vmem>>
    %dma_start3A_298 = arith.constant 0 : i32
    %dma_start3A_299 = tpu.memref_slice %arg6[%dma_start3A_292, %dma_start3A_298] : memref<13x128xi32, #tpu.memory_space<vmem>> -> memref<1x128xi32, #tpu.memory_space<vmem>>
    %dma_start3A_300 = tpu.memref_squeeze %dma_start3A_299 : memref<1x128xi32, #tpu.memory_space<vmem>> -> memref<128xi32, #tpu.memory_space<vmem>>
    %dma_start3A_301 = arith.constant 0 : i32
    %dma_start3A_302 = arith.constant 0 : i32
    %dma_start3A_303 = tpu.memref_slice %arg3[%dma_start3A_301, %dma_start3A_302] : memref<1000000x128xf32, #tpu.memory_space<hbm>> -> memref<1000000x128xf32, #tpu.memory_space<hbm>>
    tpu.enqueue_indirect_dma source(%dma_start3A_303 : memref<1000000x128xf32, #tpu.memory_space<hbm>>) target(%dma_start3A_297 : memref<128x128xf32, #tpu.memory_space<vmem>>) offsets(%dma_start3A_300 : memref<128xi32, #tpu.memory_space<vmem>>) semaphore(%arg10 : memref<!tpu.dma_semaphore, #tpu.memory_space<semaphore_mem>>)
    %dma_wait3A_304 = arith.constant 4 : i32
    %dma_wait3A_305 = arith.constant 0 : i32
    %dma_wait3A_306 = arith.constant 0 : i32
    %dma_wait3A_307 = arith.constant 0 : i32
    %dma_wait3A_308 = tpu.memref_slice %arg7[%dma_wait3A_305, %dma_wait3A_306, %dma_wait3A_307] : memref<2x128x128xf32, #tpu.memory_space<vmem>> -> memref<1x128x128xf32, #tpu.memory_space<vmem>>
    %dma_wait3A_309 = tpu.memref_squeeze %dma_wait3A_308 : memref<1x128x128xf32, #tpu.memory_space<vmem>> -> memref<128x128xf32, #tpu.memory_space<vmem>>
    %dma_wait3A_310 = arith.constant 0 : i32
    %dma_wait3A_311 = tpu.memref_slice %arg6[%dma_wait3A_304, %dma_wait3A_310] : memref<13x128xi32, #tpu.memory_space<vmem>> -> memref<1x128xi32, #tpu.memory_space<vmem>>
    %dma_wait3A_312 = tpu.memref_squeeze %dma_wait3A_311 : memref<1x128xi32, #tpu.memory_space<vmem>> -> memref<128xi32, #tpu.memory_space<vmem>>
    %dma_wait3A_313 = arith.constant 0 : i32
    %dma_wait3A_314 = arith.constant 0 : i32
    %dma_wait3A_315 = tpu.memref_slice %arg3[%dma_wait3A_313, %dma_wait3A_314] : memref<1000000x128xf32, #tpu.memory_space<hbm>> -> memref<1000000x128xf32, #tpu.memory_space<hbm>>
    tpu.wait_indirect_dma semaphore(%arg9 : memref<!tpu.dma_semaphore, #tpu.memory_space<semaphore_mem>>) src(%dma_wait3A_315 : memref<1000000x128xf32, #tpu.memory_space<hbm>>) dst(%dma_wait3A_309 : memref<128x128xf32, #tpu.memory_space<vmem>>)
    %sub3A_316 = arith.constant 512 : i32
    %sub3A_317 = arith.subi %max3A_5, %sub3A_316 : i32
    %min3A_318 = arith.constant 128 : i32
    %min3A_319 = arith.minsi %min3A_318, %sub3A_317 : i32
    %max3A_320 = arith.constant 0 : i32
    %max3A_321 = arith.maxsi %max3A_320, %min3A_319 : i32
    %while3A_322 = arith.constant 0 : i32
    %while3A_323 = arith.subi %max3A_321, %while3A_322 : i32
    %while3A_324 = arith.addi %while3A_322, %while3A_323 : i32
    %while3A_325 = arith.constant 1 : i32
    %while3A_326 = arith.divsi %while3A_323, %while3A_325 : i32
    %while3A_327 = arith.muli %while3A_326, %while3A_325 : i32
    %while3A_328 = arith.addi %while3A_322, %while3A_327 : i32
    %while3A_329 = arith.constant 1 : i32
    %while3A_330:8 = scf.for %while3A_951 = %while3A_322 to %while3A_328 step %while3A_329 iter_args(%while3A_952 = %while3A_263#0, %while3A_953 = %while3A_263#1, %while3A_954 = %while3A_263#2, %while3A_955 = %while3A_263#3, %while3A_956 = %while3A_263#4, %while3A_957 = %while3A_263#5, %while3A_958 = %while3A_263#6, %while3A_959 = %while3A_263#7) -> (vector<16xf32>, vector<16xf32>, vector<16xf32>, vector<16xf32>, vector<16xf32>, vector<16xf32>, vector<16xf32>, vector<16xf32>)  : i32 {
      %get3A = arith.constant 0 : i32
      %get3A_960 = arith.index_cast %get3A : i32 to index
      %get3A_961 = arith.index_cast %while3A_951 : i32 to index
      %get3A_962 = arith.constant 0 : index
      %get3A_963 = tpu.vector_load %arg7[%get3A_960, %get3A_961, %get3A_962] {strides = array<i32>} : memref<2x128x128xf32, #tpu.memory_space<vmem>>, vector<1x1x16xf32>,
      %get3A_964 = vector.shape_cast %get3A_963 : vector<1x1x16xf32> to vector<16xf32>
      %add3A_965 = arith.addf %while3A_952, %get3A_964 : vector<16xf32>
      %mul3A_966 = arith.mulf %get3A_964, %get3A_964 : vector<16xf32>
      %add3A_967 = arith.addf %while3A_956, %mul3A_966 : vector<16xf32>
      %get3A_968 = arith.constant 0 : i32
      %get3A_969 = arith.index_cast %get3A_968 : i32 to index
      %get3A_970 = arith.index_cast %while3A_951 : i32 to index
      %get3A_971 = arith.constant 16 : index
      %get3A_972 = tpu.vector_load %arg7[%get3A_969, %get3A_970, %get3A_971] {strides = array<i32>} : memref<2x128x128xf32, #tpu.memory_space<vmem>>, vector<1x1x16xf32>,
      %get3A_973 = vector.shape_cast %get3A_972 : vector<1x1x16xf32> to vector<16xf32>
      %add3A_974 = arith.addf %while3A_953, %get3A_973 : vector<16xf32>
      %mul3A_975 = arith.mulf %get3A_973, %get3A_973 : vector<16xf32>
      %add3A_976 = arith.addf %while3A_957, %mul3A_975 : vector<16xf32>
      %get3A_977 = arith.constant 0 : i32
      %get3A_978 = arith.index_cast %get3A_977 : i32 to index
      %get3A_979 = arith.index_cast %while3A_951 : i32 to index
      %get3A_980 = arith.constant 32 : index
      %get3A_981 = tpu.vector_load %arg7[%get3A_978, %get3A_979, %get3A_980] {strides = array<i32>} : memref<2x128x128xf32, #tpu.memory_space<vmem>>, vector<1x1x16xf32>,
      %get3A_982 = vector.shape_cast %get3A_981 : vector<1x1x16xf32> to vector<16xf32>
      %add3A_983 = arith.addf %while3A_954, %get3A_982 : vector<16xf32>
      %mul3A_984 = arith.mulf %get3A_982, %get3A_982 : vector<16xf32>
      %add3A_985 = arith.addf %while3A_958, %mul3A_984 : vector<16xf32>
      %get3A_986 = arith.constant 0 : i32
      %get3A_987 = arith.index_cast %get3A_986 : i32 to index
      %get3A_988 = arith.index_cast %while3A_951 : i32 to index
      %get3A_989 = arith.constant 48 : index
      %get3A_990 = tpu.vector_load %arg7[%get3A_987, %get3A_988, %get3A_989] {strides = array<i32>} : memref<2x128x128xf32, #tpu.memory_space<vmem>>, vector<1x1x16xf32>,
      %get3A_991 = vector.shape_cast %get3A_990 : vector<1x1x16xf32> to vector<16xf32>
      %add3A_992 = arith.addf %while3A_955, %get3A_991 : vector<16xf32>
      %mul3A_993 = arith.mulf %get3A_991, %get3A_991 : vector<16xf32>
      %add3A_994 = arith.addf %while3A_959, %mul3A_993 : vector<16xf32>
      scf.yield %add3A_965, %add3A_974, %add3A_983, %add3A_992, %add3A_967, %add3A_976, %add3A_985, %add3A_994 : vector<16xf32>, vector<16xf32>, vector<16xf32>, vector<16xf32>, vector<16xf32>, vector<16xf32>, vector<16xf32>, vector<16xf32>
    }
    %while3A_331 = arith.constant 1 : i32
    %while3A_332:8 = scf.for %while3A_951 = %while3A_328 to %while3A_324 step %while3A_331 iter_args(%while3A_952 = %while3A_330#0, %while3A_953 = %while3A_330#1, %while3A_954 = %while3A_330#2, %while3A_955 = %while3A_330#3, %while3A_956 = %while3A_330#4, %while3A_957 = %while3A_330#5, %while3A_958 = %while3A_330#6, %while3A_959 = %while3A_330#7) -> (vector<16xf32>, vector<16xf32>, vector<16xf32>, vector<16xf32>, vector<16xf32>, vector<16xf32>, vector<16xf32>, vector<16xf32>)  : i32 {
      %get3A = arith.constant 0 : i32
      %get3A_960 = arith.index_cast %get3A : i32 to index
      %get3A_961 = arith.index_cast %while3A_951 : i32 to index
      %get3A_962 = arith.constant 0 : index
      %get3A_963 = tpu.vector_load %arg7[%get3A_960, %get3A_961, %get3A_962] {strides = array<i32>} : memref<2x128x128xf32, #tpu.memory_space<vmem>>, vector<1x1x16xf32>,
      %get3A_964 = vector.shape_cast %get3A_963 : vector<1x1x16xf32> to vector<16xf32>
      %add3A_965 = arith.addf %while3A_952, %get3A_964 : vector<16xf32>
      %mul3A_966 = arith.mulf %get3A_964, %get3A_964 : vector<16xf32>
      %add3A_967 = arith.addf %while3A_956, %mul3A_966 : vector<16xf32>
      %get3A_968 = arith.constant 0 : i32
      %get3A_969 = arith.index_cast %get3A_968 : i32 to index
      %get3A_970 = arith.index_cast %while3A_951 : i32 to index
      %get3A_971 = arith.constant 16 : index
      %get3A_972 = tpu.vector_load %arg7[%get3A_969, %get3A_970, %get3A_971] {strides = array<i32>} : memref<2x128x128xf32, #tpu.memory_space<vmem>>, vector<1x1x16xf32>,
      %get3A_973 = vector.shape_cast %get3A_972 : vector<1x1x16xf32> to vector<16xf32>
      %add3A_974 = arith.addf %while3A_953, %get3A_973 : vector<16xf32>
      %mul3A_975 = arith.mulf %get3A_973, %get3A_973 : vector<16xf32>
      %add3A_976 = arith.addf %while3A_957, %mul3A_975 : vector<16xf32>
      %get3A_977 = arith.constant 0 : i32
      %get3A_978 = arith.index_cast %get3A_977 : i32 to index
      %get3A_979 = arith.index_cast %while3A_951 : i32 to index
      %get3A_980 = arith.constant 32 : index
      %get3A_981 = tpu.vector_load %arg7[%get3A_978, %get3A_979, %get3A_980] {strides = array<i32>} : memref<2x128x128xf32, #tpu.memory_space<vmem>>, vector<1x1x16xf32>,
      %get3A_982 = vector.shape_cast %get3A_981 : vector<1x1x16xf32> to vector<16xf32>
      %add3A_983 = arith.addf %while3A_954, %get3A_982 : vector<16xf32>
      %mul3A_984 = arith.mulf %get3A_982, %get3A_982 : vector<16xf32>
      %add3A_985 = arith.addf %while3A_958, %mul3A_984 : vector<16xf32>
      %get3A_986 = arith.constant 0 : i32
      %get3A_987 = arith.index_cast %get3A_986 : i32 to index
      %get3A_988 = arith.index_cast %while3A_951 : i32 to index
      %get3A_989 = arith.constant 48 : index
      %get3A_990 = tpu.vector_load %arg7[%get3A_987, %get3A_988, %get3A_989] {strides = array<i32>} : memref<2x128x128xf32, #tpu.memory_space<vmem>>, vector<1x1x16xf32>,
      %get3A_991 = vector.shape_cast %get3A_990 : vector<1x1x16xf32> to vector<16xf32>
      %add3A_992 = arith.addf %while3A_955, %get3A_991 : vector<16xf32>
      %mul3A_993 = arith.mulf %get3A_991, %get3A_991 : vector<16xf32>
      %add3A_994 = arith.addf %while3A_959, %mul3A_993 : vector<16xf32>
      scf.yield %add3A_965, %add3A_974, %add3A_983, %add3A_992, %add3A_967, %add3A_976, %add3A_985, %add3A_994 : vector<16xf32>, vector<16xf32>, vector<16xf32>, vector<16xf32>, vector<16xf32>, vector<16xf32>, vector<16xf32>, vector<16xf32>
    }
    %add3A_333 = arith.constant 512 : i32
    %add3A_334 = arith.addi %mul3A_2, %add3A_333 : i32
    %dma_start3A_335 = arith.constant 0 : i32
    %dma_start3A_336 = arith.constant 0 : i32
    %dma_start3A_337 = arith.constant 0 : i32
    %dma_start3A_338 = tpu.memref_slice %arg7[%dma_start3A_335, %dma_start3A_336, %dma_start3A_337] : memref<2x128x128xf32, #tpu.memory_space<vmem>> -> memref<1x128x128xf32, #tpu.memory_space<vmem>>
    %dma_start3A_339 = tpu.memref_squeeze %dma_start3A_338 : memref<1x128x128xf32, #tpu.memory_space<vmem>> -> memref<128x128xf32, #tpu.memory_space<vmem>>
    %dma_start3A_340 = arith.constant 0 : i32
    %dma_start3A_341 = tpu.memref_slice %arg4[%add3A_334, %dma_start3A_340] : memref<53248x128xf32, #tpu.memory_space<hbm>> -> memref<128x128xf32, #tpu.memory_space<hbm>>
    %dma_start3A_342 = arith.constant 0 : i32
    %dma_start3A_343 = tpu.memref_slice %arg4[%add3A_334, %dma_start3A_342] : memref<53248x128xf32, #tpu.memory_space<hbm>> -> memref<128x128xf32, #tpu.memory_space<hbm>>
    %dma_start3A_344 = arith.constant 0 : i32
    %dma_start3A_345 = arith.constant 0 : i32
    %dma_start3A_346 = tpu.memref_slice %arg7[%dma_start3A_335, %dma_start3A_344, %dma_start3A_345] : memref<2x128x128xf32, #tpu.memory_space<vmem>> -> memref<1x128x128xf32, #tpu.memory_space<vmem>>
    %dma_start3A_347 = tpu.memref_squeeze %dma_start3A_346 : memref<1x128x128xf32, #tpu.memory_space<vmem>> -> memref<128x128xf32, #tpu.memory_space<vmem>>
    tpu.enqueue_dma source(%dma_start3A_347 : memref<128x128xf32, #tpu.memory_space<vmem>>) target(%dma_start3A_343 : memref<128x128xf32, #tpu.memory_space<hbm>>) target_semaphore(%arg11 : memref<!tpu.dma_semaphore, #tpu.memory_space<semaphore_mem>>)
    %dma_wait3A_348 = arith.constant 0 : i32
    %dma_wait3A_349 = arith.constant 0 : i32
    %dma_wait3A_350 = arith.constant 0 : i32
    %dma_wait3A_351 = tpu.memref_slice %arg7[%dma_wait3A_348, %dma_wait3A_349, %dma_wait3A_350] : memref<2x128x128xf32, #tpu.memory_space<vmem>> -> memref<1x128x128xf32, #tpu.memory_space<vmem>>
    %dma_wait3A_352 = tpu.memref_squeeze %dma_wait3A_351 : memref<1x128x128xf32, #tpu.memory_space<vmem>> -> memref<128x128xf32, #tpu.memory_space<vmem>>
    %dma_wait3A_353 = arith.constant 0 : i32
    %dma_wait3A_354 = tpu.memref_slice %arg4[%add3A_334, %dma_wait3A_353] : memref<53248x128xf32, #tpu.memory_space<hbm>> -> memref<128x128xf32, #tpu.memory_space<hbm>>
    %dma_wait3A_355 = arith.constant 0 : i32
    %dma_wait3A_356 = tpu.memref_slice %arg4[%add3A_334, %dma_wait3A_355] : memref<53248x128xf32, #tpu.memory_space<hbm>> -> memref<128x128xf32, #tpu.memory_space<hbm>>
    %dma_wait3A_357 = arith.constant 0 : i32
    %dma_wait3A_358 = arith.constant 0 : i32
    %dma_wait3A_359 = tpu.memref_slice %arg7[%dma_wait3A_348, %dma_wait3A_357, %dma_wait3A_358] : memref<2x128x128xf32, #tpu.memory_space<vmem>> -> memref<1x128x128xf32, #tpu.memory_space<vmem>>
    %dma_wait3A_360 = tpu.memref_squeeze %dma_wait3A_359 : memref<1x128x128xf32, #tpu.memory_space<vmem>> -> memref<128x128xf32, #tpu.memory_space<vmem>>
    tpu.wait_dma2 semaphore(%arg11 : memref<!tpu.dma_semaphore, #tpu.memory_space<semaphore_mem>>) src(%dma_wait3A_360 : memref<128x128xf32, #tpu.memory_space<vmem>>) dst(%dma_wait3A_356 : memref<128x128xf32, #tpu.memory_space<hbm>>)
    %dma_start3A_361 = arith.constant 6 : i32
    %dma_start3A_362 = arith.constant 0 : i32
    %dma_start3A_363 = arith.constant 0 : i32
    %dma_start3A_364 = arith.constant 0 : i32
    %dma_start3A_365 = tpu.memref_slice %arg7[%dma_start3A_362, %dma_start3A_363, %dma_start3A_364] : memref<2x128x128xf32, #tpu.memory_space<vmem>> -> memref<1x128x128xf32, #tpu.memory_space<vmem>>
    %dma_start3A_366 = tpu.memref_squeeze %dma_start3A_365 : memref<1x128x128xf32, #tpu.memory_space<vmem>> -> memref<128x128xf32, #tpu.memory_space<vmem>>
    %dma_start3A_367 = arith.constant 0 : i32
    %dma_start3A_368 = tpu.memref_slice %arg6[%dma_start3A_361, %dma_start3A_367] : memref<13x128xi32, #tpu.memory_space<vmem>> -> memref<1x128xi32, #tpu.memory_space<vmem>>
    %dma_start3A_369 = tpu.memref_squeeze %dma_start3A_368 : memref<1x128xi32, #tpu.memory_space<vmem>> -> memref<128xi32, #tpu.memory_space<vmem>>
    %dma_start3A_370 = arith.constant 0 : i32
    %dma_start3A_371 = arith.constant 0 : i32
    %dma_start3A_372 = tpu.memref_slice %arg3[%dma_start3A_370, %dma_start3A_371] : memref<1000000x128xf32, #tpu.memory_space<hbm>> -> memref<1000000x128xf32, #tpu.memory_space<hbm>>
    tpu.enqueue_indirect_dma source(%dma_start3A_372 : memref<1000000x128xf32, #tpu.memory_space<hbm>>) target(%dma_start3A_366 : memref<128x128xf32, #tpu.memory_space<vmem>>) offsets(%dma_start3A_369 : memref<128xi32, #tpu.memory_space<vmem>>) semaphore(%arg9 : memref<!tpu.dma_semaphore, #tpu.memory_space<semaphore_mem>>)
    %dma_wait3A_373 = arith.constant 5 : i32
    %dma_wait3A_374 = arith.constant 1 : i32
    %dma_wait3A_375 = arith.constant 0 : i32
    %dma_wait3A_376 = arith.constant 0 : i32
    %dma_wait3A_377 = tpu.memref_slice %arg7[%dma_wait3A_374, %dma_wait3A_375, %dma_wait3A_376] : memref<2x128x128xf32, #tpu.memory_space<vmem>> -> memref<1x128x128xf32, #tpu.memory_space<vmem>>
    %dma_wait3A_378 = tpu.memref_squeeze %dma_wait3A_377 : memref<1x128x128xf32, #tpu.memory_space<vmem>> -> memref<128x128xf32, #tpu.memory_space<vmem>>
    %dma_wait3A_379 = arith.constant 0 : i32
    %dma_wait3A_380 = tpu.memref_slice %arg6[%dma_wait3A_373, %dma_wait3A_379] : memref<13x128xi32, #tpu.memory_space<vmem>> -> memref<1x128xi32, #tpu.memory_space<vmem>>
    %dma_wait3A_381 = tpu.memref_squeeze %dma_wait3A_380 : memref<1x128xi32, #tpu.memory_space<vmem>> -> memref<128xi32, #tpu.memory_space<vmem>>
    %dma_wait3A_382 = arith.constant 0 : i32
    %dma_wait3A_383 = arith.constant 0 : i32
    %dma_wait3A_384 = tpu.memref_slice %arg3[%dma_wait3A_382, %dma_wait3A_383] : memref<1000000x128xf32, #tpu.memory_space<hbm>> -> memref<1000000x128xf32, #tpu.memory_space<hbm>>
    tpu.wait_indirect_dma semaphore(%arg10 : memref<!tpu.dma_semaphore, #tpu.memory_space<semaphore_mem>>) src(%dma_wait3A_384 : memref<1000000x128xf32, #tpu.memory_space<hbm>>) dst(%dma_wait3A_378 : memref<128x128xf32, #tpu.memory_space<vmem>>)
    %sub3A_385 = arith.constant 640 : i32
    %sub3A_386 = arith.subi %max3A_5, %sub3A_385 : i32
    %min3A_387 = arith.constant 128 : i32
    %min3A_388 = arith.minsi %min3A_387, %sub3A_386 : i32
    %max3A_389 = arith.constant 0 : i32
    %max3A_390 = arith.maxsi %max3A_389, %min3A_388 : i32
    %while3A_391 = arith.constant 0 : i32
    %while3A_392 = arith.subi %max3A_390, %while3A_391 : i32
    %while3A_393 = arith.addi %while3A_391, %while3A_392 : i32
    %while3A_394 = arith.constant 1 : i32
    %while3A_395 = arith.divsi %while3A_392, %while3A_394 : i32
    %while3A_396 = arith.muli %while3A_395, %while3A_394 : i32
    %while3A_397 = arith.addi %while3A_391, %while3A_396 : i32
    %while3A_398 = arith.constant 1 : i32
    %while3A_399:8 = scf.for %while3A_951 = %while3A_391 to %while3A_397 step %while3A_398 iter_args(%while3A_952 = %while3A_332#0, %while3A_953 = %while3A_332#1, %while3A_954 = %while3A_332#2, %while3A_955 = %while3A_332#3, %while3A_956 = %while3A_332#4, %while3A_957 = %while3A_332#5, %while3A_958 = %while3A_332#6, %while3A_959 = %while3A_332#7) -> (vector<16xf32>, vector<16xf32>, vector<16xf32>, vector<16xf32>, vector<16xf32>, vector<16xf32>, vector<16xf32>, vector<16xf32>)  : i32 {
      %get3A = arith.constant 1 : i32
      %get3A_960 = arith.index_cast %get3A : i32 to index
      %get3A_961 = arith.index_cast %while3A_951 : i32 to index
      %get3A_962 = arith.constant 0 : index
      %get3A_963 = tpu.vector_load %arg7[%get3A_960, %get3A_961, %get3A_962] {strides = array<i32>} : memref<2x128x128xf32, #tpu.memory_space<vmem>>, vector<1x1x16xf32>,
      %get3A_964 = vector.shape_cast %get3A_963 : vector<1x1x16xf32> to vector<16xf32>
      %add3A_965 = arith.addf %while3A_952, %get3A_964 : vector<16xf32>
      %mul3A_966 = arith.mulf %get3A_964, %get3A_964 : vector<16xf32>
      %add3A_967 = arith.addf %while3A_956, %mul3A_966 : vector<16xf32>
      %get3A_968 = arith.constant 1 : i32
      %get3A_969 = arith.index_cast %get3A_968 : i32 to index
      %get3A_970 = arith.index_cast %while3A_951 : i32 to index
      %get3A_971 = arith.constant 16 : index
      %get3A_972 = tpu.vector_load %arg7[%get3A_969, %get3A_970, %get3A_971] {strides = array<i32>} : memref<2x128x128xf32, #tpu.memory_space<vmem>>, vector<1x1x16xf32>,
      %get3A_973 = vector.shape_cast %get3A_972 : vector<1x1x16xf32> to vector<16xf32>
      %add3A_974 = arith.addf %while3A_953, %get3A_973 : vector<16xf32>
      %mul3A_975 = arith.mulf %get3A_973, %get3A_973 : vector<16xf32>
      %add3A_976 = arith.addf %while3A_957, %mul3A_975 : vector<16xf32>
      %get3A_977 = arith.constant 1 : i32
      %get3A_978 = arith.index_cast %get3A_977 : i32 to index
      %get3A_979 = arith.index_cast %while3A_951 : i32 to index
      %get3A_980 = arith.constant 32 : index
      %get3A_981 = tpu.vector_load %arg7[%get3A_978, %get3A_979, %get3A_980] {strides = array<i32>} : memref<2x128x128xf32, #tpu.memory_space<vmem>>, vector<1x1x16xf32>,
      %get3A_982 = vector.shape_cast %get3A_981 : vector<1x1x16xf32> to vector<16xf32>
      %add3A_983 = arith.addf %while3A_954, %get3A_982 : vector<16xf32>
      %mul3A_984 = arith.mulf %get3A_982, %get3A_982 : vector<16xf32>
      %add3A_985 = arith.addf %while3A_958, %mul3A_984 : vector<16xf32>
      %get3A_986 = arith.constant 1 : i32
      %get3A_987 = arith.index_cast %get3A_986 : i32 to index
      %get3A_988 = arith.index_cast %while3A_951 : i32 to index
      %get3A_989 = arith.constant 48 : index
      %get3A_990 = tpu.vector_load %arg7[%get3A_987, %get3A_988, %get3A_989] {strides = array<i32>} : memref<2x128x128xf32, #tpu.memory_space<vmem>>, vector<1x1x16xf32>,
      %get3A_991 = vector.shape_cast %get3A_990 : vector<1x1x16xf32> to vector<16xf32>
      %add3A_992 = arith.addf %while3A_955, %get3A_991 : vector<16xf32>
      %mul3A_993 = arith.mulf %get3A_991, %get3A_991 : vector<16xf32>
      %add3A_994 = arith.addf %while3A_959, %mul3A_993 : vector<16xf32>
      scf.yield %add3A_965, %add3A_974, %add3A_983, %add3A_992, %add3A_967, %add3A_976, %add3A_985, %add3A_994 : vector<16xf32>, vector<16xf32>, vector<16xf32>, vector<16xf32>, vector<16xf32>, vector<16xf32>, vector<16xf32>, vector<16xf32>
    }
    %while3A_400 = arith.constant 1 : i32
    %while3A_401:8 = scf.for %while3A_951 = %while3A_397 to %while3A_393 step %while3A_400 iter_args(%while3A_952 = %while3A_399#0, %while3A_953 = %while3A_399#1, %while3A_954 = %while3A_399#2, %while3A_955 = %while3A_399#3, %while3A_956 = %while3A_399#4, %while3A_957 = %while3A_399#5, %while3A_958 = %while3A_399#6, %while3A_959 = %while3A_399#7) -> (vector<16xf32>, vector<16xf32>, vector<16xf32>, vector<16xf32>, vector<16xf32>, vector<16xf32>, vector<16xf32>, vector<16xf32>)  : i32 {
      %get3A = arith.constant 1 : i32
      %get3A_960 = arith.index_cast %get3A : i32 to index
      %get3A_961 = arith.index_cast %while3A_951 : i32 to index
      %get3A_962 = arith.constant 0 : index
      %get3A_963 = tpu.vector_load %arg7[%get3A_960, %get3A_961, %get3A_962] {strides = array<i32>} : memref<2x128x128xf32, #tpu.memory_space<vmem>>, vector<1x1x16xf32>,
      %get3A_964 = vector.shape_cast %get3A_963 : vector<1x1x16xf32> to vector<16xf32>
      %add3A_965 = arith.addf %while3A_952, %get3A_964 : vector<16xf32>
      %mul3A_966 = arith.mulf %get3A_964, %get3A_964 : vector<16xf32>
      %add3A_967 = arith.addf %while3A_956, %mul3A_966 : vector<16xf32>
      %get3A_968 = arith.constant 1 : i32
      %get3A_969 = arith.index_cast %get3A_968 : i32 to index
      %get3A_970 = arith.index_cast %while3A_951 : i32 to index
      %get3A_971 = arith.constant 16 : index
      %get3A_972 = tpu.vector_load %arg7[%get3A_969, %get3A_970, %get3A_971] {strides = array<i32>} : memref<2x128x128xf32, #tpu.memory_space<vmem>>, vector<1x1x16xf32>,
      %get3A_973 = vector.shape_cast %get3A_972 : vector<1x1x16xf32> to vector<16xf32>
      %add3A_974 = arith.addf %while3A_953, %get3A_973 : vector<16xf32>
      %mul3A_975 = arith.mulf %get3A_973, %get3A_973 : vector<16xf32>
      %add3A_976 = arith.addf %while3A_957, %mul3A_975 : vector<16xf32>
      %get3A_977 = arith.constant 1 : i32
      %get3A_978 = arith.index_cast %get3A_977 : i32 to index
      %get3A_979 = arith.index_cast %while3A_951 : i32 to index
      %get3A_980 = arith.constant 32 : index
      %get3A_981 = tpu.vector_load %arg7[%get3A_978, %get3A_979, %get3A_980] {strides = array<i32>} : memref<2x128x128xf32, #tpu.memory_space<vmem>>, vector<1x1x16xf32>,
      %get3A_982 = vector.shape_cast %get3A_981 : vector<1x1x16xf32> to vector<16xf32>
      %add3A_983 = arith.addf %while3A_954, %get3A_982 : vector<16xf32>
      %mul3A_984 = arith.mulf %get3A_982, %get3A_982 : vector<16xf32>
      %add3A_985 = arith.addf %while3A_958, %mul3A_984 : vector<16xf32>
      %get3A_986 = arith.constant 1 : i32
      %get3A_987 = arith.index_cast %get3A_986 : i32 to index
      %get3A_988 = arith.index_cast %while3A_951 : i32 to index
      %get3A_989 = arith.constant 48 : index
      %get3A_990 = tpu.vector_load %arg7[%get3A_987, %get3A_988, %get3A_989] {strides = array<i32>} : memref<2x128x128xf32, #tpu.memory_space<vmem>>, vector<1x1x16xf32>,
      %get3A_991 = vector.shape_cast %get3A_990 : vector<1x1x16xf32> to vector<16xf32>
      %add3A_992 = arith.addf %while3A_955, %get3A_991 : vector<16xf32>
      %mul3A_993 = arith.mulf %get3A_991, %get3A_991 : vector<16xf32>
      %add3A_994 = arith.addf %while3A_959, %mul3A_993 : vector<16xf32>
      scf.yield %add3A_965, %add3A_974, %add3A_983, %add3A_992, %add3A_967, %add3A_976, %add3A_985, %add3A_994 : vector<16xf32>, vector<16xf32>, vector<16xf32>, vector<16xf32>, vector<16xf32>, vector<16xf32>, vector<16xf32>, vector<16xf32>
    }
    %add3A_402 = arith.constant 640 : i32
    %add3A_403 = arith.addi %mul3A_2, %add3A_402 : i32
    %dma_start3A_404 = arith.constant 1 : i32
    %dma_start3A_405 = arith.constant 0 : i32
    %dma_start3A_406 = arith.constant 0 : i32
    %dma_start3A_407 = tpu.memref_slice %arg7[%dma_start3A_404, %dma_start3A_405, %dma_start3A_406] : memref<2x128x128xf32, #tpu.memory_space<vmem>> -> memref<1x128x128xf32, #tpu.memory_space<vmem>>
    %dma_start3A_408 = tpu.memref_squeeze %dma_start3A_407 : memref<1x128x128xf32, #tpu.memory_space<vmem>> -> memref<128x128xf32, #tpu.memory_space<vmem>>
    %dma_start3A_409 = arith.constant 0 : i32
    %dma_start3A_410 = tpu.memref_slice %arg4[%add3A_403, %dma_start3A_409] : memref<53248x128xf32, #tpu.memory_space<hbm>> -> memref<128x128xf32, #tpu.memory_space<hbm>>
    %dma_start3A_411 = arith.constant 0 : i32
    %dma_start3A_412 = tpu.memref_slice %arg4[%add3A_403, %dma_start3A_411] : memref<53248x128xf32, #tpu.memory_space<hbm>> -> memref<128x128xf32, #tpu.memory_space<hbm>>
    %dma_start3A_413 = arith.constant 0 : i32
    %dma_start3A_414 = arith.constant 0 : i32
    %dma_start3A_415 = tpu.memref_slice %arg7[%dma_start3A_404, %dma_start3A_413, %dma_start3A_414] : memref<2x128x128xf32, #tpu.memory_space<vmem>> -> memref<1x128x128xf32, #tpu.memory_space<vmem>>
    %dma_start3A_416 = tpu.memref_squeeze %dma_start3A_415 : memref<1x128x128xf32, #tpu.memory_space<vmem>> -> memref<128x128xf32, #tpu.memory_space<vmem>>
    tpu.enqueue_dma source(%dma_start3A_416 : memref<128x128xf32, #tpu.memory_space<vmem>>) target(%dma_start3A_412 : memref<128x128xf32, #tpu.memory_space<hbm>>) target_semaphore(%arg12 : memref<!tpu.dma_semaphore, #tpu.memory_space<semaphore_mem>>)
    %dma_wait3A_417 = arith.constant 1 : i32
    %dma_wait3A_418 = arith.constant 0 : i32
    %dma_wait3A_419 = arith.constant 0 : i32
    %dma_wait3A_420 = tpu.memref_slice %arg7[%dma_wait3A_417, %dma_wait3A_418, %dma_wait3A_419] : memref<2x128x128xf32, #tpu.memory_space<vmem>> -> memref<1x128x128xf32, #tpu.memory_space<vmem>>
    %dma_wait3A_421 = tpu.memref_squeeze %dma_wait3A_420 : memref<1x128x128xf32, #tpu.memory_space<vmem>> -> memref<128x128xf32, #tpu.memory_space<vmem>>
    %dma_wait3A_422 = arith.constant 0 : i32
    %dma_wait3A_423 = tpu.memref_slice %arg4[%add3A_403, %dma_wait3A_422] : memref<53248x128xf32, #tpu.memory_space<hbm>> -> memref<128x128xf32, #tpu.memory_space<hbm>>
    %dma_wait3A_424 = arith.constant 0 : i32
    %dma_wait3A_425 = tpu.memref_slice %arg4[%add3A_403, %dma_wait3A_424] : memref<53248x128xf32, #tpu.memory_space<hbm>> -> memref<128x128xf32, #tpu.memory_space<hbm>>
    %dma_wait3A_426 = arith.constant 0 : i32
    %dma_wait3A_427 = arith.constant 0 : i32
    %dma_wait3A_428 = tpu.memref_slice %arg7[%dma_wait3A_417, %dma_wait3A_426, %dma_wait3A_427] : memref<2x128x128xf32, #tpu.memory_space<vmem>> -> memref<1x128x128xf32, #tpu.memory_space<vmem>>
    %dma_wait3A_429 = tpu.memref_squeeze %dma_wait3A_428 : memref<1x128x128xf32, #tpu.memory_space<vmem>> -> memref<128x128xf32, #tpu.memory_space<vmem>>
    tpu.wait_dma2 semaphore(%arg12 : memref<!tpu.dma_semaphore, #tpu.memory_space<semaphore_mem>>) src(%dma_wait3A_429 : memref<128x128xf32, #tpu.memory_space<vmem>>) dst(%dma_wait3A_425 : memref<128x128xf32, #tpu.memory_space<hbm>>)
    %dma_start3A_430 = arith.constant 7 : i32
    %dma_start3A_431 = arith.constant 1 : i32
    %dma_start3A_432 = arith.constant 0 : i32
    %dma_start3A_433 = arith.constant 0 : i32
    %dma_start3A_434 = tpu.memref_slice %arg7[%dma_start3A_431, %dma_start3A_432, %dma_start3A_433] : memref<2x128x128xf32, #tpu.memory_space<vmem>> -> memref<1x128x128xf32, #tpu.memory_space<vmem>>
    %dma_start3A_435 = tpu.memref_squeeze %dma_start3A_434 : memref<1x128x128xf32, #tpu.memory_space<vmem>> -> memref<128x128xf32, #tpu.memory_space<vmem>>
    %dma_start3A_436 = arith.constant 0 : i32
    %dma_start3A_437 = tpu.memref_slice %arg6[%dma_start3A_430, %dma_start3A_436] : memref<13x128xi32, #tpu.memory_space<vmem>> -> memref<1x128xi32, #tpu.memory_space<vmem>>
    %dma_start3A_438 = tpu.memref_squeeze %dma_start3A_437 : memref<1x128xi32, #tpu.memory_space<vmem>> -> memref<128xi32, #tpu.memory_space<vmem>>
    %dma_start3A_439 = arith.constant 0 : i32
    %dma_start3A_440 = arith.constant 0 : i32
    %dma_start3A_441 = tpu.memref_slice %arg3[%dma_start3A_439, %dma_start3A_440] : memref<1000000x128xf32, #tpu.memory_space<hbm>> -> memref<1000000x128xf32, #tpu.memory_space<hbm>>
    tpu.enqueue_indirect_dma source(%dma_start3A_441 : memref<1000000x128xf32, #tpu.memory_space<hbm>>) target(%dma_start3A_435 : memref<128x128xf32, #tpu.memory_space<vmem>>) offsets(%dma_start3A_438 : memref<128xi32, #tpu.memory_space<vmem>>) semaphore(%arg10 : memref<!tpu.dma_semaphore, #tpu.memory_space<semaphore_mem>>)
    %dma_wait3A_442 = arith.constant 6 : i32
    %dma_wait3A_443 = arith.constant 0 : i32
    %dma_wait3A_444 = arith.constant 0 : i32
    %dma_wait3A_445 = arith.constant 0 : i32
    %dma_wait3A_446 = tpu.memref_slice %arg7[%dma_wait3A_443, %dma_wait3A_444, %dma_wait3A_445] : memref<2x128x128xf32, #tpu.memory_space<vmem>> -> memref<1x128x128xf32, #tpu.memory_space<vmem>>
    %dma_wait3A_447 = tpu.memref_squeeze %dma_wait3A_446 : memref<1x128x128xf32, #tpu.memory_space<vmem>> -> memref<128x128xf32, #tpu.memory_space<vmem>>
    %dma_wait3A_448 = arith.constant 0 : i32
    %dma_wait3A_449 = tpu.memref_slice %arg6[%dma_wait3A_442, %dma_wait3A_448] : memref<13x128xi32, #tpu.memory_space<vmem>> -> memref<1x128xi32, #tpu.memory_space<vmem>>
    %dma_wait3A_450 = tpu.memref_squeeze %dma_wait3A_449 : memref<1x128xi32, #tpu.memory_space<vmem>> -> memref<128xi32, #tpu.memory_space<vmem>>
    %dma_wait3A_451 = arith.constant 0 : i32
    %dma_wait3A_452 = arith.constant 0 : i32
    %dma_wait3A_453 = tpu.memref_slice %arg3[%dma_wait3A_451, %dma_wait3A_452] : memref<1000000x128xf32, #tpu.memory_space<hbm>> -> memref<1000000x128xf32, #tpu.memory_space<hbm>>
    tpu.wait_indirect_dma semaphore(%arg9 : memref<!tpu.dma_semaphore, #tpu.memory_space<semaphore_mem>>) src(%dma_wait3A_453 : memref<1000000x128xf32, #tpu.memory_space<hbm>>) dst(%dma_wait3A_447 : memref<128x128xf32, #tpu.memory_space<vmem>>)
    %sub3A_454 = arith.constant 768 : i32
    %sub3A_455 = arith.subi %max3A_5, %sub3A_454 : i32
    %min3A_456 = arith.constant 128 : i32
    %min3A_457 = arith.minsi %min3A_456, %sub3A_455 : i32
    %max3A_458 = arith.constant 0 : i32
    %max3A_459 = arith.maxsi %max3A_458, %min3A_457 : i32
    %while3A_460 = arith.constant 0 : i32
    %while3A_461 = arith.subi %max3A_459, %while3A_460 : i32
    %while3A_462 = arith.addi %while3A_460, %while3A_461 : i32
    %while3A_463 = arith.constant 1 : i32
    %while3A_464 = arith.divsi %while3A_461, %while3A_463 : i32
    %while3A_465 = arith.muli %while3A_464, %while3A_463 : i32
    %while3A_466 = arith.addi %while3A_460, %while3A_465 : i32
    %while3A_467 = arith.constant 1 : i32
    %while3A_468:8 = scf.for %while3A_951 = %while3A_460 to %while3A_466 step %while3A_467 iter_args(%while3A_952 = %while3A_401#0, %while3A_953 = %while3A_401#1, %while3A_954 = %while3A_401#2, %while3A_955 = %while3A_401#3, %while3A_956 = %while3A_401#4, %while3A_957 = %while3A_401#5, %while3A_958 = %while3A_401#6, %while3A_959 = %while3A_401#7) -> (vector<16xf32>, vector<16xf32>, vector<16xf32>, vector<16xf32>, vector<16xf32>, vector<16xf32>, vector<16xf32>, vector<16xf32>)  : i32 {
      %get3A = arith.constant 0 : i32
      %get3A_960 = arith.index_cast %get3A : i32 to index
      %get3A_961 = arith.index_cast %while3A_951 : i32 to index
      %get3A_962 = arith.constant 0 : index
      %get3A_963 = tpu.vector_load %arg7[%get3A_960, %get3A_961, %get3A_962] {strides = array<i32>} : memref<2x128x128xf32, #tpu.memory_space<vmem>>, vector<1x1x16xf32>,
      %get3A_964 = vector.shape_cast %get3A_963 : vector<1x1x16xf32> to vector<16xf32>
      %add3A_965 = arith.addf %while3A_952, %get3A_964 : vector<16xf32>
      %mul3A_966 = arith.mulf %get3A_964, %get3A_964 : vector<16xf32>
      %add3A_967 = arith.addf %while3A_956, %mul3A_966 : vector<16xf32>
      %get3A_968 = arith.constant 0 : i32
      %get3A_969 = arith.index_cast %get3A_968 : i32 to index
      %get3A_970 = arith.index_cast %while3A_951 : i32 to index
      %get3A_971 = arith.constant 16 : index
      %get3A_972 = tpu.vector_load %arg7[%get3A_969, %get3A_970, %get3A_971] {strides = array<i32>} : memref<2x128x128xf32, #tpu.memory_space<vmem>>, vector<1x1x16xf32>,
      %get3A_973 = vector.shape_cast %get3A_972 : vector<1x1x16xf32> to vector<16xf32>
      %add3A_974 = arith.addf %while3A_953, %get3A_973 : vector<16xf32>
      %mul3A_975 = arith.mulf %get3A_973, %get3A_973 : vector<16xf32>
      %add3A_976 = arith.addf %while3A_957, %mul3A_975 : vector<16xf32>
      %get3A_977 = arith.constant 0 : i32
      %get3A_978 = arith.index_cast %get3A_977 : i32 to index
      %get3A_979 = arith.index_cast %while3A_951 : i32 to index
      %get3A_980 = arith.constant 32 : index
      %get3A_981 = tpu.vector_load %arg7[%get3A_978, %get3A_979, %get3A_980] {strides = array<i32>} : memref<2x128x128xf32, #tpu.memory_space<vmem>>, vector<1x1x16xf32>,
      %get3A_982 = vector.shape_cast %get3A_981 : vector<1x1x16xf32> to vector<16xf32>
      %add3A_983 = arith.addf %while3A_954, %get3A_982 : vector<16xf32>
      %mul3A_984 = arith.mulf %get3A_982, %get3A_982 : vector<16xf32>
      %add3A_985 = arith.addf %while3A_958, %mul3A_984 : vector<16xf32>
      %get3A_986 = arith.constant 0 : i32
      %get3A_987 = arith.index_cast %get3A_986 : i32 to index
      %get3A_988 = arith.index_cast %while3A_951 : i32 to index
      %get3A_989 = arith.constant 48 : index
      %get3A_990 = tpu.vector_load %arg7[%get3A_987, %get3A_988, %get3A_989] {strides = array<i32>} : memref<2x128x128xf32, #tpu.memory_space<vmem>>, vector<1x1x16xf32>,
      %get3A_991 = vector.shape_cast %get3A_990 : vector<1x1x16xf32> to vector<16xf32>
      %add3A_992 = arith.addf %while3A_955, %get3A_991 : vector<16xf32>
      %mul3A_993 = arith.mulf %get3A_991, %get3A_991 : vector<16xf32>
      %add3A_994 = arith.addf %while3A_959, %mul3A_993 : vector<16xf32>
      scf.yield %add3A_965, %add3A_974, %add3A_983, %add3A_992, %add3A_967, %add3A_976, %add3A_985, %add3A_994 : vector<16xf32>, vector<16xf32>, vector<16xf32>, vector<16xf32>, vector<16xf32>, vector<16xf32>, vector<16xf32>, vector<16xf32>
    }
    %while3A_469 = arith.constant 1 : i32
    %while3A_470:8 = scf.for %while3A_951 = %while3A_466 to %while3A_462 step %while3A_469 iter_args(%while3A_952 = %while3A_468#0, %while3A_953 = %while3A_468#1, %while3A_954 = %while3A_468#2, %while3A_955 = %while3A_468#3, %while3A_956 = %while3A_468#4, %while3A_957 = %while3A_468#5, %while3A_958 = %while3A_468#6, %while3A_959 = %while3A_468#7) -> (vector<16xf32>, vector<16xf32>, vector<16xf32>, vector<16xf32>, vector<16xf32>, vector<16xf32>, vector<16xf32>, vector<16xf32>)  : i32 {
      %get3A = arith.constant 0 : i32
      %get3A_960 = arith.index_cast %get3A : i32 to index
      %get3A_961 = arith.index_cast %while3A_951 : i32 to index
      %get3A_962 = arith.constant 0 : index
      %get3A_963 = tpu.vector_load %arg7[%get3A_960, %get3A_961, %get3A_962] {strides = array<i32>} : memref<2x128x128xf32, #tpu.memory_space<vmem>>, vector<1x1x16xf32>,
      %get3A_964 = vector.shape_cast %get3A_963 : vector<1x1x16xf32> to vector<16xf32>
      %add3A_965 = arith.addf %while3A_952, %get3A_964 : vector<16xf32>
      %mul3A_966 = arith.mulf %get3A_964, %get3A_964 : vector<16xf32>
      %add3A_967 = arith.addf %while3A_956, %mul3A_966 : vector<16xf32>
      %get3A_968 = arith.constant 0 : i32
      %get3A_969 = arith.index_cast %get3A_968 : i32 to index
      %get3A_970 = arith.index_cast %while3A_951 : i32 to index
      %get3A_971 = arith.constant 16 : index
      %get3A_972 = tpu.vector_load %arg7[%get3A_969, %get3A_970, %get3A_971] {strides = array<i32>} : memref<2x128x128xf32, #tpu.memory_space<vmem>>, vector<1x1x16xf32>,
      %get3A_973 = vector.shape_cast %get3A_972 : vector<1x1x16xf32> to vector<16xf32>
      %add3A_974 = arith.addf %while3A_953, %get3A_973 : vector<16xf32>
      %mul3A_975 = arith.mulf %get3A_973, %get3A_973 : vector<16xf32>
      %add3A_976 = arith.addf %while3A_957, %mul3A_975 : vector<16xf32>
      %get3A_977 = arith.constant 0 : i32
      %get3A_978 = arith.index_cast %get3A_977 : i32 to index
      %get3A_979 = arith.index_cast %while3A_951 : i32 to index
      %get3A_980 = arith.constant 32 : index
      %get3A_981 = tpu.vector_load %arg7[%get3A_978, %get3A_979, %get3A_980] {strides = array<i32>} : memref<2x128x128xf32, #tpu.memory_space<vmem>>, vector<1x1x16xf32>,
      %get3A_982 = vector.shape_cast %get3A_981 : vector<1x1x16xf32> to vector<16xf32>
      %add3A_983 = arith.addf %while3A_954, %get3A_982 : vector<16xf32>
      %mul3A_984 = arith.mulf %get3A_982, %get3A_982 : vector<16xf32>
      %add3A_985 = arith.addf %while3A_958, %mul3A_984 : vector<16xf32>
      %get3A_986 = arith.constant 0 : i32
      %get3A_987 = arith.index_cast %get3A_986 : i32 to index
      %get3A_988 = arith.index_cast %while3A_951 : i32 to index
      %get3A_989 = arith.constant 48 : index
      %get3A_990 = tpu.vector_load %arg7[%get3A_987, %get3A_988, %get3A_989] {strides = array<i32>} : memref<2x128x128xf32, #tpu.memory_space<vmem>>, vector<1x1x16xf32>,
      %get3A_991 = vector.shape_cast %get3A_990 : vector<1x1x16xf32> to vector<16xf32>
      %add3A_992 = arith.addf %while3A_955, %get3A_991 : vector<16xf32>
      %mul3A_993 = arith.mulf %get3A_991, %get3A_991 : vector<16xf32>
      %add3A_994 = arith.addf %while3A_959, %mul3A_993 : vector<16xf32>
      scf.yield %add3A_965, %add3A_974, %add3A_983, %add3A_992, %add3A_967, %add3A_976, %add3A_985, %add3A_994 : vector<16xf32>, vector<16xf32>, vector<16xf32>, vector<16xf32>, vector<16xf32>, vector<16xf32>, vector<16xf32>, vector<16xf32>
    }
    %add3A_471 = arith.constant 768 : i32
    %add3A_472 = arith.addi %mul3A_2, %add3A_471 : i32
    %dma_start3A_473 = arith.constant 0 : i32
    %dma_start3A_474 = arith.constant 0 : i32
    %dma_start3A_475 = arith.constant 0 : i32
    %dma_start3A_476 = tpu.memref_slice %arg7[%dma_start3A_473, %dma_start3A_474, %dma_start3A_475] : memref<2x128x128xf32, #tpu.memory_space<vmem>> -> memref<1x128x128xf32, #tpu.memory_space<vmem>>
    %dma_start3A_477 = tpu.memref_squeeze %dma_start3A_476 : memref<1x128x128xf32, #tpu.memory_space<vmem>> -> memref<128x128xf32, #tpu.memory_space<vmem>>
    %dma_start3A_478 = arith.constant 0 : i32
    %dma_start3A_479 = tpu.memref_slice %arg4[%add3A_472, %dma_start3A_478] : memref<53248x128xf32, #tpu.memory_space<hbm>> -> memref<128x128xf32, #tpu.memory_space<hbm>>
    %dma_start3A_480 = arith.constant 0 : i32
    %dma_start3A_481 = tpu.memref_slice %arg4[%add3A_472, %dma_start3A_480] : memref<53248x128xf32, #tpu.memory_space<hbm>> -> memref<128x128xf32, #tpu.memory_space<hbm>>
    %dma_start3A_482 = arith.constant 0 : i32
    %dma_start3A_483 = arith.constant 0 : i32
    %dma_start3A_484 = tpu.memref_slice %arg7[%dma_start3A_473, %dma_start3A_482, %dma_start3A_483] : memref<2x128x128xf32, #tpu.memory_space<vmem>> -> memref<1x128x128xf32, #tpu.memory_space<vmem>>
    %dma_start3A_485 = tpu.memref_squeeze %dma_start3A_484 : memref<1x128x128xf32, #tpu.memory_space<vmem>> -> memref<128x128xf32, #tpu.memory_space<vmem>>
    tpu.enqueue_dma source(%dma_start3A_485 : memref<128x128xf32, #tpu.memory_space<vmem>>) target(%dma_start3A_481 : memref<128x128xf32, #tpu.memory_space<hbm>>) target_semaphore(%arg11 : memref<!tpu.dma_semaphore, #tpu.memory_space<semaphore_mem>>)
    %dma_wait3A_486 = arith.constant 0 : i32
    %dma_wait3A_487 = arith.constant 0 : i32
    %dma_wait3A_488 = arith.constant 0 : i32
    %dma_wait3A_489 = tpu.memref_slice %arg7[%dma_wait3A_486, %dma_wait3A_487, %dma_wait3A_488] : memref<2x128x128xf32, #tpu.memory_space<vmem>> -> memref<1x128x128xf32, #tpu.memory_space<vmem>>
    %dma_wait3A_490 = tpu.memref_squeeze %dma_wait3A_489 : memref<1x128x128xf32, #tpu.memory_space<vmem>> -> memref<128x128xf32, #tpu.memory_space<vmem>>
    %dma_wait3A_491 = arith.constant 0 : i32
    %dma_wait3A_492 = tpu.memref_slice %arg4[%add3A_472, %dma_wait3A_491] : memref<53248x128xf32, #tpu.memory_space<hbm>> -> memref<128x128xf32, #tpu.memory_space<hbm>>
    %dma_wait3A_493 = arith.constant 0 : i32
    %dma_wait3A_494 = tpu.memref_slice %arg4[%add3A_472, %dma_wait3A_493] : memref<53248x128xf32, #tpu.memory_space<hbm>> -> memref<128x128xf32, #tpu.memory_space<hbm>>
    %dma_wait3A_495 = arith.constant 0 : i32
    %dma_wait3A_496 = arith.constant 0 : i32
    %dma_wait3A_497 = tpu.memref_slice %arg7[%dma_wait3A_486, %dma_wait3A_495, %dma_wait3A_496] : memref<2x128x128xf32, #tpu.memory_space<vmem>> -> memref<1x128x128xf32, #tpu.memory_space<vmem>>
    %dma_wait3A_498 = tpu.memref_squeeze %dma_wait3A_497 : memref<1x128x128xf32, #tpu.memory_space<vmem>> -> memref<128x128xf32, #tpu.memory_space<vmem>>
    tpu.wait_dma2 semaphore(%arg11 : memref<!tpu.dma_semaphore, #tpu.memory_space<semaphore_mem>>) src(%dma_wait3A_498 : memref<128x128xf32, #tpu.memory_space<vmem>>) dst(%dma_wait3A_494 : memref<128x128xf32, #tpu.memory_space<hbm>>)
    %dma_start3A_499 = arith.constant 8 : i32
    %dma_start3A_500 = arith.constant 0 : i32
    %dma_start3A_501 = arith.constant 0 : i32
    %dma_start3A_502 = arith.constant 0 : i32
    %dma_start3A_503 = tpu.memref_slice %arg7[%dma_start3A_500, %dma_start3A_501, %dma_start3A_502] : memref<2x128x128xf32, #tpu.memory_space<vmem>> -> memref<1x128x128xf32, #tpu.memory_space<vmem>>
    %dma_start3A_504 = tpu.memref_squeeze %dma_start3A_503 : memref<1x128x128xf32, #tpu.memory_space<vmem>> -> memref<128x128xf32, #tpu.memory_space<vmem>>
    %dma_start3A_505 = arith.constant 0 : i32
    %dma_start3A_506 = tpu.memref_slice %arg6[%dma_start3A_499, %dma_start3A_505] : memref<13x128xi32, #tpu.memory_space<vmem>> -> memref<1x128xi32, #tpu.memory_space<vmem>>
    %dma_start3A_507 = tpu.memref_squeeze %dma_start3A_506 : memref<1x128xi32, #tpu.memory_space<vmem>> -> memref<128xi32, #tpu.memory_space<vmem>>
    %dma_start3A_508 = arith.constant 0 : i32
    %dma_start3A_509 = arith.constant 0 : i32
    %dma_start3A_510 = tpu.memref_slice %arg3[%dma_start3A_508, %dma_start3A_509] : memref<1000000x128xf32, #tpu.memory_space<hbm>> -> memref<1000000x128xf32, #tpu.memory_space<hbm>>
    tpu.enqueue_indirect_dma source(%dma_start3A_510 : memref<1000000x128xf32, #tpu.memory_space<hbm>>) target(%dma_start3A_504 : memref<128x128xf32, #tpu.memory_space<vmem>>) offsets(%dma_start3A_507 : memref<128xi32, #tpu.memory_space<vmem>>) semaphore(%arg9 : memref<!tpu.dma_semaphore, #tpu.memory_space<semaphore_mem>>)
    %dma_wait3A_511 = arith.constant 7 : i32
    %dma_wait3A_512 = arith.constant 1 : i32
    %dma_wait3A_513 = arith.constant 0 : i32
    %dma_wait3A_514 = arith.constant 0 : i32
    %dma_wait3A_515 = tpu.memref_slice %arg7[%dma_wait3A_512, %dma_wait3A_513, %dma_wait3A_514] : memref<2x128x128xf32, #tpu.memory_space<vmem>> -> memref<1x128x128xf32, #tpu.memory_space<vmem>>
    %dma_wait3A_516 = tpu.memref_squeeze %dma_wait3A_515 : memref<1x128x128xf32, #tpu.memory_space<vmem>> -> memref<128x128xf32, #tpu.memory_space<vmem>>
    %dma_wait3A_517 = arith.constant 0 : i32
    %dma_wait3A_518 = tpu.memref_slice %arg6[%dma_wait3A_511, %dma_wait3A_517] : memref<13x128xi32, #tpu.memory_space<vmem>> -> memref<1x128xi32, #tpu.memory_space<vmem>>
    %dma_wait3A_519 = tpu.memref_squeeze %dma_wait3A_518 : memref<1x128xi32, #tpu.memory_space<vmem>> -> memref<128xi32, #tpu.memory_space<vmem>>
    %dma_wait3A_520 = arith.constant 0 : i32
    %dma_wait3A_521 = arith.constant 0 : i32
    %dma_wait3A_522 = tpu.memref_slice %arg3[%dma_wait3A_520, %dma_wait3A_521] : memref<1000000x128xf32, #tpu.memory_space<hbm>> -> memref<1000000x128xf32, #tpu.memory_space<hbm>>
    tpu.wait_indirect_dma semaphore(%arg10 : memref<!tpu.dma_semaphore, #tpu.memory_space<semaphore_mem>>) src(%dma_wait3A_522 : memref<1000000x128xf32, #tpu.memory_space<hbm>>) dst(%dma_wait3A_516 : memref<128x128xf32, #tpu.memory_space<vmem>>)
    %sub3A_523 = arith.constant 896 : i32
    %sub3A_524 = arith.subi %max3A_5, %sub3A_523 : i32
    %min3A_525 = arith.constant 128 : i32
    %min3A_526 = arith.minsi %min3A_525, %sub3A_524 : i32
    %max3A_527 = arith.constant 0 : i32
    %max3A_528 = arith.maxsi %max3A_527, %min3A_526 : i32
    %while3A_529 = arith.constant 0 : i32
    %while3A_530 = arith.subi %max3A_528, %while3A_529 : i32
    %while3A_531 = arith.addi %while3A_529, %while3A_530 : i32
    %while3A_532 = arith.constant 1 : i32
    %while3A_533 = arith.divsi %while3A_530, %while3A_532 : i32
    %while3A_534 = arith.muli %while3A_533, %while3A_532 : i32
    %while3A_535 = arith.addi %while3A_529, %while3A_534 : i32
    %while3A_536 = arith.constant 1 : i32
    %while3A_537:8 = scf.for %while3A_951 = %while3A_529 to %while3A_535 step %while3A_536 iter_args(%while3A_952 = %while3A_470#0, %while3A_953 = %while3A_470#1, %while3A_954 = %while3A_470#2, %while3A_955 = %while3A_470#3, %while3A_956 = %while3A_470#4, %while3A_957 = %while3A_470#5, %while3A_958 = %while3A_470#6, %while3A_959 = %while3A_470#7) -> (vector<16xf32>, vector<16xf32>, vector<16xf32>, vector<16xf32>, vector<16xf32>, vector<16xf32>, vector<16xf32>, vector<16xf32>)  : i32 {
      %get3A = arith.constant 1 : i32
      %get3A_960 = arith.index_cast %get3A : i32 to index
      %get3A_961 = arith.index_cast %while3A_951 : i32 to index
      %get3A_962 = arith.constant 0 : index
      %get3A_963 = tpu.vector_load %arg7[%get3A_960, %get3A_961, %get3A_962] {strides = array<i32>} : memref<2x128x128xf32, #tpu.memory_space<vmem>>, vector<1x1x16xf32>,
      %get3A_964 = vector.shape_cast %get3A_963 : vector<1x1x16xf32> to vector<16xf32>
      %add3A_965 = arith.addf %while3A_952, %get3A_964 : vector<16xf32>
      %mul3A_966 = arith.mulf %get3A_964, %get3A_964 : vector<16xf32>
      %add3A_967 = arith.addf %while3A_956, %mul3A_966 : vector<16xf32>
      %get3A_968 = arith.constant 1 : i32
      %get3A_969 = arith.index_cast %get3A_968 : i32 to index
      %get3A_970 = arith.index_cast %while3A_951 : i32 to index
      %get3A_971 = arith.constant 16 : index
      %get3A_972 = tpu.vector_load %arg7[%get3A_969, %get3A_970, %get3A_971] {strides = array<i32>} : memref<2x128x128xf32, #tpu.memory_space<vmem>>, vector<1x1x16xf32>,
      %get3A_973 = vector.shape_cast %get3A_972 : vector<1x1x16xf32> to vector<16xf32>
      %add3A_974 = arith.addf %while3A_953, %get3A_973 : vector<16xf32>
      %mul3A_975 = arith.mulf %get3A_973, %get3A_973 : vector<16xf32>
      %add3A_976 = arith.addf %while3A_957, %mul3A_975 : vector<16xf32>
      %get3A_977 = arith.constant 1 : i32
      %get3A_978 = arith.index_cast %get3A_977 : i32 to index
      %get3A_979 = arith.index_cast %while3A_951 : i32 to index
      %get3A_980 = arith.constant 32 : index
      %get3A_981 = tpu.vector_load %arg7[%get3A_978, %get3A_979, %get3A_980] {strides = array<i32>} : memref<2x128x128xf32, #tpu.memory_space<vmem>>, vector<1x1x16xf32>,
      %get3A_982 = vector.shape_cast %get3A_981 : vector<1x1x16xf32> to vector<16xf32>
      %add3A_983 = arith.addf %while3A_954, %get3A_982 : vector<16xf32>
      %mul3A_984 = arith.mulf %get3A_982, %get3A_982 : vector<16xf32>
      %add3A_985 = arith.addf %while3A_958, %mul3A_984 : vector<16xf32>
      %get3A_986 = arith.constant 1 : i32
      %get3A_987 = arith.index_cast %get3A_986 : i32 to index
      %get3A_988 = arith.index_cast %while3A_951 : i32 to index
      %get3A_989 = arith.constant 48 : index
      %get3A_990 = tpu.vector_load %arg7[%get3A_987, %get3A_988, %get3A_989] {strides = array<i32>} : memref<2x128x128xf32, #tpu.memory_space<vmem>>, vector<1x1x16xf32>,
      %get3A_991 = vector.shape_cast %get3A_990 : vector<1x1x16xf32> to vector<16xf32>
      %add3A_992 = arith.addf %while3A_955, %get3A_991 : vector<16xf32>
      %mul3A_993 = arith.mulf %get3A_991, %get3A_991 : vector<16xf32>
      %add3A_994 = arith.addf %while3A_959, %mul3A_993 : vector<16xf32>
      scf.yield %add3A_965, %add3A_974, %add3A_983, %add3A_992, %add3A_967, %add3A_976, %add3A_985, %add3A_994 : vector<16xf32>, vector<16xf32>, vector<16xf32>, vector<16xf32>, vector<16xf32>, vector<16xf32>, vector<16xf32>, vector<16xf32>
    }
    %while3A_538 = arith.constant 1 : i32
    %while3A_539:8 = scf.for %while3A_951 = %while3A_535 to %while3A_531 step %while3A_538 iter_args(%while3A_952 = %while3A_537#0, %while3A_953 = %while3A_537#1, %while3A_954 = %while3A_537#2, %while3A_955 = %while3A_537#3, %while3A_956 = %while3A_537#4, %while3A_957 = %while3A_537#5, %while3A_958 = %while3A_537#6, %while3A_959 = %while3A_537#7) -> (vector<16xf32>, vector<16xf32>, vector<16xf32>, vector<16xf32>, vector<16xf32>, vector<16xf32>, vector<16xf32>, vector<16xf32>)  : i32 {
      %get3A = arith.constant 1 : i32
      %get3A_960 = arith.index_cast %get3A : i32 to index
      %get3A_961 = arith.index_cast %while3A_951 : i32 to index
      %get3A_962 = arith.constant 0 : index
      %get3A_963 = tpu.vector_load %arg7[%get3A_960, %get3A_961, %get3A_962] {strides = array<i32>} : memref<2x128x128xf32, #tpu.memory_space<vmem>>, vector<1x1x16xf32>,
      %get3A_964 = vector.shape_cast %get3A_963 : vector<1x1x16xf32> to vector<16xf32>
      %add3A_965 = arith.addf %while3A_952, %get3A_964 : vector<16xf32>
      %mul3A_966 = arith.mulf %get3A_964, %get3A_964 : vector<16xf32>
      %add3A_967 = arith.addf %while3A_956, %mul3A_966 : vector<16xf32>
      %get3A_968 = arith.constant 1 : i32
      %get3A_969 = arith.index_cast %get3A_968 : i32 to index
      %get3A_970 = arith.index_cast %while3A_951 : i32 to index
      %get3A_971 = arith.constant 16 : index
      %get3A_972 = tpu.vector_load %arg7[%get3A_969, %get3A_970, %get3A_971] {strides = array<i32>} : memref<2x128x128xf32, #tpu.memory_space<vmem>>, vector<1x1x16xf32>,
      %get3A_973 = vector.shape_cast %get3A_972 : vector<1x1x16xf32> to vector<16xf32>
      %add3A_974 = arith.addf %while3A_953, %get3A_973 : vector<16xf32>
      %mul3A_975 = arith.mulf %get3A_973, %get3A_973 : vector<16xf32>
      %add3A_976 = arith.addf %while3A_957, %mul3A_975 : vector<16xf32>
      %get3A_977 = arith.constant 1 : i32
      %get3A_978 = arith.index_cast %get3A_977 : i32 to index
      %get3A_979 = arith.index_cast %while3A_951 : i32 to index
      %get3A_980 = arith.constant 32 : index
      %get3A_981 = tpu.vector_load %arg7[%get3A_978, %get3A_979, %get3A_980] {strides = array<i32>} : memref<2x128x128xf32, #tpu.memory_space<vmem>>, vector<1x1x16xf32>,
      %get3A_982 = vector.shape_cast %get3A_981 : vector<1x1x16xf32> to vector<16xf32>
      %add3A_983 = arith.addf %while3A_954, %get3A_982 : vector<16xf32>
      %mul3A_984 = arith.mulf %get3A_982, %get3A_982 : vector<16xf32>
      %add3A_985 = arith.addf %while3A_958, %mul3A_984 : vector<16xf32>
      %get3A_986 = arith.constant 1 : i32
      %get3A_987 = arith.index_cast %get3A_986 : i32 to index
      %get3A_988 = arith.index_cast %while3A_951 : i32 to index
      %get3A_989 = arith.constant 48 : index
      %get3A_990 = tpu.vector_load %arg7[%get3A_987, %get3A_988, %get3A_989] {strides = array<i32>} : memref<2x128x128xf32, #tpu.memory_space<vmem>>, vector<1x1x16xf32>,
      %get3A_991 = vector.shape_cast %get3A_990 : vector<1x1x16xf32> to vector<16xf32>
      %add3A_992 = arith.addf %while3A_955, %get3A_991 : vector<16xf32>
      %mul3A_993 = arith.mulf %get3A_991, %get3A_991 : vector<16xf32>
      %add3A_994 = arith.addf %while3A_959, %mul3A_993 : vector<16xf32>
      scf.yield %add3A_965, %add3A_974, %add3A_983, %add3A_992, %add3A_967, %add3A_976, %add3A_985, %add3A_994 : vector<16xf32>, vector<16xf32>, vector<16xf32>, vector<16xf32>, vector<16xf32>, vector<16xf32>, vector<16xf32>, vector<16xf32>
    }
    %add3A_540 = arith.constant 896 : i32
    %add3A_541 = arith.addi %mul3A_2, %add3A_540 : i32
    %dma_start3A_542 = arith.constant 1 : i32
    %dma_start3A_543 = arith.constant 0 : i32
    %dma_start3A_544 = arith.constant 0 : i32
    %dma_start3A_545 = tpu.memref_slice %arg7[%dma_start3A_542, %dma_start3A_543, %dma_start3A_544] : memref<2x128x128xf32, #tpu.memory_space<vmem>> -> memref<1x128x128xf32, #tpu.memory_space<vmem>>
    %dma_start3A_546 = tpu.memref_squeeze %dma_start3A_545 : memref<1x128x128xf32, #tpu.memory_space<vmem>> -> memref<128x128xf32, #tpu.memory_space<vmem>>
    %dma_start3A_547 = arith.constant 0 : i32
    %dma_start3A_548 = tpu.memref_slice %arg4[%add3A_541, %dma_start3A_547] : memref<53248x128xf32, #tpu.memory_space<hbm>> -> memref<128x128xf32, #tpu.memory_space<hbm>>
    %dma_start3A_549 = arith.constant 0 : i32
    %dma_start3A_550 = tpu.memref_slice %arg4[%add3A_541, %dma_start3A_549] : memref<53248x128xf32, #tpu.memory_space<hbm>> -> memref<128x128xf32, #tpu.memory_space<hbm>>
    %dma_start3A_551 = arith.constant 0 : i32
    %dma_start3A_552 = arith.constant 0 : i32
    %dma_start3A_553 = tpu.memref_slice %arg7[%dma_start3A_542, %dma_start3A_551, %dma_start3A_552] : memref<2x128x128xf32, #tpu.memory_space<vmem>> -> memref<1x128x128xf32, #tpu.memory_space<vmem>>
    %dma_start3A_554 = tpu.memref_squeeze %dma_start3A_553 : memref<1x128x128xf32, #tpu.memory_space<vmem>> -> memref<128x128xf32, #tpu.memory_space<vmem>>
    tpu.enqueue_dma source(%dma_start3A_554 : memref<128x128xf32, #tpu.memory_space<vmem>>) target(%dma_start3A_550 : memref<128x128xf32, #tpu.memory_space<hbm>>) target_semaphore(%arg12 : memref<!tpu.dma_semaphore, #tpu.memory_space<semaphore_mem>>)
    %dma_wait3A_555 = arith.constant 1 : i32
    %dma_wait3A_556 = arith.constant 0 : i32
    %dma_wait3A_557 = arith.constant 0 : i32
    %dma_wait3A_558 = tpu.memref_slice %arg7[%dma_wait3A_555, %dma_wait3A_556, %dma_wait3A_557] : memref<2x128x128xf32, #tpu.memory_space<vmem>> -> memref<1x128x128xf32, #tpu.memory_space<vmem>>
    %dma_wait3A_559 = tpu.memref_squeeze %dma_wait3A_558 : memref<1x128x128xf32, #tpu.memory_space<vmem>> -> memref<128x128xf32, #tpu.memory_space<vmem>>
    %dma_wait3A_560 = arith.constant 0 : i32
    %dma_wait3A_561 = tpu.memref_slice %arg4[%add3A_541, %dma_wait3A_560] : memref<53248x128xf32, #tpu.memory_space<hbm>> -> memref<128x128xf32, #tpu.memory_space<hbm>>
    %dma_wait3A_562 = arith.constant 0 : i32
    %dma_wait3A_563 = tpu.memref_slice %arg4[%add3A_541, %dma_wait3A_562] : memref<53248x128xf32, #tpu.memory_space<hbm>> -> memref<128x128xf32, #tpu.memory_space<hbm>>
    %dma_wait3A_564 = arith.constant 0 : i32
    %dma_wait3A_565 = arith.constant 0 : i32
    %dma_wait3A_566 = tpu.memref_slice %arg7[%dma_wait3A_555, %dma_wait3A_564, %dma_wait3A_565] : memref<2x128x128xf32, #tpu.memory_space<vmem>> -> memref<1x128x128xf32, #tpu.memory_space<vmem>>
    %dma_wait3A_567 = tpu.memref_squeeze %dma_wait3A_566 : memref<1x128x128xf32, #tpu.memory_space<vmem>> -> memref<128x128xf32, #tpu.memory_space<vmem>>
    tpu.wait_dma2 semaphore(%arg12 : memref<!tpu.dma_semaphore, #tpu.memory_space<semaphore_mem>>) src(%dma_wait3A_567 : memref<128x128xf32, #tpu.memory_space<vmem>>) dst(%dma_wait3A_563 : memref<128x128xf32, #tpu.memory_space<hbm>>)
    %dma_start3A_568 = arith.constant 9 : i32
    %dma_start3A_569 = arith.constant 1 : i32
    %dma_start3A_570 = arith.constant 0 : i32
    %dma_start3A_571 = arith.constant 0 : i32
    %dma_start3A_572 = tpu.memref_slice %arg7[%dma_start3A_569, %dma_start3A_570, %dma_start3A_571] : memref<2x128x128xf32, #tpu.memory_space<vmem>> -> memref<1x128x128xf32, #tpu.memory_space<vmem>>
    %dma_start3A_573 = tpu.memref_squeeze %dma_start3A_572 : memref<1x128x128xf32, #tpu.memory_space<vmem>> -> memref<128x128xf32, #tpu.memory_space<vmem>>
    %dma_start3A_574 = arith.constant 0 : i32
    %dma_start3A_575 = tpu.memref_slice %arg6[%dma_start3A_568, %dma_start3A_574] : memref<13x128xi32, #tpu.memory_space<vmem>> -> memref<1x128xi32, #tpu.memory_space<vmem>>
    %dma_start3A_576 = tpu.memref_squeeze %dma_start3A_575 : memref<1x128xi32, #tpu.memory_space<vmem>> -> memref<128xi32, #tpu.memory_space<vmem>>
    %dma_start3A_577 = arith.constant 0 : i32
    %dma_start3A_578 = arith.constant 0 : i32
    %dma_start3A_579 = tpu.memref_slice %arg3[%dma_start3A_577, %dma_start3A_578] : memref<1000000x128xf32, #tpu.memory_space<hbm>> -> memref<1000000x128xf32, #tpu.memory_space<hbm>>
    tpu.enqueue_indirect_dma source(%dma_start3A_579 : memref<1000000x128xf32, #tpu.memory_space<hbm>>) target(%dma_start3A_573 : memref<128x128xf32, #tpu.memory_space<vmem>>) offsets(%dma_start3A_576 : memref<128xi32, #tpu.memory_space<vmem>>) semaphore(%arg10 : memref<!tpu.dma_semaphore, #tpu.memory_space<semaphore_mem>>)
    %dma_wait3A_580 = arith.constant 8 : i32
    %dma_wait3A_581 = arith.constant 0 : i32
    %dma_wait3A_582 = arith.constant 0 : i32
    %dma_wait3A_583 = arith.constant 0 : i32
    %dma_wait3A_584 = tpu.memref_slice %arg7[%dma_wait3A_581, %dma_wait3A_582, %dma_wait3A_583] : memref<2x128x128xf32, #tpu.memory_space<vmem>> -> memref<1x128x128xf32, #tpu.memory_space<vmem>>
    %dma_wait3A_585 = tpu.memref_squeeze %dma_wait3A_584 : memref<1x128x128xf32, #tpu.memory_space<vmem>> -> memref<128x128xf32, #tpu.memory_space<vmem>>
    %dma_wait3A_586 = arith.constant 0 : i32
    %dma_wait3A_587 = tpu.memref_slice %arg6[%dma_wait3A_580, %dma_wait3A_586] : memref<13x128xi32, #tpu.memory_space<vmem>> -> memref<1x128xi32, #tpu.memory_space<vmem>>
    %dma_wait3A_588 = tpu.memref_squeeze %dma_wait3A_587 : memref<1x128xi32, #tpu.memory_space<vmem>> -> memref<128xi32, #tpu.memory_space<vmem>>
    %dma_wait3A_589 = arith.constant 0 : i32
    %dma_wait3A_590 = arith.constant 0 : i32
    %dma_wait3A_591 = tpu.memref_slice %arg3[%dma_wait3A_589, %dma_wait3A_590] : memref<1000000x128xf32, #tpu.memory_space<hbm>> -> memref<1000000x128xf32, #tpu.memory_space<hbm>>
    tpu.wait_indirect_dma semaphore(%arg9 : memref<!tpu.dma_semaphore, #tpu.memory_space<semaphore_mem>>) src(%dma_wait3A_591 : memref<1000000x128xf32, #tpu.memory_space<hbm>>) dst(%dma_wait3A_585 : memref<128x128xf32, #tpu.memory_space<vmem>>)
    %sub3A_592 = arith.constant 1024 : i32
    %sub3A_593 = arith.subi %max3A_5, %sub3A_592 : i32
    %min3A_594 = arith.constant 128 : i32
    %min3A_595 = arith.minsi %min3A_594, %sub3A_593 : i32
    %max3A_596 = arith.constant 0 : i32
    %max3A_597 = arith.maxsi %max3A_596, %min3A_595 : i32
    %while3A_598 = arith.constant 0 : i32
    %while3A_599 = arith.subi %max3A_597, %while3A_598 : i32
    %while3A_600 = arith.addi %while3A_598, %while3A_599 : i32
    %while3A_601 = arith.constant 1 : i32
    %while3A_602 = arith.divsi %while3A_599, %while3A_601 : i32
    %while3A_603 = arith.muli %while3A_602, %while3A_601 : i32
    %while3A_604 = arith.addi %while3A_598, %while3A_603 : i32
    %while3A_605 = arith.constant 1 : i32
    %while3A_606:8 = scf.for %while3A_951 = %while3A_598 to %while3A_604 step %while3A_605 iter_args(%while3A_952 = %while3A_539#0, %while3A_953 = %while3A_539#1, %while3A_954 = %while3A_539#2, %while3A_955 = %while3A_539#3, %while3A_956 = %while3A_539#4, %while3A_957 = %while3A_539#5, %while3A_958 = %while3A_539#6, %while3A_959 = %while3A_539#7) -> (vector<16xf32>, vector<16xf32>, vector<16xf32>, vector<16xf32>, vector<16xf32>, vector<16xf32>, vector<16xf32>, vector<16xf32>)  : i32 {
      %get3A = arith.constant 0 : i32
      %get3A_960 = arith.index_cast %get3A : i32 to index
      %get3A_961 = arith.index_cast %while3A_951 : i32 to index
      %get3A_962 = arith.constant 0 : index
      %get3A_963 = tpu.vector_load %arg7[%get3A_960, %get3A_961, %get3A_962] {strides = array<i32>} : memref<2x128x128xf32, #tpu.memory_space<vmem>>, vector<1x1x16xf32>,
      %get3A_964 = vector.shape_cast %get3A_963 : vector<1x1x16xf32> to vector<16xf32>
      %add3A_965 = arith.addf %while3A_952, %get3A_964 : vector<16xf32>
      %mul3A_966 = arith.mulf %get3A_964, %get3A_964 : vector<16xf32>
      %add3A_967 = arith.addf %while3A_956, %mul3A_966 : vector<16xf32>
      %get3A_968 = arith.constant 0 : i32
      %get3A_969 = arith.index_cast %get3A_968 : i32 to index
      %get3A_970 = arith.index_cast %while3A_951 : i32 to index
      %get3A_971 = arith.constant 16 : index
      %get3A_972 = tpu.vector_load %arg7[%get3A_969, %get3A_970, %get3A_971] {strides = array<i32>} : memref<2x128x128xf32, #tpu.memory_space<vmem>>, vector<1x1x16xf32>,
      %get3A_973 = vector.shape_cast %get3A_972 : vector<1x1x16xf32> to vector<16xf32>
      %add3A_974 = arith.addf %while3A_953, %get3A_973 : vector<16xf32>
      %mul3A_975 = arith.mulf %get3A_973, %get3A_973 : vector<16xf32>
      %add3A_976 = arith.addf %while3A_957, %mul3A_975 : vector<16xf32>
      %get3A_977 = arith.constant 0 : i32
      %get3A_978 = arith.index_cast %get3A_977 : i32 to index
      %get3A_979 = arith.index_cast %while3A_951 : i32 to index
      %get3A_980 = arith.constant 32 : index
      %get3A_981 = tpu.vector_load %arg7[%get3A_978, %get3A_979, %get3A_980] {strides = array<i32>} : memref<2x128x128xf32, #tpu.memory_space<vmem>>, vector<1x1x16xf32>,
      %get3A_982 = vector.shape_cast %get3A_981 : vector<1x1x16xf32> to vector<16xf32>
      %add3A_983 = arith.addf %while3A_954, %get3A_982 : vector<16xf32>
      %mul3A_984 = arith.mulf %get3A_982, %get3A_982 : vector<16xf32>
      %add3A_985 = arith.addf %while3A_958, %mul3A_984 : vector<16xf32>
      %get3A_986 = arith.constant 0 : i32
      %get3A_987 = arith.index_cast %get3A_986 : i32 to index
      %get3A_988 = arith.index_cast %while3A_951 : i32 to index
      %get3A_989 = arith.constant 48 : index
      %get3A_990 = tpu.vector_load %arg7[%get3A_987, %get3A_988, %get3A_989] {strides = array<i32>} : memref<2x128x128xf32, #tpu.memory_space<vmem>>, vector<1x1x16xf32>,
      %get3A_991 = vector.shape_cast %get3A_990 : vector<1x1x16xf32> to vector<16xf32>
      %add3A_992 = arith.addf %while3A_955, %get3A_991 : vector<16xf32>
      %mul3A_993 = arith.mulf %get3A_991, %get3A_991 : vector<16xf32>
      %add3A_994 = arith.addf %while3A_959, %mul3A_993 : vector<16xf32>
      scf.yield %add3A_965, %add3A_974, %add3A_983, %add3A_992, %add3A_967, %add3A_976, %add3A_985, %add3A_994 : vector<16xf32>, vector<16xf32>, vector<16xf32>, vector<16xf32>, vector<16xf32>, vector<16xf32>, vector<16xf32>, vector<16xf32>
    }
    %while3A_607 = arith.constant 1 : i32
    %while3A_608:8 = scf.for %while3A_951 = %while3A_604 to %while3A_600 step %while3A_607 iter_args(%while3A_952 = %while3A_606#0, %while3A_953 = %while3A_606#1, %while3A_954 = %while3A_606#2, %while3A_955 = %while3A_606#3, %while3A_956 = %while3A_606#4, %while3A_957 = %while3A_606#5, %while3A_958 = %while3A_606#6, %while3A_959 = %while3A_606#7) -> (vector<16xf32>, vector<16xf32>, vector<16xf32>, vector<16xf32>, vector<16xf32>, vector<16xf32>, vector<16xf32>, vector<16xf32>)  : i32 {
      %get3A = arith.constant 0 : i32
      %get3A_960 = arith.index_cast %get3A : i32 to index
      %get3A_961 = arith.index_cast %while3A_951 : i32 to index
      %get3A_962 = arith.constant 0 : index
      %get3A_963 = tpu.vector_load %arg7[%get3A_960, %get3A_961, %get3A_962] {strides = array<i32>} : memref<2x128x128xf32, #tpu.memory_space<vmem>>, vector<1x1x16xf32>,
      %get3A_964 = vector.shape_cast %get3A_963 : vector<1x1x16xf32> to vector<16xf32>
      %add3A_965 = arith.addf %while3A_952, %get3A_964 : vector<16xf32>
      %mul3A_966 = arith.mulf %get3A_964, %get3A_964 : vector<16xf32>
      %add3A_967 = arith.addf %while3A_956, %mul3A_966 : vector<16xf32>
      %get3A_968 = arith.constant 0 : i32
      %get3A_969 = arith.index_cast %get3A_968 : i32 to index
      %get3A_970 = arith.index_cast %while3A_951 : i32 to index
      %get3A_971 = arith.constant 16 : index
      %get3A_972 = tpu.vector_load %arg7[%get3A_969, %get3A_970, %get3A_971] {strides = array<i32>} : memref<2x128x128xf32, #tpu.memory_space<vmem>>, vector<1x1x16xf32>,
      %get3A_973 = vector.shape_cast %get3A_972 : vector<1x1x16xf32> to vector<16xf32>
      %add3A_974 = arith.addf %while3A_953, %get3A_973 : vector<16xf32>
      %mul3A_975 = arith.mulf %get3A_973, %get3A_973 : vector<16xf32>
      %add3A_976 = arith.addf %while3A_957, %mul3A_975 : vector<16xf32>
      %get3A_977 = arith.constant 0 : i32
      %get3A_978 = arith.index_cast %get3A_977 : i32 to index
      %get3A_979 = arith.index_cast %while3A_951 : i32 to index
      %get3A_980 = arith.constant 32 : index
      %get3A_981 = tpu.vector_load %arg7[%get3A_978, %get3A_979, %get3A_980] {strides = array<i32>} : memref<2x128x128xf32, #tpu.memory_space<vmem>>, vector<1x1x16xf32>,
      %get3A_982 = vector.shape_cast %get3A_981 : vector<1x1x16xf32> to vector<16xf32>
      %add3A_983 = arith.addf %while3A_954, %get3A_982 : vector<16xf32>
      %mul3A_984 = arith.mulf %get3A_982, %get3A_982 : vector<16xf32>
      %add3A_985 = arith.addf %while3A_958, %mul3A_984 : vector<16xf32>
      %get3A_986 = arith.constant 0 : i32
      %get3A_987 = arith.index_cast %get3A_986 : i32 to index
      %get3A_988 = arith.index_cast %while3A_951 : i32 to index
      %get3A_989 = arith.constant 48 : index
      %get3A_990 = tpu.vector_load %arg7[%get3A_987, %get3A_988, %get3A_989] {strides = array<i32>} : memref<2x128x128xf32, #tpu.memory_space<vmem>>, vector<1x1x16xf32>,
      %get3A_991 = vector.shape_cast %get3A_990 : vector<1x1x16xf32> to vector<16xf32>
      %add3A_992 = arith.addf %while3A_955, %get3A_991 : vector<16xf32>
      %mul3A_993 = arith.mulf %get3A_991, %get3A_991 : vector<16xf32>
      %add3A_994 = arith.addf %while3A_959, %mul3A_993 : vector<16xf32>
      scf.yield %add3A_965, %add3A_974, %add3A_983, %add3A_992, %add3A_967, %add3A_976, %add3A_985, %add3A_994 : vector<16xf32>, vector<16xf32>, vector<16xf32>, vector<16xf32>, vector<16xf32>, vector<16xf32>, vector<16xf32>, vector<16xf32>
    }
    %add3A_609 = arith.constant 1024 : i32
    %add3A_610 = arith.addi %mul3A_2, %add3A_609 : i32
    %dma_start3A_611 = arith.constant 0 : i32
    %dma_start3A_612 = arith.constant 0 : i32
    %dma_start3A_613 = arith.constant 0 : i32
    %dma_start3A_614 = tpu.memref_slice %arg7[%dma_start3A_611, %dma_start3A_612, %dma_start3A_613] : memref<2x128x128xf32, #tpu.memory_space<vmem>> -> memref<1x128x128xf32, #tpu.memory_space<vmem>>
    %dma_start3A_615 = tpu.memref_squeeze %dma_start3A_614 : memref<1x128x128xf32, #tpu.memory_space<vmem>> -> memref<128x128xf32, #tpu.memory_space<vmem>>
    %dma_start3A_616 = arith.constant 0 : i32
    %dma_start3A_617 = tpu.memref_slice %arg4[%add3A_610, %dma_start3A_616] : memref<53248x128xf32, #tpu.memory_space<hbm>> -> memref<128x128xf32, #tpu.memory_space<hbm>>
    %dma_start3A_618 = arith.constant 0 : i32
    %dma_start3A_619 = tpu.memref_slice %arg4[%add3A_610, %dma_start3A_618] : memref<53248x128xf32, #tpu.memory_space<hbm>> -> memref<128x128xf32, #tpu.memory_space<hbm>>
    %dma_start3A_620 = arith.constant 0 : i32
    %dma_start3A_621 = arith.constant 0 : i32
    %dma_start3A_622 = tpu.memref_slice %arg7[%dma_start3A_611, %dma_start3A_620, %dma_start3A_621] : memref<2x128x128xf32, #tpu.memory_space<vmem>> -> memref<1x128x128xf32, #tpu.memory_space<vmem>>
    %dma_start3A_623 = tpu.memref_squeeze %dma_start3A_622 : memref<1x128x128xf32, #tpu.memory_space<vmem>> -> memref<128x128xf32, #tpu.memory_space<vmem>>
    tpu.enqueue_dma source(%dma_start3A_623 : memref<128x128xf32, #tpu.memory_space<vmem>>) target(%dma_start3A_619 : memref<128x128xf32, #tpu.memory_space<hbm>>) target_semaphore(%arg11 : memref<!tpu.dma_semaphore, #tpu.memory_space<semaphore_mem>>)
    %dma_wait3A_624 = arith.constant 0 : i32
    %dma_wait3A_625 = arith.constant 0 : i32
    %dma_wait3A_626 = arith.constant 0 : i32
    %dma_wait3A_627 = tpu.memref_slice %arg7[%dma_wait3A_624, %dma_wait3A_625, %dma_wait3A_626] : memref<2x128x128xf32, #tpu.memory_space<vmem>> -> memref<1x128x128xf32, #tpu.memory_space<vmem>>
    %dma_wait3A_628 = tpu.memref_squeeze %dma_wait3A_627 : memref<1x128x128xf32, #tpu.memory_space<vmem>> -> memref<128x128xf32, #tpu.memory_space<vmem>>
    %dma_wait3A_629 = arith.constant 0 : i32
    %dma_wait3A_630 = tpu.memref_slice %arg4[%add3A_610, %dma_wait3A_629] : memref<53248x128xf32, #tpu.memory_space<hbm>> -> memref<128x128xf32, #tpu.memory_space<hbm>>
    %dma_wait3A_631 = arith.constant 0 : i32
    %dma_wait3A_632 = tpu.memref_slice %arg4[%add3A_610, %dma_wait3A_631] : memref<53248x128xf32, #tpu.memory_space<hbm>> -> memref<128x128xf32, #tpu.memory_space<hbm>>
    %dma_wait3A_633 = arith.constant 0 : i32
    %dma_wait3A_634 = arith.constant 0 : i32
    %dma_wait3A_635 = tpu.memref_slice %arg7[%dma_wait3A_624, %dma_wait3A_633, %dma_wait3A_634] : memref<2x128x128xf32, #tpu.memory_space<vmem>> -> memref<1x128x128xf32, #tpu.memory_space<vmem>>
    %dma_wait3A_636 = tpu.memref_squeeze %dma_wait3A_635 : memref<1x128x128xf32, #tpu.memory_space<vmem>> -> memref<128x128xf32, #tpu.memory_space<vmem>>
    tpu.wait_dma2 semaphore(%arg11 : memref<!tpu.dma_semaphore, #tpu.memory_space<semaphore_mem>>) src(%dma_wait3A_636 : memref<128x128xf32, #tpu.memory_space<vmem>>) dst(%dma_wait3A_632 : memref<128x128xf32, #tpu.memory_space<hbm>>)
    %dma_start3A_637 = arith.constant 10 : i32
    %dma_start3A_638 = arith.constant 0 : i32
    %dma_start3A_639 = arith.constant 0 : i32
    %dma_start3A_640 = arith.constant 0 : i32
    %dma_start3A_641 = tpu.memref_slice %arg7[%dma_start3A_638, %dma_start3A_639, %dma_start3A_640] : memref<2x128x128xf32, #tpu.memory_space<vmem>> -> memref<1x128x128xf32, #tpu.memory_space<vmem>>
    %dma_start3A_642 = tpu.memref_squeeze %dma_start3A_641 : memref<1x128x128xf32, #tpu.memory_space<vmem>> -> memref<128x128xf32, #tpu.memory_space<vmem>>
    %dma_start3A_643 = arith.constant 0 : i32
    %dma_start3A_644 = tpu.memref_slice %arg6[%dma_start3A_637, %dma_start3A_643] : memref<13x128xi32, #tpu.memory_space<vmem>> -> memref<1x128xi32, #tpu.memory_space<vmem>>
    %dma_start3A_645 = tpu.memref_squeeze %dma_start3A_644 : memref<1x128xi32, #tpu.memory_space<vmem>> -> memref<128xi32, #tpu.memory_space<vmem>>
    %dma_start3A_646 = arith.constant 0 : i32
    %dma_start3A_647 = arith.constant 0 : i32
    %dma_start3A_648 = tpu.memref_slice %arg3[%dma_start3A_646, %dma_start3A_647] : memref<1000000x128xf32, #tpu.memory_space<hbm>> -> memref<1000000x128xf32, #tpu.memory_space<hbm>>
    tpu.enqueue_indirect_dma source(%dma_start3A_648 : memref<1000000x128xf32, #tpu.memory_space<hbm>>) target(%dma_start3A_642 : memref<128x128xf32, #tpu.memory_space<vmem>>) offsets(%dma_start3A_645 : memref<128xi32, #tpu.memory_space<vmem>>) semaphore(%arg9 : memref<!tpu.dma_semaphore, #tpu.memory_space<semaphore_mem>>)
    %dma_wait3A_649 = arith.constant 9 : i32
    %dma_wait3A_650 = arith.constant 1 : i32
    %dma_wait3A_651 = arith.constant 0 : i32
    %dma_wait3A_652 = arith.constant 0 : i32
    %dma_wait3A_653 = tpu.memref_slice %arg7[%dma_wait3A_650, %dma_wait3A_651, %dma_wait3A_652] : memref<2x128x128xf32, #tpu.memory_space<vmem>> -> memref<1x128x128xf32, #tpu.memory_space<vmem>>
    %dma_wait3A_654 = tpu.memref_squeeze %dma_wait3A_653 : memref<1x128x128xf32, #tpu.memory_space<vmem>> -> memref<128x128xf32, #tpu.memory_space<vmem>>
    %dma_wait3A_655 = arith.constant 0 : i32
    %dma_wait3A_656 = tpu.memref_slice %arg6[%dma_wait3A_649, %dma_wait3A_655] : memref<13x128xi32, #tpu.memory_space<vmem>> -> memref<1x128xi32, #tpu.memory_space<vmem>>
    %dma_wait3A_657 = tpu.memref_squeeze %dma_wait3A_656 : memref<1x128xi32, #tpu.memory_space<vmem>> -> memref<128xi32, #tpu.memory_space<vmem>>
    %dma_wait3A_658 = arith.constant 0 : i32
    %dma_wait3A_659 = arith.constant 0 : i32
    %dma_wait3A_660 = tpu.memref_slice %arg3[%dma_wait3A_658, %dma_wait3A_659] : memref<1000000x128xf32, #tpu.memory_space<hbm>> -> memref<1000000x128xf32, #tpu.memory_space<hbm>>
    tpu.wait_indirect_dma semaphore(%arg10 : memref<!tpu.dma_semaphore, #tpu.memory_space<semaphore_mem>>) src(%dma_wait3A_660 : memref<1000000x128xf32, #tpu.memory_space<hbm>>) dst(%dma_wait3A_654 : memref<128x128xf32, #tpu.memory_space<vmem>>)
    %sub3A_661 = arith.constant 1152 : i32
    %sub3A_662 = arith.subi %max3A_5, %sub3A_661 : i32
    %min3A_663 = arith.constant 128 : i32
    %min3A_664 = arith.minsi %min3A_663, %sub3A_662 : i32
    %max3A_665 = arith.constant 0 : i32
    %max3A_666 = arith.maxsi %max3A_665, %min3A_664 : i32
    %while3A_667 = arith.constant 0 : i32
    %while3A_668 = arith.subi %max3A_666, %while3A_667 : i32
    %while3A_669 = arith.addi %while3A_667, %while3A_668 : i32
    %while3A_670 = arith.constant 1 : i32
    %while3A_671 = arith.divsi %while3A_668, %while3A_670 : i32
    %while3A_672 = arith.muli %while3A_671, %while3A_670 : i32
    %while3A_673 = arith.addi %while3A_667, %while3A_672 : i32
    %while3A_674 = arith.constant 1 : i32
    %while3A_675:8 = scf.for %while3A_951 = %while3A_667 to %while3A_673 step %while3A_674 iter_args(%while3A_952 = %while3A_608#0, %while3A_953 = %while3A_608#1, %while3A_954 = %while3A_608#2, %while3A_955 = %while3A_608#3, %while3A_956 = %while3A_608#4, %while3A_957 = %while3A_608#5, %while3A_958 = %while3A_608#6, %while3A_959 = %while3A_608#7) -> (vector<16xf32>, vector<16xf32>, vector<16xf32>, vector<16xf32>, vector<16xf32>, vector<16xf32>, vector<16xf32>, vector<16xf32>)  : i32 {
      %get3A = arith.constant 1 : i32
      %get3A_960 = arith.index_cast %get3A : i32 to index
      %get3A_961 = arith.index_cast %while3A_951 : i32 to index
      %get3A_962 = arith.constant 0 : index
      %get3A_963 = tpu.vector_load %arg7[%get3A_960, %get3A_961, %get3A_962] {strides = array<i32>} : memref<2x128x128xf32, #tpu.memory_space<vmem>>, vector<1x1x16xf32>,
      %get3A_964 = vector.shape_cast %get3A_963 : vector<1x1x16xf32> to vector<16xf32>
      %add3A_965 = arith.addf %while3A_952, %get3A_964 : vector<16xf32>
      %mul3A_966 = arith.mulf %get3A_964, %get3A_964 : vector<16xf32>
      %add3A_967 = arith.addf %while3A_956, %mul3A_966 : vector<16xf32>
      %get3A_968 = arith.constant 1 : i32
      %get3A_969 = arith.index_cast %get3A_968 : i32 to index
      %get3A_970 = arith.index_cast %while3A_951 : i32 to index
      %get3A_971 = arith.constant 16 : index
      %get3A_972 = tpu.vector_load %arg7[%get3A_969, %get3A_970, %get3A_971] {strides = array<i32>} : memref<2x128x128xf32, #tpu.memory_space<vmem>>, vector<1x1x16xf32>,
      %get3A_973 = vector.shape_cast %get3A_972 : vector<1x1x16xf32> to vector<16xf32>
      %add3A_974 = arith.addf %while3A_953, %get3A_973 : vector<16xf32>
      %mul3A_975 = arith.mulf %get3A_973, %get3A_973 : vector<16xf32>
      %add3A_976 = arith.addf %while3A_957, %mul3A_975 : vector<16xf32>
      %get3A_977 = arith.constant 1 : i32
      %get3A_978 = arith.index_cast %get3A_977 : i32 to index
      %get3A_979 = arith.index_cast %while3A_951 : i32 to index
      %get3A_980 = arith.constant 32 : index
      %get3A_981 = tpu.vector_load %arg7[%get3A_978, %get3A_979, %get3A_980] {strides = array<i32>} : memref<2x128x128xf32, #tpu.memory_space<vmem>>, vector<1x1x16xf32>,
      %get3A_982 = vector.shape_cast %get3A_981 : vector<1x1x16xf32> to vector<16xf32>
      %add3A_983 = arith.addf %while3A_954, %get3A_982 : vector<16xf32>
      %mul3A_984 = arith.mulf %get3A_982, %get3A_982 : vector<16xf32>
      %add3A_985 = arith.addf %while3A_958, %mul3A_984 : vector<16xf32>
      %get3A_986 = arith.constant 1 : i32
      %get3A_987 = arith.index_cast %get3A_986 : i32 to index
      %get3A_988 = arith.index_cast %while3A_951 : i32 to index
      %get3A_989 = arith.constant 48 : index
      %get3A_990 = tpu.vector_load %arg7[%get3A_987, %get3A_988, %get3A_989] {strides = array<i32>} : memref<2x128x128xf32, #tpu.memory_space<vmem>>, vector<1x1x16xf32>,
      %get3A_991 = vector.shape_cast %get3A_990 : vector<1x1x16xf32> to vector<16xf32>
      %add3A_992 = arith.addf %while3A_955, %get3A_991 : vector<16xf32>
      %mul3A_993 = arith.mulf %get3A_991, %get3A_991 : vector<16xf32>
      %add3A_994 = arith.addf %while3A_959, %mul3A_993 : vector<16xf32>
      scf.yield %add3A_965, %add3A_974, %add3A_983, %add3A_992, %add3A_967, %add3A_976, %add3A_985, %add3A_994 : vector<16xf32>, vector<16xf32>, vector<16xf32>, vector<16xf32>, vector<16xf32>, vector<16xf32>, vector<16xf32>, vector<16xf32>
    }
    %while3A_676 = arith.constant 1 : i32
    %while3A_677:8 = scf.for %while3A_951 = %while3A_673 to %while3A_669 step %while3A_676 iter_args(%while3A_952 = %while3A_675#0, %while3A_953 = %while3A_675#1, %while3A_954 = %while3A_675#2, %while3A_955 = %while3A_675#3, %while3A_956 = %while3A_675#4, %while3A_957 = %while3A_675#5, %while3A_958 = %while3A_675#6, %while3A_959 = %while3A_675#7) -> (vector<16xf32>, vector<16xf32>, vector<16xf32>, vector<16xf32>, vector<16xf32>, vector<16xf32>, vector<16xf32>, vector<16xf32>)  : i32 {
      %get3A = arith.constant 1 : i32
      %get3A_960 = arith.index_cast %get3A : i32 to index
      %get3A_961 = arith.index_cast %while3A_951 : i32 to index
      %get3A_962 = arith.constant 0 : index
      %get3A_963 = tpu.vector_load %arg7[%get3A_960, %get3A_961, %get3A_962] {strides = array<i32>} : memref<2x128x128xf32, #tpu.memory_space<vmem>>, vector<1x1x16xf32>,
      %get3A_964 = vector.shape_cast %get3A_963 : vector<1x1x16xf32> to vector<16xf32>
      %add3A_965 = arith.addf %while3A_952, %get3A_964 : vector<16xf32>
      %mul3A_966 = arith.mulf %get3A_964, %get3A_964 : vector<16xf32>
      %add3A_967 = arith.addf %while3A_956, %mul3A_966 : vector<16xf32>
      %get3A_968 = arith.constant 1 : i32
      %get3A_969 = arith.index_cast %get3A_968 : i32 to index
      %get3A_970 = arith.index_cast %while3A_951 : i32 to index
      %get3A_971 = arith.constant 16 : index
      %get3A_972 = tpu.vector_load %arg7[%get3A_969, %get3A_970, %get3A_971] {strides = array<i32>} : memref<2x128x128xf32, #tpu.memory_space<vmem>>, vector<1x1x16xf32>,
      %get3A_973 = vector.shape_cast %get3A_972 : vector<1x1x16xf32> to vector<16xf32>
      %add3A_974 = arith.addf %while3A_953, %get3A_973 : vector<16xf32>
      %mul3A_975 = arith.mulf %get3A_973, %get3A_973 : vector<16xf32>
      %add3A_976 = arith.addf %while3A_957, %mul3A_975 : vector<16xf32>
      %get3A_977 = arith.constant 1 : i32
      %get3A_978 = arith.index_cast %get3A_977 : i32 to index
      %get3A_979 = arith.index_cast %while3A_951 : i32 to index
      %get3A_980 = arith.constant 32 : index
      %get3A_981 = tpu.vector_load %arg7[%get3A_978, %get3A_979, %get3A_980] {strides = array<i32>} : memref<2x128x128xf32, #tpu.memory_space<vmem>>, vector<1x1x16xf32>,
      %get3A_982 = vector.shape_cast %get3A_981 : vector<1x1x16xf32> to vector<16xf32>
      %add3A_983 = arith.addf %while3A_954, %get3A_982 : vector<16xf32>
      %mul3A_984 = arith.mulf %get3A_982, %get3A_982 : vector<16xf32>
      %add3A_985 = arith.addf %while3A_958, %mul3A_984 : vector<16xf32>
      %get3A_986 = arith.constant 1 : i32
      %get3A_987 = arith.index_cast %get3A_986 : i32 to index
      %get3A_988 = arith.index_cast %while3A_951 : i32 to index
      %get3A_989 = arith.constant 48 : index
      %get3A_990 = tpu.vector_load %arg7[%get3A_987, %get3A_988, %get3A_989] {strides = array<i32>} : memref<2x128x128xf32, #tpu.memory_space<vmem>>, vector<1x1x16xf32>,
      %get3A_991 = vector.shape_cast %get3A_990 : vector<1x1x16xf32> to vector<16xf32>
      %add3A_992 = arith.addf %while3A_955, %get3A_991 : vector<16xf32>
      %mul3A_993 = arith.mulf %get3A_991, %get3A_991 : vector<16xf32>
      %add3A_994 = arith.addf %while3A_959, %mul3A_993 : vector<16xf32>
      scf.yield %add3A_965, %add3A_974, %add3A_983, %add3A_992, %add3A_967, %add3A_976, %add3A_985, %add3A_994 : vector<16xf32>, vector<16xf32>, vector<16xf32>, vector<16xf32>, vector<16xf32>, vector<16xf32>, vector<16xf32>, vector<16xf32>
    }
    %add3A_678 = arith.constant 1152 : i32
    %add3A_679 = arith.addi %mul3A_2, %add3A_678 : i32
    %dma_start3A_680 = arith.constant 1 : i32
    %dma_start3A_681 = arith.constant 0 : i32
    %dma_start3A_682 = arith.constant 0 : i32
    %dma_start3A_683 = tpu.memref_slice %arg7[%dma_start3A_680, %dma_start3A_681, %dma_start3A_682] : memref<2x128x128xf32, #tpu.memory_space<vmem>> -> memref<1x128x128xf32, #tpu.memory_space<vmem>>
    %dma_start3A_684 = tpu.memref_squeeze %dma_start3A_683 : memref<1x128x128xf32, #tpu.memory_space<vmem>> -> memref<128x128xf32, #tpu.memory_space<vmem>>
    %dma_start3A_685 = arith.constant 0 : i32
    %dma_start3A_686 = tpu.memref_slice %arg4[%add3A_679, %dma_start3A_685] : memref<53248x128xf32, #tpu.memory_space<hbm>> -> memref<128x128xf32, #tpu.memory_space<hbm>>
    %dma_start3A_687 = arith.constant 0 : i32
    %dma_start3A_688 = tpu.memref_slice %arg4[%add3A_679, %dma_start3A_687] : memref<53248x128xf32, #tpu.memory_space<hbm>> -> memref<128x128xf32, #tpu.memory_space<hbm>>
    %dma_start3A_689 = arith.constant 0 : i32
    %dma_start3A_690 = arith.constant 0 : i32
    %dma_start3A_691 = tpu.memref_slice %arg7[%dma_start3A_680, %dma_start3A_689, %dma_start3A_690] : memref<2x128x128xf32, #tpu.memory_space<vmem>> -> memref<1x128x128xf32, #tpu.memory_space<vmem>>
    %dma_start3A_692 = tpu.memref_squeeze %dma_start3A_691 : memref<1x128x128xf32, #tpu.memory_space<vmem>> -> memref<128x128xf32, #tpu.memory_space<vmem>>
    tpu.enqueue_dma source(%dma_start3A_692 : memref<128x128xf32, #tpu.memory_space<vmem>>) target(%dma_start3A_688 : memref<128x128xf32, #tpu.memory_space<hbm>>) target_semaphore(%arg12 : memref<!tpu.dma_semaphore, #tpu.memory_space<semaphore_mem>>)
    %dma_wait3A_693 = arith.constant 1 : i32
    %dma_wait3A_694 = arith.constant 0 : i32
    %dma_wait3A_695 = arith.constant 0 : i32
    %dma_wait3A_696 = tpu.memref_slice %arg7[%dma_wait3A_693, %dma_wait3A_694, %dma_wait3A_695] : memref<2x128x128xf32, #tpu.memory_space<vmem>> -> memref<1x128x128xf32, #tpu.memory_space<vmem>>
    %dma_wait3A_697 = tpu.memref_squeeze %dma_wait3A_696 : memref<1x128x128xf32, #tpu.memory_space<vmem>> -> memref<128x128xf32, #tpu.memory_space<vmem>>
    %dma_wait3A_698 = arith.constant 0 : i32
    %dma_wait3A_699 = tpu.memref_slice %arg4[%add3A_679, %dma_wait3A_698] : memref<53248x128xf32, #tpu.memory_space<hbm>> -> memref<128x128xf32, #tpu.memory_space<hbm>>
    %dma_wait3A_700 = arith.constant 0 : i32
    %dma_wait3A_701 = tpu.memref_slice %arg4[%add3A_679, %dma_wait3A_700] : memref<53248x128xf32, #tpu.memory_space<hbm>> -> memref<128x128xf32, #tpu.memory_space<hbm>>
    %dma_wait3A_702 = arith.constant 0 : i32
    %dma_wait3A_703 = arith.constant 0 : i32
    %dma_wait3A_704 = tpu.memref_slice %arg7[%dma_wait3A_693, %dma_wait3A_702, %dma_wait3A_703] : memref<2x128x128xf32, #tpu.memory_space<vmem>> -> memref<1x128x128xf32, #tpu.memory_space<vmem>>
    %dma_wait3A_705 = tpu.memref_squeeze %dma_wait3A_704 : memref<1x128x128xf32, #tpu.memory_space<vmem>> -> memref<128x128xf32, #tpu.memory_space<vmem>>
    tpu.wait_dma2 semaphore(%arg12 : memref<!tpu.dma_semaphore, #tpu.memory_space<semaphore_mem>>) src(%dma_wait3A_705 : memref<128x128xf32, #tpu.memory_space<vmem>>) dst(%dma_wait3A_701 : memref<128x128xf32, #tpu.memory_space<hbm>>)
    %dma_start3A_706 = arith.constant 11 : i32
    %dma_start3A_707 = arith.constant 1 : i32
    %dma_start3A_708 = arith.constant 0 : i32
    %dma_start3A_709 = arith.constant 0 : i32
    %dma_start3A_710 = tpu.memref_slice %arg7[%dma_start3A_707, %dma_start3A_708, %dma_start3A_709] : memref<2x128x128xf32, #tpu.memory_space<vmem>> -> memref<1x128x128xf32, #tpu.memory_space<vmem>>
    %dma_start3A_711 = tpu.memref_squeeze %dma_start3A_710 : memref<1x128x128xf32, #tpu.memory_space<vmem>> -> memref<128x128xf32, #tpu.memory_space<vmem>>
    %dma_start3A_712 = arith.constant 0 : i32
    %dma_start3A_713 = tpu.memref_slice %arg6[%dma_start3A_706, %dma_start3A_712] : memref<13x128xi32, #tpu.memory_space<vmem>> -> memref<1x128xi32, #tpu.memory_space<vmem>>
    %dma_start3A_714 = tpu.memref_squeeze %dma_start3A_713 : memref<1x128xi32, #tpu.memory_space<vmem>> -> memref<128xi32, #tpu.memory_space<vmem>>
    %dma_start3A_715 = arith.constant 0 : i32
    %dma_start3A_716 = arith.constant 0 : i32
    %dma_start3A_717 = tpu.memref_slice %arg3[%dma_start3A_715, %dma_start3A_716] : memref<1000000x128xf32, #tpu.memory_space<hbm>> -> memref<1000000x128xf32, #tpu.memory_space<hbm>>
    tpu.enqueue_indirect_dma source(%dma_start3A_717 : memref<1000000x128xf32, #tpu.memory_space<hbm>>) target(%dma_start3A_711 : memref<128x128xf32, #tpu.memory_space<vmem>>) offsets(%dma_start3A_714 : memref<128xi32, #tpu.memory_space<vmem>>) semaphore(%arg10 : memref<!tpu.dma_semaphore, #tpu.memory_space<semaphore_mem>>)
    %dma_wait3A_718 = arith.constant 10 : i32
    %dma_wait3A_719 = arith.constant 0 : i32
    %dma_wait3A_720 = arith.constant 0 : i32
    %dma_wait3A_721 = arith.constant 0 : i32
    %dma_wait3A_722 = tpu.memref_slice %arg7[%dma_wait3A_719, %dma_wait3A_720, %dma_wait3A_721] : memref<2x128x128xf32, #tpu.memory_space<vmem>> -> memref<1x128x128xf32, #tpu.memory_space<vmem>>
    %dma_wait3A_723 = tpu.memref_squeeze %dma_wait3A_722 : memref<1x128x128xf32, #tpu.memory_space<vmem>> -> memref<128x128xf32, #tpu.memory_space<vmem>>
    %dma_wait3A_724 = arith.constant 0 : i32
    %dma_wait3A_725 = tpu.memref_slice %arg6[%dma_wait3A_718, %dma_wait3A_724] : memref<13x128xi32, #tpu.memory_space<vmem>> -> memref<1x128xi32, #tpu.memory_space<vmem>>
    %dma_wait3A_726 = tpu.memref_squeeze %dma_wait3A_725 : memref<1x128xi32, #tpu.memory_space<vmem>> -> memref<128xi32, #tpu.memory_space<vmem>>
    %dma_wait3A_727 = arith.constant 0 : i32
    %dma_wait3A_728 = arith.constant 0 : i32
    %dma_wait3A_729 = tpu.memref_slice %arg3[%dma_wait3A_727, %dma_wait3A_728] : memref<1000000x128xf32, #tpu.memory_space<hbm>> -> memref<1000000x128xf32, #tpu.memory_space<hbm>>
    tpu.wait_indirect_dma semaphore(%arg9 : memref<!tpu.dma_semaphore, #tpu.memory_space<semaphore_mem>>) src(%dma_wait3A_729 : memref<1000000x128xf32, #tpu.memory_space<hbm>>) dst(%dma_wait3A_723 : memref<128x128xf32, #tpu.memory_space<vmem>>)
    %sub3A_730 = arith.constant 1280 : i32
    %sub3A_731 = arith.subi %max3A_5, %sub3A_730 : i32
    %min3A_732 = arith.constant 128 : i32
    %min3A_733 = arith.minsi %min3A_732, %sub3A_731 : i32
    %max3A_734 = arith.constant 0 : i32
    %max3A_735 = arith.maxsi %max3A_734, %min3A_733 : i32
    %while3A_736 = arith.constant 0 : i32
    %while3A_737 = arith.subi %max3A_735, %while3A_736 : i32
    %while3A_738 = arith.addi %while3A_736, %while3A_737 : i32
    %while3A_739 = arith.constant 1 : i32
    %while3A_740 = arith.divsi %while3A_737, %while3A_739 : i32
    %while3A_741 = arith.muli %while3A_740, %while3A_739 : i32
    %while3A_742 = arith.addi %while3A_736, %while3A_741 : i32
    %while3A_743 = arith.constant 1 : i32
    %while3A_744:8 = scf.for %while3A_951 = %while3A_736 to %while3A_742 step %while3A_743 iter_args(%while3A_952 = %while3A_677#0, %while3A_953 = %while3A_677#1, %while3A_954 = %while3A_677#2, %while3A_955 = %while3A_677#3, %while3A_956 = %while3A_677#4, %while3A_957 = %while3A_677#5, %while3A_958 = %while3A_677#6, %while3A_959 = %while3A_677#7) -> (vector<16xf32>, vector<16xf32>, vector<16xf32>, vector<16xf32>, vector<16xf32>, vector<16xf32>, vector<16xf32>, vector<16xf32>)  : i32 {
      %get3A = arith.constant 0 : i32
      %get3A_960 = arith.index_cast %get3A : i32 to index
      %get3A_961 = arith.index_cast %while3A_951 : i32 to index
      %get3A_962 = arith.constant 0 : index
      %get3A_963 = tpu.vector_load %arg7[%get3A_960, %get3A_961, %get3A_962] {strides = array<i32>} : memref<2x128x128xf32, #tpu.memory_space<vmem>>, vector<1x1x16xf32>,
      %get3A_964 = vector.shape_cast %get3A_963 : vector<1x1x16xf32> to vector<16xf32>
      %add3A_965 = arith.addf %while3A_952, %get3A_964 : vector<16xf32>
      %mul3A_966 = arith.mulf %get3A_964, %get3A_964 : vector<16xf32>
      %add3A_967 = arith.addf %while3A_956, %mul3A_966 : vector<16xf32>
      %get3A_968 = arith.constant 0 : i32
      %get3A_969 = arith.index_cast %get3A_968 : i32 to index
      %get3A_970 = arith.index_cast %while3A_951 : i32 to index
      %get3A_971 = arith.constant 16 : index
      %get3A_972 = tpu.vector_load %arg7[%get3A_969, %get3A_970, %get3A_971] {strides = array<i32>} : memref<2x128x128xf32, #tpu.memory_space<vmem>>, vector<1x1x16xf32>,
      %get3A_973 = vector.shape_cast %get3A_972 : vector<1x1x16xf32> to vector<16xf32>
      %add3A_974 = arith.addf %while3A_953, %get3A_973 : vector<16xf32>
      %mul3A_975 = arith.mulf %get3A_973, %get3A_973 : vector<16xf32>
      %add3A_976 = arith.addf %while3A_957, %mul3A_975 : vector<16xf32>
      %get3A_977 = arith.constant 0 : i32
      %get3A_978 = arith.index_cast %get3A_977 : i32 to index
      %get3A_979 = arith.index_cast %while3A_951 : i32 to index
      %get3A_980 = arith.constant 32 : index
      %get3A_981 = tpu.vector_load %arg7[%get3A_978, %get3A_979, %get3A_980] {strides = array<i32>} : memref<2x128x128xf32, #tpu.memory_space<vmem>>, vector<1x1x16xf32>,
      %get3A_982 = vector.shape_cast %get3A_981 : vector<1x1x16xf32> to vector<16xf32>
      %add3A_983 = arith.addf %while3A_954, %get3A_982 : vector<16xf32>
      %mul3A_984 = arith.mulf %get3A_982, %get3A_982 : vector<16xf32>
      %add3A_985 = arith.addf %while3A_958, %mul3A_984 : vector<16xf32>
      %get3A_986 = arith.constant 0 : i32
      %get3A_987 = arith.index_cast %get3A_986 : i32 to index
      %get3A_988 = arith.index_cast %while3A_951 : i32 to index
      %get3A_989 = arith.constant 48 : index
      %get3A_990 = tpu.vector_load %arg7[%get3A_987, %get3A_988, %get3A_989] {strides = array<i32>} : memref<2x128x128xf32, #tpu.memory_space<vmem>>, vector<1x1x16xf32>,
      %get3A_991 = vector.shape_cast %get3A_990 : vector<1x1x16xf32> to vector<16xf32>
      %add3A_992 = arith.addf %while3A_955, %get3A_991 : vector<16xf32>
      %mul3A_993 = arith.mulf %get3A_991, %get3A_991 : vector<16xf32>
      %add3A_994 = arith.addf %while3A_959, %mul3A_993 : vector<16xf32>
      scf.yield %add3A_965, %add3A_974, %add3A_983, %add3A_992, %add3A_967, %add3A_976, %add3A_985, %add3A_994 : vector<16xf32>, vector<16xf32>, vector<16xf32>, vector<16xf32>, vector<16xf32>, vector<16xf32>, vector<16xf32>, vector<16xf32>
    }
    %while3A_745 = arith.constant 1 : i32
    %while3A_746:8 = scf.for %while3A_951 = %while3A_742 to %while3A_738 step %while3A_745 iter_args(%while3A_952 = %while3A_744#0, %while3A_953 = %while3A_744#1, %while3A_954 = %while3A_744#2, %while3A_955 = %while3A_744#3, %while3A_956 = %while3A_744#4, %while3A_957 = %while3A_744#5, %while3A_958 = %while3A_744#6, %while3A_959 = %while3A_744#7) -> (vector<16xf32>, vector<16xf32>, vector<16xf32>, vector<16xf32>, vector<16xf32>, vector<16xf32>, vector<16xf32>, vector<16xf32>)  : i32 {
      %get3A = arith.constant 0 : i32
      %get3A_960 = arith.index_cast %get3A : i32 to index
      %get3A_961 = arith.index_cast %while3A_951 : i32 to index
      %get3A_962 = arith.constant 0 : index
      %get3A_963 = tpu.vector_load %arg7[%get3A_960, %get3A_961, %get3A_962] {strides = array<i32>} : memref<2x128x128xf32, #tpu.memory_space<vmem>>, vector<1x1x16xf32>,
      %get3A_964 = vector.shape_cast %get3A_963 : vector<1x1x16xf32> to vector<16xf32>
      %add3A_965 = arith.addf %while3A_952, %get3A_964 : vector<16xf32>
      %mul3A_966 = arith.mulf %get3A_964, %get3A_964 : vector<16xf32>
      %add3A_967 = arith.addf %while3A_956, %mul3A_966 : vector<16xf32>
      %get3A_968 = arith.constant 0 : i32
      %get3A_969 = arith.index_cast %get3A_968 : i32 to index
      %get3A_970 = arith.index_cast %while3A_951 : i32 to index
      %get3A_971 = arith.constant 16 : index
      %get3A_972 = tpu.vector_load %arg7[%get3A_969, %get3A_970, %get3A_971] {strides = array<i32>} : memref<2x128x128xf32, #tpu.memory_space<vmem>>, vector<1x1x16xf32>,
      %get3A_973 = vector.shape_cast %get3A_972 : vector<1x1x16xf32> to vector<16xf32>
      %add3A_974 = arith.addf %while3A_953, %get3A_973 : vector<16xf32>
      %mul3A_975 = arith.mulf %get3A_973, %get3A_973 : vector<16xf32>
      %add3A_976 = arith.addf %while3A_957, %mul3A_975 : vector<16xf32>
      %get3A_977 = arith.constant 0 : i32
      %get3A_978 = arith.index_cast %get3A_977 : i32 to index
      %get3A_979 = arith.index_cast %while3A_951 : i32 to index
      %get3A_980 = arith.constant 32 : index
      %get3A_981 = tpu.vector_load %arg7[%get3A_978, %get3A_979, %get3A_980] {strides = array<i32>} : memref<2x128x128xf32, #tpu.memory_space<vmem>>, vector<1x1x16xf32>,
      %get3A_982 = vector.shape_cast %get3A_981 : vector<1x1x16xf32> to vector<16xf32>
      %add3A_983 = arith.addf %while3A_954, %get3A_982 : vector<16xf32>
      %mul3A_984 = arith.mulf %get3A_982, %get3A_982 : vector<16xf32>
      %add3A_985 = arith.addf %while3A_958, %mul3A_984 : vector<16xf32>
      %get3A_986 = arith.constant 0 : i32
      %get3A_987 = arith.index_cast %get3A_986 : i32 to index
      %get3A_988 = arith.index_cast %while3A_951 : i32 to index
      %get3A_989 = arith.constant 48 : index
      %get3A_990 = tpu.vector_load %arg7[%get3A_987, %get3A_988, %get3A_989] {strides = array<i32>} : memref<2x128x128xf32, #tpu.memory_space<vmem>>, vector<1x1x16xf32>,
      %get3A_991 = vector.shape_cast %get3A_990 : vector<1x1x16xf32> to vector<16xf32>
      %add3A_992 = arith.addf %while3A_955, %get3A_991 : vector<16xf32>
      %mul3A_993 = arith.mulf %get3A_991, %get3A_991 : vector<16xf32>
      %add3A_994 = arith.addf %while3A_959, %mul3A_993 : vector<16xf32>
      scf.yield %add3A_965, %add3A_974, %add3A_983, %add3A_992, %add3A_967, %add3A_976, %add3A_985, %add3A_994 : vector<16xf32>, vector<16xf32>, vector<16xf32>, vector<16xf32>, vector<16xf32>, vector<16xf32>, vector<16xf32>, vector<16xf32>
    }
    %add3A_747 = arith.constant 1280 : i32
    %add3A_748 = arith.addi %mul3A_2, %add3A_747 : i32
    %dma_start3A_749 = arith.constant 0 : i32
    %dma_start3A_750 = arith.constant 0 : i32
    %dma_start3A_751 = arith.constant 0 : i32
    %dma_start3A_752 = tpu.memref_slice %arg7[%dma_start3A_749, %dma_start3A_750, %dma_start3A_751] : memref<2x128x128xf32, #tpu.memory_space<vmem>> -> memref<1x128x128xf32, #tpu.memory_space<vmem>>
    %dma_start3A_753 = tpu.memref_squeeze %dma_start3A_752 : memref<1x128x128xf32, #tpu.memory_space<vmem>> -> memref<128x128xf32, #tpu.memory_space<vmem>>
    %dma_start3A_754 = arith.constant 0 : i32
    %dma_start3A_755 = tpu.memref_slice %arg4[%add3A_748, %dma_start3A_754] : memref<53248x128xf32, #tpu.memory_space<hbm>> -> memref<128x128xf32, #tpu.memory_space<hbm>>
    %dma_start3A_756 = arith.constant 0 : i32
    %dma_start3A_757 = tpu.memref_slice %arg4[%add3A_748, %dma_start3A_756] : memref<53248x128xf32, #tpu.memory_space<hbm>> -> memref<128x128xf32, #tpu.memory_space<hbm>>
    %dma_start3A_758 = arith.constant 0 : i32
    %dma_start3A_759 = arith.constant 0 : i32
    %dma_start3A_760 = tpu.memref_slice %arg7[%dma_start3A_749, %dma_start3A_758, %dma_start3A_759] : memref<2x128x128xf32, #tpu.memory_space<vmem>> -> memref<1x128x128xf32, #tpu.memory_space<vmem>>
    %dma_start3A_761 = tpu.memref_squeeze %dma_start3A_760 : memref<1x128x128xf32, #tpu.memory_space<vmem>> -> memref<128x128xf32, #tpu.memory_space<vmem>>
    tpu.enqueue_dma source(%dma_start3A_761 : memref<128x128xf32, #tpu.memory_space<vmem>>) target(%dma_start3A_757 : memref<128x128xf32, #tpu.memory_space<hbm>>) target_semaphore(%arg11 : memref<!tpu.dma_semaphore, #tpu.memory_space<semaphore_mem>>)
    %dma_wait3A_762 = arith.constant 0 : i32
    %dma_wait3A_763 = arith.constant 0 : i32
    %dma_wait3A_764 = arith.constant 0 : i32
    %dma_wait3A_765 = tpu.memref_slice %arg7[%dma_wait3A_762, %dma_wait3A_763, %dma_wait3A_764] : memref<2x128x128xf32, #tpu.memory_space<vmem>> -> memref<1x128x128xf32, #tpu.memory_space<vmem>>
    %dma_wait3A_766 = tpu.memref_squeeze %dma_wait3A_765 : memref<1x128x128xf32, #tpu.memory_space<vmem>> -> memref<128x128xf32, #tpu.memory_space<vmem>>
    %dma_wait3A_767 = arith.constant 0 : i32
    %dma_wait3A_768 = tpu.memref_slice %arg4[%add3A_748, %dma_wait3A_767] : memref<53248x128xf32, #tpu.memory_space<hbm>> -> memref<128x128xf32, #tpu.memory_space<hbm>>
    %dma_wait3A_769 = arith.constant 0 : i32
    %dma_wait3A_770 = tpu.memref_slice %arg4[%add3A_748, %dma_wait3A_769] : memref<53248x128xf32, #tpu.memory_space<hbm>> -> memref<128x128xf32, #tpu.memory_space<hbm>>
    %dma_wait3A_771 = arith.constant 0 : i32
    %dma_wait3A_772 = arith.constant 0 : i32
    %dma_wait3A_773 = tpu.memref_slice %arg7[%dma_wait3A_762, %dma_wait3A_771, %dma_wait3A_772] : memref<2x128x128xf32, #tpu.memory_space<vmem>> -> memref<1x128x128xf32, #tpu.memory_space<vmem>>
    %dma_wait3A_774 = tpu.memref_squeeze %dma_wait3A_773 : memref<1x128x128xf32, #tpu.memory_space<vmem>> -> memref<128x128xf32, #tpu.memory_space<vmem>>
    tpu.wait_dma2 semaphore(%arg11 : memref<!tpu.dma_semaphore, #tpu.memory_space<semaphore_mem>>) src(%dma_wait3A_774 : memref<128x128xf32, #tpu.memory_space<vmem>>) dst(%dma_wait3A_770 : memref<128x128xf32, #tpu.memory_space<hbm>>)
    %dma_start3A_775 = arith.constant 12 : i32
    %dma_start3A_776 = arith.constant 0 : i32
    %dma_start3A_777 = arith.constant 0 : i32
    %dma_start3A_778 = arith.constant 0 : i32
    %dma_start3A_779 = tpu.memref_slice %arg7[%dma_start3A_776, %dma_start3A_777, %dma_start3A_778] : memref<2x128x128xf32, #tpu.memory_space<vmem>> -> memref<1x128x128xf32, #tpu.memory_space<vmem>>
    %dma_start3A_780 = tpu.memref_squeeze %dma_start3A_779 : memref<1x128x128xf32, #tpu.memory_space<vmem>> -> memref<128x128xf32, #tpu.memory_space<vmem>>
    %dma_start3A_781 = arith.constant 0 : i32
    %dma_start3A_782 = tpu.memref_slice %arg6[%dma_start3A_775, %dma_start3A_781] : memref<13x128xi32, #tpu.memory_space<vmem>> -> memref<1x128xi32, #tpu.memory_space<vmem>>
    %dma_start3A_783 = tpu.memref_squeeze %dma_start3A_782 : memref<1x128xi32, #tpu.memory_space<vmem>> -> memref<128xi32, #tpu.memory_space<vmem>>
    %dma_start3A_784 = arith.constant 0 : i32
    %dma_start3A_785 = arith.constant 0 : i32
    %dma_start3A_786 = tpu.memref_slice %arg3[%dma_start3A_784, %dma_start3A_785] : memref<1000000x128xf32, #tpu.memory_space<hbm>> -> memref<1000000x128xf32, #tpu.memory_space<hbm>>
    tpu.enqueue_indirect_dma source(%dma_start3A_786 : memref<1000000x128xf32, #tpu.memory_space<hbm>>) target(%dma_start3A_780 : memref<128x128xf32, #tpu.memory_space<vmem>>) offsets(%dma_start3A_783 : memref<128xi32, #tpu.memory_space<vmem>>) semaphore(%arg9 : memref<!tpu.dma_semaphore, #tpu.memory_space<semaphore_mem>>)
    %dma_wait3A_787 = arith.constant 11 : i32
    %dma_wait3A_788 = arith.constant 1 : i32
    %dma_wait3A_789 = arith.constant 0 : i32
    %dma_wait3A_790 = arith.constant 0 : i32
    %dma_wait3A_791 = tpu.memref_slice %arg7[%dma_wait3A_788, %dma_wait3A_789, %dma_wait3A_790] : memref<2x128x128xf32, #tpu.memory_space<vmem>> -> memref<1x128x128xf32, #tpu.memory_space<vmem>>
    %dma_wait3A_792 = tpu.memref_squeeze %dma_wait3A_791 : memref<1x128x128xf32, #tpu.memory_space<vmem>> -> memref<128x128xf32, #tpu.memory_space<vmem>>
    %dma_wait3A_793 = arith.constant 0 : i32
    %dma_wait3A_794 = tpu.memref_slice %arg6[%dma_wait3A_787, %dma_wait3A_793] : memref<13x128xi32, #tpu.memory_space<vmem>> -> memref<1x128xi32, #tpu.memory_space<vmem>>
    %dma_wait3A_795 = tpu.memref_squeeze %dma_wait3A_794 : memref<1x128xi32, #tpu.memory_space<vmem>> -> memref<128xi32, #tpu.memory_space<vmem>>
    %dma_wait3A_796 = arith.constant 0 : i32
    %dma_wait3A_797 = arith.constant 0 : i32
    %dma_wait3A_798 = tpu.memref_slice %arg3[%dma_wait3A_796, %dma_wait3A_797] : memref<1000000x128xf32, #tpu.memory_space<hbm>> -> memref<1000000x128xf32, #tpu.memory_space<hbm>>
    tpu.wait_indirect_dma semaphore(%arg10 : memref<!tpu.dma_semaphore, #tpu.memory_space<semaphore_mem>>) src(%dma_wait3A_798 : memref<1000000x128xf32, #tpu.memory_space<hbm>>) dst(%dma_wait3A_792 : memref<128x128xf32, #tpu.memory_space<vmem>>)
    %sub3A_799 = arith.constant 1408 : i32
    %sub3A_800 = arith.subi %max3A_5, %sub3A_799 : i32
    %min3A_801 = arith.constant 128 : i32
    %min3A_802 = arith.minsi %min3A_801, %sub3A_800 : i32
    %max3A_803 = arith.constant 0 : i32
    %max3A_804 = arith.maxsi %max3A_803, %min3A_802 : i32
    %while3A_805 = arith.constant 0 : i32
    %while3A_806 = arith.subi %max3A_804, %while3A_805 : i32
    %while3A_807 = arith.addi %while3A_805, %while3A_806 : i32
    %while3A_808 = arith.constant 1 : i32
    %while3A_809 = arith.divsi %while3A_806, %while3A_808 : i32
    %while3A_810 = arith.muli %while3A_809, %while3A_808 : i32
    %while3A_811 = arith.addi %while3A_805, %while3A_810 : i32
    %while3A_812 = arith.constant 1 : i32
    %while3A_813:8 = scf.for %while3A_951 = %while3A_805 to %while3A_811 step %while3A_812 iter_args(%while3A_952 = %while3A_746#0, %while3A_953 = %while3A_746#1, %while3A_954 = %while3A_746#2, %while3A_955 = %while3A_746#3, %while3A_956 = %while3A_746#4, %while3A_957 = %while3A_746#5, %while3A_958 = %while3A_746#6, %while3A_959 = %while3A_746#7) -> (vector<16xf32>, vector<16xf32>, vector<16xf32>, vector<16xf32>, vector<16xf32>, vector<16xf32>, vector<16xf32>, vector<16xf32>)  : i32 {
      %get3A = arith.constant 1 : i32
      %get3A_960 = arith.index_cast %get3A : i32 to index
      %get3A_961 = arith.index_cast %while3A_951 : i32 to index
      %get3A_962 = arith.constant 0 : index
      %get3A_963 = tpu.vector_load %arg7[%get3A_960, %get3A_961, %get3A_962] {strides = array<i32>} : memref<2x128x128xf32, #tpu.memory_space<vmem>>, vector<1x1x16xf32>,
      %get3A_964 = vector.shape_cast %get3A_963 : vector<1x1x16xf32> to vector<16xf32>
      %add3A_965 = arith.addf %while3A_952, %get3A_964 : vector<16xf32>
      %mul3A_966 = arith.mulf %get3A_964, %get3A_964 : vector<16xf32>
      %add3A_967 = arith.addf %while3A_956, %mul3A_966 : vector<16xf32>
      %get3A_968 = arith.constant 1 : i32
      %get3A_969 = arith.index_cast %get3A_968 : i32 to index
      %get3A_970 = arith.index_cast %while3A_951 : i32 to index
      %get3A_971 = arith.constant 16 : index
      %get3A_972 = tpu.vector_load %arg7[%get3A_969, %get3A_970, %get3A_971] {strides = array<i32>} : memref<2x128x128xf32, #tpu.memory_space<vmem>>, vector<1x1x16xf32>,
      %get3A_973 = vector.shape_cast %get3A_972 : vector<1x1x16xf32> to vector<16xf32>
      %add3A_974 = arith.addf %while3A_953, %get3A_973 : vector<16xf32>
      %mul3A_975 = arith.mulf %get3A_973, %get3A_973 : vector<16xf32>
      %add3A_976 = arith.addf %while3A_957, %mul3A_975 : vector<16xf32>
      %get3A_977 = arith.constant 1 : i32
      %get3A_978 = arith.index_cast %get3A_977 : i32 to index
      %get3A_979 = arith.index_cast %while3A_951 : i32 to index
      %get3A_980 = arith.constant 32 : index
      %get3A_981 = tpu.vector_load %arg7[%get3A_978, %get3A_979, %get3A_980] {strides = array<i32>} : memref<2x128x128xf32, #tpu.memory_space<vmem>>, vector<1x1x16xf32>,
      %get3A_982 = vector.shape_cast %get3A_981 : vector<1x1x16xf32> to vector<16xf32>
      %add3A_983 = arith.addf %while3A_954, %get3A_982 : vector<16xf32>
      %mul3A_984 = arith.mulf %get3A_982, %get3A_982 : vector<16xf32>
      %add3A_985 = arith.addf %while3A_958, %mul3A_984 : vector<16xf32>
      %get3A_986 = arith.constant 1 : i32
      %get3A_987 = arith.index_cast %get3A_986 : i32 to index
      %get3A_988 = arith.index_cast %while3A_951 : i32 to index
      %get3A_989 = arith.constant 48 : index
      %get3A_990 = tpu.vector_load %arg7[%get3A_987, %get3A_988, %get3A_989] {strides = array<i32>} : memref<2x128x128xf32, #tpu.memory_space<vmem>>, vector<1x1x16xf32>,
      %get3A_991 = vector.shape_cast %get3A_990 : vector<1x1x16xf32> to vector<16xf32>
      %add3A_992 = arith.addf %while3A_955, %get3A_991 : vector<16xf32>
      %mul3A_993 = arith.mulf %get3A_991, %get3A_991 : vector<16xf32>
      %add3A_994 = arith.addf %while3A_959, %mul3A_993 : vector<16xf32>
      scf.yield %add3A_965, %add3A_974, %add3A_983, %add3A_992, %add3A_967, %add3A_976, %add3A_985, %add3A_994 : vector<16xf32>, vector<16xf32>, vector<16xf32>, vector<16xf32>, vector<16xf32>, vector<16xf32>, vector<16xf32>, vector<16xf32>
    }
    %while3A_814 = arith.constant 1 : i32
    %while3A_815:8 = scf.for %while3A_951 = %while3A_811 to %while3A_807 step %while3A_814 iter_args(%while3A_952 = %while3A_813#0, %while3A_953 = %while3A_813#1, %while3A_954 = %while3A_813#2, %while3A_955 = %while3A_813#3, %while3A_956 = %while3A_813#4, %while3A_957 = %while3A_813#5, %while3A_958 = %while3A_813#6, %while3A_959 = %while3A_813#7) -> (vector<16xf32>, vector<16xf32>, vector<16xf32>, vector<16xf32>, vector<16xf32>, vector<16xf32>, vector<16xf32>, vector<16xf32>)  : i32 {
      %get3A = arith.constant 1 : i32
      %get3A_960 = arith.index_cast %get3A : i32 to index
      %get3A_961 = arith.index_cast %while3A_951 : i32 to index
      %get3A_962 = arith.constant 0 : index
      %get3A_963 = tpu.vector_load %arg7[%get3A_960, %get3A_961, %get3A_962] {strides = array<i32>} : memref<2x128x128xf32, #tpu.memory_space<vmem>>, vector<1x1x16xf32>,
      %get3A_964 = vector.shape_cast %get3A_963 : vector<1x1x16xf32> to vector<16xf32>
      %add3A_965 = arith.addf %while3A_952, %get3A_964 : vector<16xf32>
      %mul3A_966 = arith.mulf %get3A_964, %get3A_964 : vector<16xf32>
      %add3A_967 = arith.addf %while3A_956, %mul3A_966 : vector<16xf32>
      %get3A_968 = arith.constant 1 : i32
      %get3A_969 = arith.index_cast %get3A_968 : i32 to index
      %get3A_970 = arith.index_cast %while3A_951 : i32 to index
      %get3A_971 = arith.constant 16 : index
      %get3A_972 = tpu.vector_load %arg7[%get3A_969, %get3A_970, %get3A_971] {strides = array<i32>} : memref<2x128x128xf32, #tpu.memory_space<vmem>>, vector<1x1x16xf32>,
      %get3A_973 = vector.shape_cast %get3A_972 : vector<1x1x16xf32> to vector<16xf32>
      %add3A_974 = arith.addf %while3A_953, %get3A_973 : vector<16xf32>
      %mul3A_975 = arith.mulf %get3A_973, %get3A_973 : vector<16xf32>
      %add3A_976 = arith.addf %while3A_957, %mul3A_975 : vector<16xf32>
      %get3A_977 = arith.constant 1 : i32
      %get3A_978 = arith.index_cast %get3A_977 : i32 to index
      %get3A_979 = arith.index_cast %while3A_951 : i32 to index
      %get3A_980 = arith.constant 32 : index
      %get3A_981 = tpu.vector_load %arg7[%get3A_978, %get3A_979, %get3A_980] {strides = array<i32>} : memref<2x128x128xf32, #tpu.memory_space<vmem>>, vector<1x1x16xf32>,
      %get3A_982 = vector.shape_cast %get3A_981 : vector<1x1x16xf32> to vector<16xf32>
      %add3A_983 = arith.addf %while3A_954, %get3A_982 : vector<16xf32>
      %mul3A_984 = arith.mulf %get3A_982, %get3A_982 : vector<16xf32>
      %add3A_985 = arith.addf %while3A_958, %mul3A_984 : vector<16xf32>
      %get3A_986 = arith.constant 1 : i32
      %get3A_987 = arith.index_cast %get3A_986 : i32 to index
      %get3A_988 = arith.index_cast %while3A_951 : i32 to index
      %get3A_989 = arith.constant 48 : index
      %get3A_990 = tpu.vector_load %arg7[%get3A_987, %get3A_988, %get3A_989] {strides = array<i32>} : memref<2x128x128xf32, #tpu.memory_space<vmem>>, vector<1x1x16xf32>,
      %get3A_991 = vector.shape_cast %get3A_990 : vector<1x1x16xf32> to vector<16xf32>
      %add3A_992 = arith.addf %while3A_955, %get3A_991 : vector<16xf32>
      %mul3A_993 = arith.mulf %get3A_991, %get3A_991 : vector<16xf32>
      %add3A_994 = arith.addf %while3A_959, %mul3A_993 : vector<16xf32>
      scf.yield %add3A_965, %add3A_974, %add3A_983, %add3A_992, %add3A_967, %add3A_976, %add3A_985, %add3A_994 : vector<16xf32>, vector<16xf32>, vector<16xf32>, vector<16xf32>, vector<16xf32>, vector<16xf32>, vector<16xf32>, vector<16xf32>
    }
    %add3A_816 = arith.constant 1408 : i32
    %add3A_817 = arith.addi %mul3A_2, %add3A_816 : i32
    %dma_start3A_818 = arith.constant 1 : i32
    %dma_start3A_819 = arith.constant 0 : i32
    %dma_start3A_820 = arith.constant 0 : i32
    %dma_start3A_821 = tpu.memref_slice %arg7[%dma_start3A_818, %dma_start3A_819, %dma_start3A_820] : memref<2x128x128xf32, #tpu.memory_space<vmem>> -> memref<1x128x128xf32, #tpu.memory_space<vmem>>
    %dma_start3A_822 = tpu.memref_squeeze %dma_start3A_821 : memref<1x128x128xf32, #tpu.memory_space<vmem>> -> memref<128x128xf32, #tpu.memory_space<vmem>>
    %dma_start3A_823 = arith.constant 0 : i32
    %dma_start3A_824 = tpu.memref_slice %arg4[%add3A_817, %dma_start3A_823] : memref<53248x128xf32, #tpu.memory_space<hbm>> -> memref<128x128xf32, #tpu.memory_space<hbm>>
    %dma_start3A_825 = arith.constant 0 : i32
    %dma_start3A_826 = tpu.memref_slice %arg4[%add3A_817, %dma_start3A_825] : memref<53248x128xf32, #tpu.memory_space<hbm>> -> memref<128x128xf32, #tpu.memory_space<hbm>>
    %dma_start3A_827 = arith.constant 0 : i32
    %dma_start3A_828 = arith.constant 0 : i32
    %dma_start3A_829 = tpu.memref_slice %arg7[%dma_start3A_818, %dma_start3A_827, %dma_start3A_828] : memref<2x128x128xf32, #tpu.memory_space<vmem>> -> memref<1x128x128xf32, #tpu.memory_space<vmem>>
    %dma_start3A_830 = tpu.memref_squeeze %dma_start3A_829 : memref<1x128x128xf32, #tpu.memory_space<vmem>> -> memref<128x128xf32, #tpu.memory_space<vmem>>
    tpu.enqueue_dma source(%dma_start3A_830 : memref<128x128xf32, #tpu.memory_space<vmem>>) target(%dma_start3A_826 : memref<128x128xf32, #tpu.memory_space<hbm>>) target_semaphore(%arg12 : memref<!tpu.dma_semaphore, #tpu.memory_space<semaphore_mem>>)
    %dma_wait3A_831 = arith.constant 12 : i32
    %dma_wait3A_832 = arith.constant 0 : i32
    %dma_wait3A_833 = arith.constant 0 : i32
    %dma_wait3A_834 = arith.constant 0 : i32
    %dma_wait3A_835 = tpu.memref_slice %arg7[%dma_wait3A_832, %dma_wait3A_833, %dma_wait3A_834] : memref<2x128x128xf32, #tpu.memory_space<vmem>> -> memref<1x128x128xf32, #tpu.memory_space<vmem>>
    %dma_wait3A_836 = tpu.memref_squeeze %dma_wait3A_835 : memref<1x128x128xf32, #tpu.memory_space<vmem>> -> memref<128x128xf32, #tpu.memory_space<vmem>>
    %dma_wait3A_837 = arith.constant 0 : i32
    %dma_wait3A_838 = tpu.memref_slice %arg6[%dma_wait3A_831, %dma_wait3A_837] : memref<13x128xi32, #tpu.memory_space<vmem>> -> memref<1x128xi32, #tpu.memory_space<vmem>>
    %dma_wait3A_839 = tpu.memref_squeeze %dma_wait3A_838 : memref<1x128xi32, #tpu.memory_space<vmem>> -> memref<128xi32, #tpu.memory_space<vmem>>
    %dma_wait3A_840 = arith.constant 0 : i32
    %dma_wait3A_841 = arith.constant 0 : i32
    %dma_wait3A_842 = tpu.memref_slice %arg3[%dma_wait3A_840, %dma_wait3A_841] : memref<1000000x128xf32, #tpu.memory_space<hbm>> -> memref<1000000x128xf32, #tpu.memory_space<hbm>>
    tpu.wait_indirect_dma semaphore(%arg9 : memref<!tpu.dma_semaphore, #tpu.memory_space<semaphore_mem>>) src(%dma_wait3A_842 : memref<1000000x128xf32, #tpu.memory_space<hbm>>) dst(%dma_wait3A_836 : memref<128x128xf32, #tpu.memory_space<vmem>>)
    %sub3A_843 = arith.constant 1536 : i32
    %sub3A_844 = arith.subi %max3A_5, %sub3A_843 : i32
    %min3A_845 = arith.constant 128 : i32
    %min3A_846 = arith.minsi %min3A_845, %sub3A_844 : i32
    %max3A_847 = arith.constant 0 : i32
    %max3A_848 = arith.maxsi %max3A_847, %min3A_846 : i32
    %while3A_849 = arith.constant 0 : i32
    %while3A_850 = arith.subi %max3A_848, %while3A_849 : i32
    %while3A_851 = arith.addi %while3A_849, %while3A_850 : i32
    %while3A_852 = arith.constant 1 : i32
    %while3A_853 = arith.divsi %while3A_850, %while3A_852 : i32
    %while3A_854 = arith.muli %while3A_853, %while3A_852 : i32
    %while3A_855 = arith.addi %while3A_849, %while3A_854 : i32
    %while3A_856 = arith.constant 1 : i32
    %while3A_857:8 = scf.for %while3A_951 = %while3A_849 to %while3A_855 step %while3A_856 iter_args(%while3A_952 = %while3A_815#0, %while3A_953 = %while3A_815#1, %while3A_954 = %while3A_815#2, %while3A_955 = %while3A_815#3, %while3A_956 = %while3A_815#4, %while3A_957 = %while3A_815#5, %while3A_958 = %while3A_815#6, %while3A_959 = %while3A_815#7) -> (vector<16xf32>, vector<16xf32>, vector<16xf32>, vector<16xf32>, vector<16xf32>, vector<16xf32>, vector<16xf32>, vector<16xf32>)  : i32 {
      %get3A = arith.constant 0 : i32
      %get3A_960 = arith.index_cast %get3A : i32 to index
      %get3A_961 = arith.index_cast %while3A_951 : i32 to index
      %get3A_962 = arith.constant 0 : index
      %get3A_963 = tpu.vector_load %arg7[%get3A_960, %get3A_961, %get3A_962] {strides = array<i32>} : memref<2x128x128xf32, #tpu.memory_space<vmem>>, vector<1x1x16xf32>,
      %get3A_964 = vector.shape_cast %get3A_963 : vector<1x1x16xf32> to vector<16xf32>
      %add3A_965 = arith.addf %while3A_952, %get3A_964 : vector<16xf32>
      %mul3A_966 = arith.mulf %get3A_964, %get3A_964 : vector<16xf32>
      %add3A_967 = arith.addf %while3A_956, %mul3A_966 : vector<16xf32>
      %get3A_968 = arith.constant 0 : i32
      %get3A_969 = arith.index_cast %get3A_968 : i32 to index
      %get3A_970 = arith.index_cast %while3A_951 : i32 to index
      %get3A_971 = arith.constant 16 : index
      %get3A_972 = tpu.vector_load %arg7[%get3A_969, %get3A_970, %get3A_971] {strides = array<i32>} : memref<2x128x128xf32, #tpu.memory_space<vmem>>, vector<1x1x16xf32>,
      %get3A_973 = vector.shape_cast %get3A_972 : vector<1x1x16xf32> to vector<16xf32>
      %add3A_974 = arith.addf %while3A_953, %get3A_973 : vector<16xf32>
      %mul3A_975 = arith.mulf %get3A_973, %get3A_973 : vector<16xf32>
      %add3A_976 = arith.addf %while3A_957, %mul3A_975 : vector<16xf32>
      %get3A_977 = arith.constant 0 : i32
      %get3A_978 = arith.index_cast %get3A_977 : i32 to index
      %get3A_979 = arith.index_cast %while3A_951 : i32 to index
      %get3A_980 = arith.constant 32 : index
      %get3A_981 = tpu.vector_load %arg7[%get3A_978, %get3A_979, %get3A_980] {strides = array<i32>} : memref<2x128x128xf32, #tpu.memory_space<vmem>>, vector<1x1x16xf32>,
      %get3A_982 = vector.shape_cast %get3A_981 : vector<1x1x16xf32> to vector<16xf32>
      %add3A_983 = arith.addf %while3A_954, %get3A_982 : vector<16xf32>
      %mul3A_984 = arith.mulf %get3A_982, %get3A_982 : vector<16xf32>
      %add3A_985 = arith.addf %while3A_958, %mul3A_984 : vector<16xf32>
      %get3A_986 = arith.constant 0 : i32
      %get3A_987 = arith.index_cast %get3A_986 : i32 to index
      %get3A_988 = arith.index_cast %while3A_951 : i32 to index
      %get3A_989 = arith.constant 48 : index
      %get3A_990 = tpu.vector_load %arg7[%get3A_987, %get3A_988, %get3A_989] {strides = array<i32>} : memref<2x128x128xf32, #tpu.memory_space<vmem>>, vector<1x1x16xf32>,
      %get3A_991 = vector.shape_cast %get3A_990 : vector<1x1x16xf32> to vector<16xf32>
      %add3A_992 = arith.addf %while3A_955, %get3A_991 : vector<16xf32>
      %mul3A_993 = arith.mulf %get3A_991, %get3A_991 : vector<16xf32>
      %add3A_994 = arith.addf %while3A_959, %mul3A_993 : vector<16xf32>
      scf.yield %add3A_965, %add3A_974, %add3A_983, %add3A_992, %add3A_967, %add3A_976, %add3A_985, %add3A_994 : vector<16xf32>, vector<16xf32>, vector<16xf32>, vector<16xf32>, vector<16xf32>, vector<16xf32>, vector<16xf32>, vector<16xf32>
    }
    %while3A_858 = arith.constant 1 : i32
    %while3A_859:8 = scf.for %while3A_951 = %while3A_855 to %while3A_851 step %while3A_858 iter_args(%while3A_952 = %while3A_857#0, %while3A_953 = %while3A_857#1, %while3A_954 = %while3A_857#2, %while3A_955 = %while3A_857#3, %while3A_956 = %while3A_857#4, %while3A_957 = %while3A_857#5, %while3A_958 = %while3A_857#6, %while3A_959 = %while3A_857#7) -> (vector<16xf32>, vector<16xf32>, vector<16xf32>, vector<16xf32>, vector<16xf32>, vector<16xf32>, vector<16xf32>, vector<16xf32>)  : i32 {
      %get3A = arith.constant 0 : i32
      %get3A_960 = arith.index_cast %get3A : i32 to index
      %get3A_961 = arith.index_cast %while3A_951 : i32 to index
      %get3A_962 = arith.constant 0 : index
      %get3A_963 = tpu.vector_load %arg7[%get3A_960, %get3A_961, %get3A_962] {strides = array<i32>} : memref<2x128x128xf32, #tpu.memory_space<vmem>>, vector<1x1x16xf32>,
      %get3A_964 = vector.shape_cast %get3A_963 : vector<1x1x16xf32> to vector<16xf32>
      %add3A_965 = arith.addf %while3A_952, %get3A_964 : vector<16xf32>
      %mul3A_966 = arith.mulf %get3A_964, %get3A_964 : vector<16xf32>
      %add3A_967 = arith.addf %while3A_956, %mul3A_966 : vector<16xf32>
      %get3A_968 = arith.constant 0 : i32
      %get3A_969 = arith.index_cast %get3A_968 : i32 to index
      %get3A_970 = arith.index_cast %while3A_951 : i32 to index
      %get3A_971 = arith.constant 16 : index
      %get3A_972 = tpu.vector_load %arg7[%get3A_969, %get3A_970, %get3A_971] {strides = array<i32>} : memref<2x128x128xf32, #tpu.memory_space<vmem>>, vector<1x1x16xf32>,
      %get3A_973 = vector.shape_cast %get3A_972 : vector<1x1x16xf32> to vector<16xf32>
      %add3A_974 = arith.addf %while3A_953, %get3A_973 : vector<16xf32>
      %mul3A_975 = arith.mulf %get3A_973, %get3A_973 : vector<16xf32>
      %add3A_976 = arith.addf %while3A_957, %mul3A_975 : vector<16xf32>
      %get3A_977 = arith.constant 0 : i32
      %get3A_978 = arith.index_cast %get3A_977 : i32 to index
      %get3A_979 = arith.index_cast %while3A_951 : i32 to index
      %get3A_980 = arith.constant 32 : index
      %get3A_981 = tpu.vector_load %arg7[%get3A_978, %get3A_979, %get3A_980] {strides = array<i32>} : memref<2x128x128xf32, #tpu.memory_space<vmem>>, vector<1x1x16xf32>,
      %get3A_982 = vector.shape_cast %get3A_981 : vector<1x1x16xf32> to vector<16xf32>
      %add3A_983 = arith.addf %while3A_954, %get3A_982 : vector<16xf32>
      %mul3A_984 = arith.mulf %get3A_982, %get3A_982 : vector<16xf32>
      %add3A_985 = arith.addf %while3A_958, %mul3A_984 : vector<16xf32>
      %get3A_986 = arith.constant 0 : i32
      %get3A_987 = arith.index_cast %get3A_986 : i32 to index
      %get3A_988 = arith.index_cast %while3A_951 : i32 to index
      %get3A_989 = arith.constant 48 : index
      %get3A_990 = tpu.vector_load %arg7[%get3A_987, %get3A_988, %get3A_989] {strides = array<i32>} : memref<2x128x128xf32, #tpu.memory_space<vmem>>, vector<1x1x16xf32>,
      %get3A_991 = vector.shape_cast %get3A_990 : vector<1x1x16xf32> to vector<16xf32>
      %add3A_992 = arith.addf %while3A_955, %get3A_991 : vector<16xf32>
      %mul3A_993 = arith.mulf %get3A_991, %get3A_991 : vector<16xf32>
      %add3A_994 = arith.addf %while3A_959, %mul3A_993 : vector<16xf32>
      scf.yield %add3A_965, %add3A_974, %add3A_983, %add3A_992, %add3A_967, %add3A_976, %add3A_985, %add3A_994 : vector<16xf32>, vector<16xf32>, vector<16xf32>, vector<16xf32>, vector<16xf32>, vector<16xf32>, vector<16xf32>, vector<16xf32>
    }
    %add3A_860 = arith.constant 1536 : i32
    %add3A_861 = arith.addi %mul3A_2, %add3A_860 : i32
    %dma_start3A_862 = arith.constant 0 : i32
    %dma_start3A_863 = arith.constant 0 : i32
    %dma_start3A_864 = arith.constant 0 : i32
    %dma_start3A_865 = tpu.memref_slice %arg7[%dma_start3A_862, %dma_start3A_863, %dma_start3A_864] : memref<2x128x128xf32, #tpu.memory_space<vmem>> -> memref<1x128x128xf32, #tpu.memory_space<vmem>>
    %dma_start3A_866 = tpu.memref_squeeze %dma_start3A_865 : memref<1x128x128xf32, #tpu.memory_space<vmem>> -> memref<128x128xf32, #tpu.memory_space<vmem>>
    %dma_start3A_867 = arith.constant 0 : i32
    %dma_start3A_868 = tpu.memref_slice %arg4[%add3A_861, %dma_start3A_867] : memref<53248x128xf32, #tpu.memory_space<hbm>> -> memref<128x128xf32, #tpu.memory_space<hbm>>
    %dma_start3A_869 = arith.constant 0 : i32
    %dma_start3A_870 = tpu.memref_slice %arg4[%add3A_861, %dma_start3A_869] : memref<53248x128xf32, #tpu.memory_space<hbm>> -> memref<128x128xf32, #tpu.memory_space<hbm>>
    %dma_start3A_871 = arith.constant 0 : i32
    %dma_start3A_872 = arith.constant 0 : i32
    %dma_start3A_873 = tpu.memref_slice %arg7[%dma_start3A_862, %dma_start3A_871, %dma_start3A_872] : memref<2x128x128xf32, #tpu.memory_space<vmem>> -> memref<1x128x128xf32, #tpu.memory_space<vmem>>
    %dma_start3A_874 = tpu.memref_squeeze %dma_start3A_873 : memref<1x128x128xf32, #tpu.memory_space<vmem>> -> memref<128x128xf32, #tpu.memory_space<vmem>>
    tpu.enqueue_dma source(%dma_start3A_874 : memref<128x128xf32, #tpu.memory_space<vmem>>) target(%dma_start3A_870 : memref<128x128xf32, #tpu.memory_space<hbm>>) target_semaphore(%arg11 : memref<!tpu.dma_semaphore, #tpu.memory_space<semaphore_mem>>)
    %swap3A = arith.constant 0 : i32
    %swap3A_875 = arith.index_cast %swap3A : i32 to index
    %swap3A_876 = arith.constant 0 : index
    %swap3A_877 = tpu.vector_load %arg8[%swap3A_875, %swap3A_876] {strides = array<i32>} : memref<2x64xf32, #tpu.memory_space<vmem>>, vector<1x16xf32>,
    %swap3A_878 = vector.shape_cast %swap3A_877 : vector<1x16xf32> to vector<16xf32>
    %swap3A_879 = vector.shape_cast %while3A_859#0 : vector<16xf32> to vector<1x16xf32>
    tpu.vector_store %arg8[%swap3A_875, %swap3A_876], %swap3A_879 {strides = array<i32>} : memref<2x64xf32, #tpu.memory_space<vmem>>, vector<1x16xf32>,
    %swap3A_880 = arith.constant 1 : i32
    %swap3A_881 = arith.index_cast %swap3A_880 : i32 to index
    %swap3A_882 = arith.constant 0 : index
    %swap3A_883 = tpu.vector_load %arg8[%swap3A_881, %swap3A_882] {strides = array<i32>} : memref<2x64xf32, #tpu.memory_space<vmem>>, vector<1x16xf32>,
    %swap3A_884 = vector.shape_cast %swap3A_883 : vector<1x16xf32> to vector<16xf32>
    %swap3A_885 = vector.shape_cast %while3A_859#4 : vector<16xf32> to vector<1x16xf32>
    tpu.vector_store %arg8[%swap3A_881, %swap3A_882], %swap3A_885 {strides = array<i32>} : memref<2x64xf32, #tpu.memory_space<vmem>>, vector<1x16xf32>,
    %swap3A_886 = arith.constant 0 : i32
    %swap3A_887 = arith.index_cast %swap3A_886 : i32 to index
    %swap3A_888 = arith.constant 16 : index
    %swap3A_889 = tpu.vector_load %arg8[%swap3A_887, %swap3A_888] {strides = array<i32>} : memref<2x64xf32, #tpu.memory_space<vmem>>, vector<1x16xf32>,
    %swap3A_890 = vector.shape_cast %swap3A_889 : vector<1x16xf32> to vector<16xf32>
    %swap3A_891 = vector.shape_cast %while3A_859#1 : vector<16xf32> to vector<1x16xf32>
    tpu.vector_store %arg8[%swap3A_887, %swap3A_888], %swap3A_891 {strides = array<i32>} : memref<2x64xf32, #tpu.memory_space<vmem>>, vector<1x16xf32>,
    %swap3A_892 = arith.constant 1 : i32
    %swap3A_893 = arith.index_cast %swap3A_892 : i32 to index
    %swap3A_894 = arith.constant 16 : index
    %swap3A_895 = tpu.vector_load %arg8[%swap3A_893, %swap3A_894] {strides = array<i32>} : memref<2x64xf32, #tpu.memory_space<vmem>>, vector<1x16xf32>,
    %swap3A_896 = vector.shape_cast %swap3A_895 : vector<1x16xf32> to vector<16xf32>
    %swap3A_897 = vector.shape_cast %while3A_859#5 : vector<16xf32> to vector<1x16xf32>
    tpu.vector_store %arg8[%swap3A_893, %swap3A_894], %swap3A_897 {strides = array<i32>} : memref<2x64xf32, #tpu.memory_space<vmem>>, vector<1x16xf32>,
    %swap3A_898 = arith.constant 0 : i32
    %swap3A_899 = arith.index_cast %swap3A_898 : i32 to index
    %swap3A_900 = arith.constant 32 : index
    %swap3A_901 = tpu.vector_load %arg8[%swap3A_899, %swap3A_900] {strides = array<i32>} : memref<2x64xf32, #tpu.memory_space<vmem>>, vector<1x16xf32>,
    %swap3A_902 = vector.shape_cast %swap3A_901 : vector<1x16xf32> to vector<16xf32>
    %swap3A_903 = vector.shape_cast %while3A_859#2 : vector<16xf32> to vector<1x16xf32>
    tpu.vector_store %arg8[%swap3A_899, %swap3A_900], %swap3A_903 {strides = array<i32>} : memref<2x64xf32, #tpu.memory_space<vmem>>, vector<1x16xf32>,
    %swap3A_904 = arith.constant 1 : i32
    %swap3A_905 = arith.index_cast %swap3A_904 : i32 to index
    %swap3A_906 = arith.constant 32 : index
    %swap3A_907 = tpu.vector_load %arg8[%swap3A_905, %swap3A_906] {strides = array<i32>} : memref<2x64xf32, #tpu.memory_space<vmem>>, vector<1x16xf32>,
    %swap3A_908 = vector.shape_cast %swap3A_907 : vector<1x16xf32> to vector<16xf32>
    %swap3A_909 = vector.shape_cast %while3A_859#6 : vector<16xf32> to vector<1x16xf32>
    tpu.vector_store %arg8[%swap3A_905, %swap3A_906], %swap3A_909 {strides = array<i32>} : memref<2x64xf32, #tpu.memory_space<vmem>>, vector<1x16xf32>,
    %swap3A_910 = arith.constant 0 : i32
    %swap3A_911 = arith.index_cast %swap3A_910 : i32 to index
    %swap3A_912 = arith.constant 48 : index
    %swap3A_913 = tpu.vector_load %arg8[%swap3A_911, %swap3A_912] {strides = array<i32>} : memref<2x64xf32, #tpu.memory_space<vmem>>, vector<1x16xf32>,
    %swap3A_914 = vector.shape_cast %swap3A_913 : vector<1x16xf32> to vector<16xf32>
    %swap3A_915 = vector.shape_cast %while3A_859#3 : vector<16xf32> to vector<1x16xf32>
    tpu.vector_store %arg8[%swap3A_911, %swap3A_912], %swap3A_915 {strides = array<i32>} : memref<2x64xf32, #tpu.memory_space<vmem>>, vector<1x16xf32>,
    %swap3A_916 = arith.constant 1 : i32
    %swap3A_917 = arith.index_cast %swap3A_916 : i32 to index
    %swap3A_918 = arith.constant 48 : index
    %swap3A_919 = tpu.vector_load %arg8[%swap3A_917, %swap3A_918] {strides = array<i32>} : memref<2x64xf32, #tpu.memory_space<vmem>>, vector<1x16xf32>,
    %swap3A_920 = vector.shape_cast %swap3A_919 : vector<1x16xf32> to vector<16xf32>
    %swap3A_921 = vector.shape_cast %while3A_859#7 : vector<16xf32> to vector<1x16xf32>
    tpu.vector_store %arg8[%swap3A_917, %swap3A_918], %swap3A_921 {strides = array<i32>} : memref<2x64xf32, #tpu.memory_space<vmem>>, vector<1x16xf32>,
    %run_scoped3A = arith.constant 0 : i32
    %run_scoped3A_922 = arith.constant 0 : i32
    "tpu.region"() ({
      %run_scoped3A_951 = tpu.sem_alloc : memref<!tpu.dma_semaphore, #tpu.memory_space<semaphore_mem>>
      %dma_start3A_952 = arith.constant 0 : i32
      %dma_start3A_953 = tpu.memref_slice %arg8[%run_scoped3A, %dma_start3A_952] : memref<2x64xf32, #tpu.memory_space<vmem>> -> memref<1x64xf32, #tpu.memory_space<vmem>>
      %dma_start3A_954 = tpu.memref_squeeze %dma_start3A_953 : memref<1x64xf32, #tpu.memory_space<vmem>> -> memref<64xf32, #tpu.memory_space<vmem>>
      %dma_start3A_955 = arith.constant 0 : i32
      %dma_start3A_956 = tpu.memref_slice %arg5[%run_scoped3A_922, %add3A, %dma_start3A_955] : memref<2x32x64xf32, #tpu.memory_space<hbm>> -> memref<1x1x64xf32, #tpu.memory_space<hbm>>
      %dma_start3A_957 = tpu.memref_squeeze %dma_start3A_956 : memref<1x1x64xf32, #tpu.memory_space<hbm>> -> memref<64xf32, #tpu.memory_space<hbm>>
      %dma_start3A_958 = arith.constant 0 : i32
      %dma_start3A_959 = tpu.memref_slice %arg5[%run_scoped3A_922, %add3A, %dma_start3A_958] : memref<2x32x64xf32, #tpu.memory_space<hbm>> -> memref<1x1x64xf32, #tpu.memory_space<hbm>>
      %dma_start3A_960 = tpu.memref_squeeze %dma_start3A_959 : memref<1x1x64xf32, #tpu.memory_space<hbm>> -> memref<64xf32, #tpu.memory_space<hbm>>
      %dma_start3A_961 = arith.constant 0 : i32
      %dma_start3A_962 = tpu.memref_slice %arg8[%run_scoped3A, %dma_start3A_961] : memref<2x64xf32, #tpu.memory_space<vmem>> -> memref<1x64xf32, #tpu.memory_space<vmem>>
      %dma_start3A_963 = tpu.memref_squeeze %dma_start3A_962 : memref<1x64xf32, #tpu.memory_space<vmem>> -> memref<64xf32, #tpu.memory_space<vmem>>
      tpu.enqueue_dma source(%dma_start3A_963 : memref<64xf32, #tpu.memory_space<vmem>>) target(%dma_start3A_960 : memref<64xf32, #tpu.memory_space<hbm>>) target_semaphore(%run_scoped3A_951 : memref<!tpu.dma_semaphore, #tpu.memory_space<semaphore_mem>>)
      %dma_wait3A_964 = arith.constant 0 : i32
      %dma_wait3A_965 = tpu.memref_slice %arg8[%run_scoped3A, %dma_wait3A_964] : memref<2x64xf32, #tpu.memory_space<vmem>> -> memref<1x64xf32, #tpu.memory_space<vmem>>
      %dma_wait3A_966 = tpu.memref_squeeze %dma_wait3A_965 : memref<1x64xf32, #tpu.memory_space<vmem>> -> memref<64xf32, #tpu.memory_space<vmem>>
      %dma_wait3A_967 = arith.constant 0 : i32
      %dma_wait3A_968 = tpu.memref_slice %arg5[%run_scoped3A_922, %add3A, %dma_wait3A_967] : memref<2x32x64xf32, #tpu.memory_space<hbm>> -> memref<1x1x64xf32, #tpu.memory_space<hbm>>
      %dma_wait3A_969 = tpu.memref_squeeze %dma_wait3A_968 : memref<1x1x64xf32, #tpu.memory_space<hbm>> -> memref<64xf32, #tpu.memory_space<hbm>>
      %dma_wait3A_970 = arith.constant 0 : i32
      %dma_wait3A_971 = tpu.memref_slice %arg5[%run_scoped3A_922, %add3A, %dma_wait3A_970] : memref<2x32x64xf32, #tpu.memory_space<hbm>> -> memref<1x1x64xf32, #tpu.memory_space<hbm>>
      %dma_wait3A_972 = tpu.memref_squeeze %dma_wait3A_971 : memref<1x1x64xf32, #tpu.memory_space<hbm>> -> memref<64xf32, #tpu.memory_space<hbm>>
      %dma_wait3A_973 = arith.constant 0 : i32
      %dma_wait3A_974 = tpu.memref_slice %arg8[%run_scoped3A, %dma_wait3A_973] : memref<2x64xf32, #tpu.memory_space<vmem>> -> memref<1x64xf32, #tpu.memory_space<vmem>>
      %dma_wait3A_975 = tpu.memref_squeeze %dma_wait3A_974 : memref<1x64xf32, #tpu.memory_space<vmem>> -> memref<64xf32, #tpu.memory_space<vmem>>
      tpu.wait_dma2 semaphore(%run_scoped3A_951 : memref<!tpu.dma_semaphore, #tpu.memory_space<semaphore_mem>>) src(%dma_wait3A_975 : memref<64xf32, #tpu.memory_space<vmem>>) dst(%dma_wait3A_972 : memref<64xf32, #tpu.memory_space<hbm>>)
      tpu.yield
    }) : () -> ()
    %run_scoped3A_923 = arith.constant 1 : i32
    %run_scoped3A_924 = arith.constant 1 : i32
    "tpu.region"() ({
      %run_scoped3A_951 = tpu.sem_alloc : memref<!tpu.dma_semaphore, #tpu.memory_space<semaphore_mem>>
      %dma_start3A_952 = arith.constant 0 : i32
      %dma_start3A_953 = tpu.memref_slice %arg8[%run_scoped3A_923, %dma_start3A_952] : memref<2x64xf32, #tpu.memory_space<vmem>> -> memref<1x64xf32, #tpu.memory_space<vmem>>
      %dma_start3A_954 = tpu.memref_squeeze %dma_start3A_953 : memref<1x64xf32, #tpu.memory_space<vmem>> -> memref<64xf32, #tpu.memory_space<vmem>>
      %dma_start3A_955 = arith.constant 0 : i32
      %dma_start3A_956 = tpu.memref_slice %arg5[%run_scoped3A_924, %add3A, %dma_start3A_955] : memref<2x32x64xf32, #tpu.memory_space<hbm>> -> memref<1x1x64xf32, #tpu.memory_space<hbm>>
      %dma_start3A_957 = tpu.memref_squeeze %dma_start3A_956 : memref<1x1x64xf32, #tpu.memory_space<hbm>> -> memref<64xf32, #tpu.memory_space<hbm>>
      %dma_start3A_958 = arith.constant 0 : i32
      %dma_start3A_959 = tpu.memref_slice %arg5[%run_scoped3A_924, %add3A, %dma_start3A_958] : memref<2x32x64xf32, #tpu.memory_space<hbm>> -> memref<1x1x64xf32, #tpu.memory_space<hbm>>
      %dma_start3A_960 = tpu.memref_squeeze %dma_start3A_959 : memref<1x1x64xf32, #tpu.memory_space<hbm>> -> memref<64xf32, #tpu.memory_space<hbm>>
      %dma_start3A_961 = arith.constant 0 : i32
      %dma_start3A_962 = tpu.memref_slice %arg8[%run_scoped3A_923, %dma_start3A_961] : memref<2x64xf32, #tpu.memory_space<vmem>> -> memref<1x64xf32, #tpu.memory_space<vmem>>
      %dma_start3A_963 = tpu.memref_squeeze %dma_start3A_962 : memref<1x64xf32, #tpu.memory_space<vmem>> -> memref<64xf32, #tpu.memory_space<vmem>>
      tpu.enqueue_dma source(%dma_start3A_963 : memref<64xf32, #tpu.memory_space<vmem>>) target(%dma_start3A_960 : memref<64xf32, #tpu.memory_space<hbm>>) target_semaphore(%run_scoped3A_951 : memref<!tpu.dma_semaphore, #tpu.memory_space<semaphore_mem>>)
      %dma_wait3A_964 = arith.constant 0 : i32
      %dma_wait3A_965 = tpu.memref_slice %arg8[%run_scoped3A_923, %dma_wait3A_964] : memref<2x64xf32, #tpu.memory_space<vmem>> -> memref<1x64xf32, #tpu.memory_space<vmem>>
      %dma_wait3A_966 = tpu.memref_squeeze %dma_wait3A_965 : memref<1x64xf32, #tpu.memory_space<vmem>> -> memref<64xf32, #tpu.memory_space<vmem>>
      %dma_wait3A_967 = arith.constant 0 : i32
      %dma_wait3A_968 = tpu.memref_slice %arg5[%run_scoped3A_924, %add3A, %dma_wait3A_967] : memref<2x32x64xf32, #tpu.memory_space<hbm>> -> memref<1x1x64xf32, #tpu.memory_space<hbm>>
      %dma_wait3A_969 = tpu.memref_squeeze %dma_wait3A_968 : memref<1x1x64xf32, #tpu.memory_space<hbm>> -> memref<64xf32, #tpu.memory_space<hbm>>
      %dma_wait3A_970 = arith.constant 0 : i32
      %dma_wait3A_971 = tpu.memref_slice %arg5[%run_scoped3A_924, %add3A, %dma_wait3A_970] : memref<2x32x64xf32, #tpu.memory_space<hbm>> -> memref<1x1x64xf32, #tpu.memory_space<hbm>>
      %dma_wait3A_972 = tpu.memref_squeeze %dma_wait3A_971 : memref<1x1x64xf32, #tpu.memory_space<hbm>> -> memref<64xf32, #tpu.memory_space<hbm>>
      %dma_wait3A_973 = arith.constant 0 : i32
      %dma_wait3A_974 = tpu.memref_slice %arg8[%run_scoped3A_923, %dma_wait3A_973] : memref<2x64xf32, #tpu.memory_space<vmem>> -> memref<1x64xf32, #tpu.memory_space<vmem>>
      %dma_wait3A_975 = tpu.memref_squeeze %dma_wait3A_974 : memref<1x64xf32, #tpu.memory_space<vmem>> -> memref<64xf32, #tpu.memory_space<vmem>>
      tpu.wait_dma2 semaphore(%run_scoped3A_951 : memref<!tpu.dma_semaphore, #tpu.memory_space<semaphore_mem>>) src(%dma_wait3A_975 : memref<64xf32, #tpu.memory_space<vmem>>) dst(%dma_wait3A_972 : memref<64xf32, #tpu.memory_space<hbm>>)
      tpu.yield
    }) : () -> ()
    %dma_wait3A_925 = arith.constant 0 : i32
    %dma_wait3A_926 = arith.constant 0 : i32
    %dma_wait3A_927 = arith.constant 0 : i32
    %dma_wait3A_928 = tpu.memref_slice %arg7[%dma_wait3A_925, %dma_wait3A_926, %dma_wait3A_927] : memref<2x128x128xf32, #tpu.memory_space<vmem>> -> memref<1x128x128xf32, #tpu.memory_space<vmem>>
    %dma_wait3A_929 = tpu.memref_squeeze %dma_wait3A_928 : memref<1x128x128xf32, #tpu.memory_space<vmem>> -> memref<128x128xf32, #tpu.memory_space<vmem>>
    %dma_wait3A_930 = arith.constant 0 : i32
    %dma_wait3A_931 = tpu.memref_slice %arg4[%add3A_861, %dma_wait3A_930] : memref<53248x128xf32, #tpu.memory_space<hbm>> -> memref<128x128xf32, #tpu.memory_space<hbm>>
    %dma_wait3A_932 = arith.constant 0 : i32
    %dma_wait3A_933 = tpu.memref_slice %arg4[%add3A_861, %dma_wait3A_932] : memref<53248x128xf32, #tpu.memory_space<hbm>> -> memref<128x128xf32, #tpu.memory_space<hbm>>
    %dma_wait3A_934 = arith.constant 0 : i32
    %dma_wait3A_935 = arith.constant 0 : i32
    %dma_wait3A_936 = tpu.memref_slice %arg7[%dma_wait3A_925, %dma_wait3A_934, %dma_wait3A_935] : memref<2x128x128xf32, #tpu.memory_space<vmem>> -> memref<1x128x128xf32, #tpu.memory_space<vmem>>
    %dma_wait3A_937 = tpu.memref_squeeze %dma_wait3A_936 : memref<1x128x128xf32, #tpu.memory_space<vmem>> -> memref<128x128xf32, #tpu.memory_space<vmem>>
    tpu.wait_dma2 semaphore(%arg11 : memref<!tpu.dma_semaphore, #tpu.memory_space<semaphore_mem>>) src(%dma_wait3A_937 : memref<128x128xf32, #tpu.memory_space<vmem>>) dst(%dma_wait3A_933 : memref<128x128xf32, #tpu.memory_space<hbm>>)
    %dma_wait3A_938 = arith.constant 1 : i32
    %dma_wait3A_939 = arith.constant 0 : i32
    %dma_wait3A_940 = arith.constant 0 : i32
    %dma_wait3A_941 = tpu.memref_slice %arg7[%dma_wait3A_938, %dma_wait3A_939, %dma_wait3A_940] : memref<2x128x128xf32, #tpu.memory_space<vmem>> -> memref<1x128x128xf32, #tpu.memory_space<vmem>>
    %dma_wait3A_942 = tpu.memref_squeeze %dma_wait3A_941 : memref<1x128x128xf32, #tpu.memory_space<vmem>> -> memref<128x128xf32, #tpu.memory_space<vmem>>
    %dma_wait3A_943 = arith.constant 0 : i32
    %dma_wait3A_944 = tpu.memref_slice %arg4[%add3A_817, %dma_wait3A_943] : memref<53248x128xf32, #tpu.memory_space<hbm>> -> memref<128x128xf32, #tpu.memory_space<hbm>>
    %dma_wait3A_945 = arith.constant 0 : i32
    %dma_wait3A_946 = tpu.memref_slice %arg4[%add3A_817, %dma_wait3A_945] : memref<53248x128xf32, #tpu.memory_space<hbm>> -> memref<128x128xf32, #tpu.memory_space<hbm>>
    %dma_wait3A_947 = arith.constant 0 : i32
    %dma_wait3A_948 = arith.constant 0 : i32
    %dma_wait3A_949 = tpu.memref_slice %arg7[%dma_wait3A_938, %dma_wait3A_947, %dma_wait3A_948] : memref<2x128x128xf32, #tpu.memory_space<vmem>> -> memref<1x128x128xf32, #tpu.memory_space<vmem>>
    %dma_wait3A_950 = tpu.memref_squeeze %dma_wait3A_949 : memref<1x128x128xf32, #tpu.memory_space<vmem>> -> memref<128x128xf32, #tpu.memory_space<vmem>>
    tpu.wait_dma2 semaphore(%arg12 : memref<!tpu.dma_semaphore, #tpu.memory_space<semaphore_mem>>) src(%dma_wait3A_950 : memref<128x128xf32, #tpu.memory_space<vmem>>) dst(%dma_wait3A_946 : memref<128x128xf32, #tpu.memory_space<hbm>>)
    return
  }
}

module attributes {stable_mosaic.version = 14 : i64} {
  func.func @_tc_affine(%arg0: i32, %arg1: memref<2x32x64xf32, #tpu.memory_space<vmem>>, %arg2: memref<1x64xf32, #tpu.memory_space<vmem>>, %arg3: memref<1x64xf32, #tpu.memory_space<vmem>>, %arg4: memref<1x64xf32, #tpu.memory_space<vmem>>, %arg5: memref<6656x128xf32, #tpu.memory_space<vmem>>, %arg6: memref<6656x128xf32, #tpu.memory_space<vmem>>) attributes {dimension_semantics = [#tpu.dimension_semantics<arbitrary>], iteration_bounds = array<i64: 8>, scalar_prefetch = 0 : i64, scratch_operands = 0 : i64, tpu.core_type = #tpu.core_type<tc>, window_params = [{pipeline_mode = #tpu.pipeline_mode<synchronous>, transform_indices = @transform_0, window_bounds = array<i64: 2, 32, 64>}, {pipeline_mode = #tpu.pipeline_mode<synchronous>, transform_indices = @transform_1, window_bounds = array<i64: 1, 64>}, {pipeline_mode = #tpu.pipeline_mode<synchronous>, transform_indices = @transform_2, window_bounds = array<i64: 1, 64>}, {pipeline_mode = #tpu.pipeline_mode<synchronous>, transform_indices = @transform_3, window_bounds = array<i64: 1, 64>}, {transform_indices = @transform_4, window_bounds = array<i64: 6656, 128>}, {transform_indices = @transform_5, window_bounds = array<i64: 6656, 128>}]} {
    %get3A = arith.constant 0 : index
    %get3A_0 = arith.constant 0 : index
    %get3A_1 = arith.constant 0 : index
    %get3A_2 = vector.load %arg1[%get3A, %get3A_0, %get3A_1] : memref<2x32x64xf32, #tpu.memory_space<vmem>>, vector<1x32x64xf32>
    %get3A_3 = vector.shape_cast %get3A_2 : vector<1x32x64xf32> to vector<32x64xf32>
    %reduce_sum3A = arith.constant dense<0.000000e+00> : vector<64xf32>
    %reduce_sum3A_4 = vector.multi_reduction <add>, %get3A_3, %reduce_sum3A [0] : vector<32x64xf32> to vector<64xf32>
    %mul3A = arith.constant 2.000000e-05 : f32
    %mul3A_5 = vector.broadcast %mul3A : f32 to vector<64xf32>
    %mul3A_6 = arith.mulf %reduce_sum3A_4, %mul3A_5 : vector<64xf32>
    %get3A_7 = arith.constant 1 : index
    %get3A_8 = arith.constant 0 : index
    %get3A_9 = arith.constant 0 : index
    %get3A_10 = vector.load %arg1[%get3A_7, %get3A_8, %get3A_9] : memref<2x32x64xf32, #tpu.memory_space<vmem>>, vector<1x32x64xf32>
    %get3A_11 = vector.shape_cast %get3A_10 : vector<1x32x64xf32> to vector<32x64xf32>
    %reduce_sum3A_12 = arith.constant dense<0.000000e+00> : vector<64xf32>
    %reduce_sum3A_13 = vector.multi_reduction <add>, %get3A_11, %reduce_sum3A_12 [0] : vector<32x64xf32> to vector<64xf32>
    %mul3A_14 = arith.constant 2.000000e-05 : f32
    %mul3A_15 = vector.broadcast %mul3A_14 : f32 to vector<64xf32>
    %mul3A_16 = arith.mulf %reduce_sum3A_13, %mul3A_15 : vector<64xf32>
    %get3A_17 = arith.constant 0 : index
    %get3A_18 = arith.constant 0 : index
    %get3A_19 = vector.load %arg2[%get3A_17, %get3A_18] : memref<1x64xf32, #tpu.memory_space<vmem>>, vector<1x64xf32>
    %get3A_20 = vector.shape_cast %get3A_19 : vector<1x64xf32> to vector<64xf32>
    %get3A_21 = arith.constant 0 : index
    %get3A_22 = arith.constant 0 : index
    %get3A_23 = vector.load %arg3[%get3A_21, %get3A_22] : memref<1x64xf32, #tpu.memory_space<vmem>>, vector<1x64xf32>
    %get3A_24 = vector.shape_cast %get3A_23 : vector<1x64xf32> to vector<64xf32>
    %get3A_25 = arith.constant 0 : index
    %get3A_26 = arith.constant 0 : index
    %get3A_27 = vector.load %arg4[%get3A_25, %get3A_26] : memref<1x64xf32, #tpu.memory_space<vmem>>, vector<1x64xf32>
    %get3A_28 = vector.shape_cast %get3A_27 : vector<1x64xf32> to vector<64xf32>
    %mul3A_29 = arith.mulf %get3A_28, %mul3A_6 : vector<64xf32>
    %mul3A_30 = arith.mulf %mul3A_29, %mul3A_6 : vector<64xf32>
    %sub3A = arith.constant 2.000000e+00 : f32
    %sub3A_31 = vector.broadcast %sub3A : f32 to vector<64xf32>
    %sub3A_32 = arith.subf %sub3A_31, %get3A_28 : vector<64xf32>
    %mul3A_33 = arith.mulf %mul3A_30, %sub3A_32 : vector<64xf32>
    %sub3A_34 = arith.subf %mul3A_16, %mul3A_33 : vector<64xf32>
    %add3A = arith.constant 9.99999974E-6 : f32
    %add3A_35 = vector.broadcast %add3A : f32 to vector<64xf32>
    %add3A_36 = arith.addf %sub3A_34, %add3A_35 : vector<64xf32>
    %rsqrt3A = math.rsqrt %add3A_36 : vector<64xf32>
    %mul3A_37 = arith.mulf %get3A_20, %rsqrt3A : vector<64xf32>
    %mul3A_38 = arith.mulf %mul3A_37, %mul3A_6 : vector<64xf32>
    %mul3A_39 = arith.mulf %mul3A_38, %get3A_28 : vector<64xf32>
    %sub3A_40 = arith.subf %get3A_24, %mul3A_39 : vector<64xf32>
    %mul3A_41 = arith.mulf %mul3A_37, %mul3A_6 : vector<64xf32>
    %add3A_42 = arith.addf %mul3A_41, %sub3A_40 : vector<64xf32>
    %mul3A_43 = arith.mulf %add3A_42, %get3A_28 : vector<64xf32>
    %sub3A_44 = arith.subf %sub3A_40, %mul3A_43 : vector<64xf32>
    %mul3A_45 = arith.mulf %mul3A_37, %mul3A_37 : vector<64xf32>
    %mul3A_46 = arith.mulf %mul3A_45, %mul3A_16 : vector<64xf32>
    %mul3A_47 = arith.constant 2.000000e+00 : f32
    %mul3A_48 = vector.broadcast %mul3A_47 : f32 to vector<64xf32>
    %mul3A_49 = arith.mulf %mul3A_48, %mul3A_37 : vector<64xf32>
    %mul3A_50 = arith.mulf %mul3A_49, %sub3A_44 : vector<64xf32>
    %mul3A_51 = arith.mulf %mul3A_50, %mul3A_6 : vector<64xf32>
    %add3A_52 = arith.addf %mul3A_46, %mul3A_51 : vector<64xf32>
    %mul3A_53 = arith.mulf %sub3A_44, %sub3A_44 : vector<64xf32>
    %add3A_54 = arith.addf %add3A_52, %mul3A_53 : vector<64xf32>
    %add3A_55 = arith.constant 9.99999974E-6 : f32
    %add3A_56 = vector.broadcast %add3A_55 : f32 to vector<64xf32>
    %add3A_57 = arith.addf %add3A_54, %add3A_56 : vector<64xf32>
    %rsqrt3A_58 = math.rsqrt %add3A_57 : vector<64xf32>
    %mul3A_59 = arith.mulf %get3A_20, %rsqrt3A_58 : vector<64xf32>
    %mul3A_60 = arith.mulf %mul3A_59, %mul3A_37 : vector<64xf32>
    %mul3A_61 = arith.mulf %get3A_20, %rsqrt3A_58 : vector<64xf32>
    %mul3A_62 = arith.mulf %mul3A_61, %sub3A_44 : vector<64xf32>
    %add3A_63 = arith.addf %mul3A_62, %get3A_24 : vector<64xf32>
    %concatenate3A = tpu.concatenate %mul3A_60, %mul3A_60 in 0 : vector<64xf32>, vector<64xf32> -> vector<128xf32>
    %concatenate3A_64 = tpu.concatenate %add3A_63, %add3A_63 in 0 : vector<64xf32>, vector<64xf32> -> vector<128xf32>
    %get3A_65 = arith.constant 0 : index
    %get3A_66 = arith.constant 0 : index
    %get3A_67 = vector.load %arg5[%get3A_65, %get3A_66] : memref<6656x128xf32, #tpu.memory_space<vmem>>, vector<6656x128xf32>
    %broadcast_in_dim3A = vector.shape_cast %concatenate3A : vector<128xf32> to vector<1x128xf32>
    %mul3A_68 = vector.broadcast %broadcast_in_dim3A : vector<1x128xf32> to vector<6656x128xf32>
    %mul3A_69 = arith.mulf %get3A_67, %mul3A_68 : vector<6656x128xf32>
    %broadcast_in_dim3A_70 = vector.shape_cast %concatenate3A_64 : vector<128xf32> to vector<1x128xf32>
    %add3A_71 = vector.broadcast %broadcast_in_dim3A_70 : vector<1x128xf32> to vector<6656x128xf32>
    %add3A_72 = arith.addf %mul3A_69, %add3A_71 : vector<6656x128xf32>
    %swap3A = arith.constant 0 : index
    %swap3A_73 = arith.constant 0 : index
    %swap3A_74 = vector.load %arg6[%swap3A, %swap3A_73] : memref<6656x128xf32, #tpu.memory_space<vmem>>, vector<6656x128xf32>
    tpu.vector_store %arg6[%swap3A, %swap3A_73], %add3A_72 {strides = array<i32>} : memref<6656x128xf32, #tpu.memory_space<vmem>>, vector<6656x128xf32>,
    return
  }
  func.func @transform_0(%arg0: i32) -> (i32, i32, i32) {
    %c0_i32 = arith.constant 0 : i32
    %c0_i32_0 = arith.constant 0 : i32
    %c0_i32_1 = arith.constant 0 : i32
    %c0_i32_2 = arith.constant 0 : i32
    return %c0_i32, %c0_i32_0, %c0_i32_1 : i32, i32, i32
  }
  func.func @transform_1(%arg0: i32) -> (i32, i32) {
    %c0_i32 = arith.constant 0 : i32
    %c0_i32_0 = arith.constant 0 : i32
    %c0_i32_1 = arith.constant 0 : i32
    return %c0_i32, %c0_i32_0 : i32, i32
  }
  func.func @transform_2(%arg0: i32) -> (i32, i32) {
    %c0_i32 = arith.constant 0 : i32
    %c0_i32_0 = arith.constant 0 : i32
    %c0_i32_1 = arith.constant 0 : i32
    return %c0_i32, %c0_i32_0 : i32, i32
  }
  func.func @transform_3(%arg0: i32) -> (i32, i32) {
    %c0_i32 = arith.constant 0 : i32
    %c0_i32_0 = arith.constant 0 : i32
    %c0_i32_1 = arith.constant 0 : i32
    return %c0_i32, %c0_i32_0 : i32, i32
  }
  func.func @transform_4(%arg0: i32) -> (i32, i32) {
    %c0_i32 = arith.constant 0 : i32
    %c0_i32_0 = arith.constant 0 : i32
    return %arg0, %c0_i32 : i32, i32
  }
  func.func @transform_5(%arg0: i32) -> (i32, i32) {
    %c0_i32 = arith.constant 0 : i32
    %c0_i32_0 = arith.constant 0 : i32
    return %arg0, %c0_i32 : i32, i32
  }
}

</mosaic_0001>

<sc_bundles>
// kernel: kernel.4.cloned.1.call-start
scs
__scs_entry_jumppad:
0x0: {  	(pc) =	sbr.rel $0x88, $3  }
0x1: {  	(tag) =	ssettag $0x0;
	lr =	simm.s32 $0x1  }
0x2: {  	[smem:$0x3F9C] =	sst lr;
	_ =	strace $0xD0000000  }
0x3: {  	_ = 	snop  }
0x4: {  	_ = 	snop  }
0x5: {  	_ = 	snop  }
0x6: {  	_ = 	snop  }
0x7: {  	_ = 	snop  }
__scs_overlays_trampoline_lowered:
0x8: {  	[smem:$0x3FAB] =	sst s0  }
0x9: {  	[smem:$0x3FAC] =	sst s1  }
0xa: {  	[smem:$0x3FAD] =	sst s2  }
0xb: {  	[smem:$0x3FAE] =	sst s3  }
0xc: {  	[smem:$0x3FAF] =	sst s4  }
0xd: {  	[smem:$0x3FB0] =	sst s5  }
0xe: {  	[smem:$0x3FB1] =	sst s6  }
0xf: {  	[smem:$0x3FB2] =	sst s7  }
0x10: {  	[smem:$0x3FB3] =	sst s8  }
0x11: {  	[smem:$0x3FB4] =	sst s9;
	s0 =	simm.s32 @!p0 $0x0  }
0x12: {  	s1 =	sld [smem:$0x3F9A];
	s0 =	simm.s32 @p0 $0x1  }
0x13: {  	[smem:$0x3FB5] =	sst s0;
	s0 =	simm.s32 @!p1 $0x0  }
0x14: {  	s2 =	sld [smem:$0x3F99];
	s0 =	simm.s32 @p1 $0x1  }
0x15: {  	[smem:$0x3FB6] =	sst s0;
	s0 =	simm.s32 @!p2 $0x0  }
0x16: {  	s3 =	sld [smem:$0x3FDB];
	s0 =	simm.s32 @p2 $0x1  }
0x17: {  	s4 =	simm.s32 $0x1BF5;
	[smem:$0x3FB8] =	sst s0  }
0x18: {  	s0 =	sld [smem:$0x3F9B];
	_ =	swait.ge [sflag:s4], $0x0  }
0x19: {  	s7 =	sld [smem:$0x3F9C]  }
0x1a: {  	s8 =	sadd.s32 $0xFFFFE003, lr  }
0x1b: {  	s9 =	sadd.s32 $0xFFFFFEF7, lr;
	s5 =	simm.s32 $0xFFFFFFFF;
	p2 =	slt.u32 s8, $0xFFFFF086  }
0x1c: {  	p1 =	slt.u32 s9, $0xF7A;
	s5 =	simm.s32 @!p2 $0x0  }
0x1d: {  	s5 =	simm.s32 @p1 $0x1;
	p0 =	seq.s32 s7, s2  }
0x1e: {  	s7 =	smul.u32 @!p0 $0xF7A, s2;
	p2 =	seq.s32 @!p0 s5, $0x0  }
0x1f: {  	s9 =	smul.u32 $0xF7A, s1;
	s8 =	simm.s32 @!p0 $0x1BF5;
	p2 =	por !p2, p0  }
0x20: {  	[sflag:s8] =	ssyncset.s32 @!p0 $0xFFFFF086;
	s6 =	sadd.s32 @!p0 s3, s7;
	s7 =	simm.s32 @!p0 $0x108  }
0x21: {  	s3 =	sadd.s32 s3, s9;
	s6 =	sadd.s32 @!p0 $0x88, s6;
	s7 =	simm.s32 @p2 $0x1082  }
0x22: {  	[simem:s7], [sflag:s8] =	dma.local @!p0 [hbm:s6], $0xF7A  }
0x23: {  	s9 =	sor.u32 $0xD0000000, s2;
	s6 =	simm.s32 $0x108;
	_ =	swait.ge @!p0 [sflag:s8], $0x0  }
0x24: {  	s3 =	sadd.s32 $0x88, s3;
	s6 =	simm.s32 @!p1 $0x1082;
	[sflag:s4] =	ssyncset.s32 $0xFFFFF086  }
0x25: {  	[simem:s6], [sflag:s4] =	dma.local [hbm:s3], $0xF7A  }
0x26: {  	[smem:$0x3F9C] =	sst s1;
	(tag) =	ssettag s2;
	_ =	strace s9  }
0x27: {  	s1 =	sld [smem:$0x3FAC]  }
0x28: {  	s2 =	sld [smem:$0x3FAD]  }
0x29: {  	s4 =	sld [smem:$0x3FAF]  }
0x2a: {  	p0 =	seq.s32 s5, $0x0;
	s5 =	sld [smem:$0x3FB0]  }
0x2b: {  	s6 =	sld [smem:$0x3FB1]  }
0x2c: {  	s7 =	sld [smem:$0x3FB2]  }
0x2d: {  	s3 =	simm.s32 $0x108;
	s8 =	sld [smem:$0x3FB3]  }
0x2e: {  	s3 =	simm.s32 @!p0 $0x1082;
	s9 =	sld [smem:$0x3FB4]  }
0x2f: {  	lr =	sadd.s32 s0, s3;
	s0 =	sld [smem:$0x3FAB]  }
0x30: {  	s3 =	sld [smem:$0x3FAE]  }
0x31: {  	[smem:$0x3FB7] =	sst s10  }
0x32: {  	s10 =	sld [smem:$0x3FB5];
	_ =	sdelay $0x3  }
0x33: {  	p0 =	seq.s32 s10, $0x1;
	s10 =	sld [smem:$0x3FB7];
	_ =	sdelay $0x3  }
0x34: {  	[smem:$0x3FB7] =	sst s10  }
0x35: {  	s10 =	sld [smem:$0x3FB6];
	_ =	sdelay $0x3  }
0x36: {  	p1 =	seq.s32 s10, $0x1;
	s10 =	sld [smem:$0x3FB7];
	_ =	sdelay $0x3  }
0x37: {  	[smem:$0x3FB7] =	sst s10  }
0x38: {  	s10 =	sld [smem:$0x3FB8]  }
0x39: {  	_ = 	snop;
	(pc) =	sbr.ind lr, $3  }
0x3a: {  	_ = 	snop  }
0x3b: {  	_ = 	snop  }
0x3c: {  	p2 =	seq.s32 s10, $0x1;
	s10 =	sld [smem:$0x3FB7]  }
0x3d: {  	_ =	shalt  }
0x3e: {  	_ =	shalt  }
0x3f: {  	_ =	shalt  }
0x40: {  	_ =	shalt  }
0x41: {  	_ =	shalt  }
0x42: {  	_ =	shalt  }
0x43: {  	_ =	shalt  }
0x44: {  	_ =	shalt  }
0x45: {  	_ =	shalt  }
0x46: {  	_ =	shalt  }
0x47: {  	_ =	shalt  }
0x48: {  	_ =	shalt  }
0x49: {  	_ =	shalt  }
0x4a: {  	_ =	shalt  }
0x4b: {  	_ =	shalt  }
0x4c: {  	_ =	shalt  }
0x4d: {  	_ =	shalt  }
0x4e: {  	_ =	shalt  }
0x4f: {  	_ =	shalt  }
0x50: {  	_ =	shalt  }
0x51: {  	_ =	shalt  }
0x52: {  	_ =	shalt  }
0x53: {  	_ =	shalt  }
0x54: {  	_ =	shalt  }
0x55: {  	_ =	shalt  }
0x56: {  	_ =	shalt  }
0x57: {  	_ =	shalt  }
0x58: {  	_ =	shalt  }
0x59: {  	_ =	shalt  }
0x5a: {  	_ =	shalt  }
0x5b: {  	_ =	shalt  }
0x5c: {  	_ =	shalt  }
0x5d: {  	_ =	shalt  }
0x5e: {  	_ =	shalt  }
0x5f: {  	_ =	shalt  }
0x60: {  	_ =	shalt  }
0x61: {  	_ =	shalt  }
0x62: {  	_ =	shalt  }
0x63: {  	_ =	shalt  }
0x64: {  	_ =	shalt  }
0x65: {  	_ =	shalt  }
0x66: {  	_ =	shalt  }
0x67: {  	_ =	shalt  }
0x68: {  	_ =	shalt  }
0x69: {  	_ =	shalt  }
0x6a: {  	_ =	shalt  }
0x6b: {  	_ =	shalt  }
0x6c: {  	_ =	shalt  }
0x6d: {  	_ =	shalt  }
0x6e: {  	_ =	shalt  }
0x6f: {  	_ =	shalt  }
0x70: {  	_ =	shalt  }
0x71: {  	_ =	shalt  }
0x72: {  	_ =	shalt  }
0x73: {  	_ =	shalt  }
0x74: {  	_ =	shalt  }
0x75: {  	_ =	shalt  }
0x76: {  	_ =	shalt  }
0x77: {  	_ =	shalt  }
0x78: {  	_ =	shalt  }
0x79: {  	_ =	shalt  }
0x7a: {  	_ =	shalt  }
0x7b: {  	_ =	shalt  }
0x7c: {  	_ =	shalt  }
0x7d: {  	_ =	shalt  }
0x7e: {  	_ =	shalt  }
0x7f: {  	_ =	shalt  }
0x80: {  	_ =	shalt  }
0x81: {  	_ =	shalt  }
0x82: {  	_ =	shalt  }
0x83: {  	_ =	shalt  }
0x84: {  	_ =	shalt  }
0x85: {  	_ =	shalt  }
0x86: {  	_ =	shalt  }
0x87: {  	_ =	shalt  }
.Lfunc_end0:
.L_simem_size_0:
called_computation_lowered:
.L_overlay_start_0:
0x88: {  	s2 =	sld [smem:$0x3FD9]  }
0x89: {  	s3 =	sld [smem:$0x3FFE];
	_ =	sdelay $0x1  }
0x8a: {  	s1 =	srdreg.scid  }
0x8b: {  	s0 =	sand.u32 $0x1, s1  }
0x8c: {  	s17 =	sshll.u32 s0, $0xA;
	s2 =	sadd.s32 s3, s2  }
0x8d: {  	s2 =	sadd.s32 s2, s17  }
0x8e: {  	[smem:$0x3FC3] =	sst s2  }
0x8f: {  	_ = 	snop  }
0x90: {  	s2 =	sld [smem:$0x3FD0];
	(tm) =	ssettm $0x1  }
0x91: {  	s18 =	sld [smem:$0x3FFB];
	_ =	sdelay $0x3  }
0x92: {  	_ =	strace s18  }
0x93: {  	s3 =	sld [smem:$0x3FFC];
	_ =	sdelay $0x3  }
0x94: {  	_ =	strace s3  }
0x95: {  	s3 =	sld [smem:$0x3FFD];
	_ =	sdelay $0x3  }
0x96: {  	_ =	strace s3  }
0x97: {  	_ =	strace $0x8FFFFFFF  }
0x98: {  	s19 =	sld [smem:$0x3FDB];
	_ =	sdelay $0x1  }
0x99: {  	s4 =	simm.s32 $_scs_section_size  }
0x9a: {  	s5 =	simm.s32 $_size__tile_overlayer_lowered;
	s6 =	simm.s32 $_tile_overlayer_lowered  }
0x9b: {  	s22 =	simm.s32 $0x1BFF;
	s21 =	sshll.u32 s6, $0x1;
	s3 =	sadd.s32 s4, s19  }
0x9c: {  	s7 =	simm.s32 $0x0;
	s20 =	sshll.u32 s5, $0x1;
	s5 =	sadd.s32 s21, s3  }
0x9d: {  	[timem:s7], [sflag:s22] =	dma.local [hbm:s5], s20  }
0x9e: {  	_ =	swait.ge [sflag:s22], s20  }
0x9f: {  	s4 =	ssub.s32 $0x0, s20;
	[sflag:s22] =	ssyncset.done $0x0  }
0xa0: {  	[sflag:s22] =	ssyncadd.s32 s4;
	_ =	sdelay $0x1  }
0xa1: {  	s23 =	simm.s32 $0x1B8B  }
0xa2: {  	_ =	swait.ge [sflag:s23], $0x1  }
0xa3: {  	[sflag:s23] =	ssyncset.done $0x0  }
0xa4: {  	s25 =	simm.s32 $0x1B8E;
	s24 =	sld [smem:$0x3FFE];
	[sflag:s23] =	ssyncadd.s32 $0xFFFFFFFF  }
0xa5: {  	s26 =	simm.s32 $execute0_lowered;
	[smem:$0x3FD2] =	sst s25  }
0xa6: {  	s5 =	sshll.u32 s26, $0x1;
	_ =	strace $0x80000046;
	[dreg:$0x1] =	wrdreg $0xFFFFFFFF  }
0xa7: {  	s28 =	simm.s32 $_size_execute0_lowered;
	s3 =	sadd.s32 s3, s5;
	[dreg:$0x0] =	wrdreg $0x0  }
0xa8: {  	s5 =	sshll.u32 s28, $0x1;
	[dreg:$0x2] =	wrdreg s3  }
0xa9: {  	[dreg:$0x3] =	wrdreg s5  }
0xaa: {  	[dreg:$0x4] =	wrdreg $0xC0  }
0xab: {  	_ =	task [dreg:s7], $0x5FFFF  }
0xac: {  	[dreg:$0x1] =	wrdreg $0xFFFFFFFF  }
0xad: {  	[dreg:$0x0] =	wrdreg $0x60  }
0xae: {  	[dreg:$0x2] =	wrdreg s2  }
0xaf: {  	[dreg:$0x3] =	wrdreg s24  }
0xb0: {  	[dreg:$0x4] =	wrdreg $0x9  }
0xb1: {  	_ =	task.clear_ibuf [dreg:s7], $0x5FFFF;
	_ =	strace $0x90000046  }
0xb2: {  	s29 =	simm.s32 $0x9;
	_ =	strace $0x80000048  }
0xb3: {  	_ =	swait.ge [sflag:s29], $0x1  }
0xb4: {  	[sflag:s29] =	ssyncadd.s32 $0xFFFFFFFF  }
0xb5: {  	_ =	strace $0x90000048  }
0xb6: {  	_ =	sfence  }
0xb7: {  	s30 =	sld [smem:$0x0];
	_ =	sdelay $0x2  }
0xb8: {  	s31 =	sshll.u32 s1, $0xD;
	s1 =	sshrl.u32 s1, $0x2  }
0xb9: {  	s3 =	sand.u32 $0x4000, s31;
	s1 =	sadd.s32 s1, s30  }
0xba: {  	s0 =	sor.u32 s3, s0;
	s1 =	sshll.u32 s1, $0x11  }
0xbb: {  	s0 =	sor.u32 s1, s0  }
0xbc: {  	s0 =	sadd.s32 $0x8F2B, s0  }
0xbd: {  	[sflag:s0] =	ssyncadd.remote.s32 $0x1  }
0xbe: {  	_ =	sfence.sel $0xFFFF  }
0xbf: {  	[dreg:$0x0] =	wrdreg $0xFFFFFFFF;
	(pc) =	sbr.abs _section_cstart, $3  }
0xc0: {  	[dreg:$0x1] =	wrdreg $0xFFFFFFFF  }
0xc1: {  	_ =	task.clear_ibuf [dreg:s7], $0x2FFFF;
	_ =	strace $0x9FFFFFFF  }
0xc2: {  	(tm) =	ssettm $0x7FFFFFFF  }
0xc3: {  	_ =	shalt  }
tec
execute0_lowered:
.L_overlay_start_1:
0x0: {  	(tag) =	ssettag $0x1  }
0x1: {  	s4 =	rddreg [dreg:$0x0]  }
0x2: {  	s0 =	rddreg [dreg:$0x1];
	s2 =	simm.s32 $0x0;
	s1 =	srdreg.scid  }
0x3: {  	s12 =	stileid.u32;
	[smem:$0x7FF] =	sst s2  }
0x4: {  	s5 =	sand.u32 $0x1, s1;
	s9 =	sshll.u32 s12, $0x1;
	s3 =	sadd.s32 $0xF43600, s0  }
0x5: {  	s8 =	sadd.s32 $0x1600, s0;
	s25 =	smul.u32 $0xFFFFF300, s12;
	_ =	strace $0x80000047  }
0x6: {  	s6 =	sor.u32 s5, s9;
	s9 =	ssub.s32 $0x2, s5;
	s5 =	smul.u32 $0xFFFFF980, s5  }
0x7: {  	s7 =	smul.u32 $0xFFFFF980, s6;
	s1 =	sshll.u32 s6, $0x4;
	s10 =	sshrl.u32 s9, $0x1  }
0x8: {  	s13 =	smul.u32 $0x34000, s6;
	s1 =	sadd.s32 s1, s0;
	s0 =	ssub.s32 s9, s10  }
0x9: {  	s10 =	sshll.u32 s6, $0x8;
	s6 =	smul.u32 $0x6800, s6;
	s5 =	sadd.s32 s25, s5  }
0xa: {  	s11 =	sadd.s32 $0xC350, s7;
	s4 =	sadd.s32 s4, s10;
	s14 =	sshrl.u32 s13, $0x3  }
0xb: {  	s5 =	sadd.s32 $0xC350, s5;
	s25 =	sadd.s32 $0x1400, s1;
	p0 =	sgt.s32 s11, $0x0  }
0xc: {  	[dreg:$0x3] =	wrdreg s4;
	s6 =	sadd.s32 s8, s6;
	s4 =	sadd.s32 s8, s14  }
0xd: {  	s9 =	smov.u32 s11;
	[dreg:$0x4] =	wrdreg s6;
	s15 =	sadd.s32 $0x800, s4  }
0xe: {  	s7 =	smov.u32 s11;
	s17 =	sadd.s32 $0x1000, s4;
	[dreg:$0x5] =	wrdreg s15  }
0xf: {  	s8 =	smov.u32 s11;
	s18 =	sadd.s32 $0x1800, s4;
	[dreg:$0x6] =	wrdreg s17  }
0x10: {  	p1 =	sgt.s32 s5, $0x281;
	s20 =	sadd.s32 $0x2000, s4;
	[dreg:$0x7] =	wrdreg s18  }
0x11: {  	s9 =	simm.s32 @!p0 $0x0;
	s21 =	sadd.s32 $0x2800, s4;
	[dreg:$0x8] =	wrdreg s20  }
0x12: {  	p0 =	sgt.s32 s11, $0x100;
	s23 =	sadd.s32 $0x3000, s4;
	[dreg:$0x9] =	wrdreg s21  }
0x13: {  	s14 =	sadd.s32 $0x3800, s4;
	s6 =	smov.u32 s11;
	[dreg:$0xa] =	wrdreg s23  }
0x14: {  	s26 =	sadd.s32 $0x4000, s4;
	s7 =	simm.s32 @!p0 $0x100;
	[dreg:$0xb] =	wrdreg s14  }
0x15: {  	p0 =	sgt.s32 s11, $0x200;
	[dreg:$0xc] =	wrdreg s26;
	s15 =	sadd.s32 $0x4800, s4  }
0x16: {  	s17 =	sadd.s32 $0x5000, s4;
	s23 =	sadd.s32 $0x6000, s4;
	s26 =	smax.u32 s0, $0x1  }
0x17: {  	s14 =	simm.s32 $0x2;
	s16 =	smin.u32 s7, $0x180;
	[dreg:$0xd] =	wrdreg s15  }
0x18: {  	s8 =	simm.s32 @!p0 $0x200;
	p0 =	sgt.s32 s11, $0x300;
	[dreg:$0xe] =	wrdreg s17  }
0x19: {  	s15 =	simm.s32 $0x4;
	s19 =	smin.u32 s8, $0x280;
	s8 =	smov.u32 s11  }
0x1a: {  	s17 =	simm.s32 $0x0;
	s7 =	sadd.s32 $0xFFFFFF00, s16;
	s8 =	simm.s32 @!p0 $0x300  }
0x1b: {  	p0 =	sgt.s32 s11, $0x400;
	s22 =	smin.u32 s8, $0x380;
	s8 =	smov.u32 s11  }
0x1c: {  	s10 =	sadd.s32 $0xFFFFFE00, s19;
	s13 =	sadd.s32 $0xFFFFFD00, s22;
	s8 =	simm.s32 @!p0 $0x400  }
0x1d: {  	p0 =	sgt.s32 s11, $0x500;
	s22 =	sadd.s32 $0x5800, s4;
	s4 =	smov.u32 s5  }
0x1e: {  	s24 =	smin.u32 s8, $0x480;
	s6 =	simm.s32 @!p0 $0x500;
	p0 =	sgt.s32 s11, $0x600  }
0x1f: {  	s8 =	smov.u32 s5;
	p4 =	seq.s32 s13, $0x0;
	s16 =	sadd.s32 $0xFFFFFC00, s24  }
0x20: {  	s6 =	smin.u32 s6, $0x580;
	s11 =	simm.s32 @!p0 $0x600;
	p0 =	seq.s32 s9, $0x0  }
0x21: {  	s24 =	sadd.s32 $0x1200, s1;
	s8 =	simm.s32 @!p1 $0x281;
	s9 =	smov.u32 s5  }
0x22: {  	p1 =	sgt.s32 s5, $0x581;
	s19 =	sadd.s32 $0xFFFFFB00, s6;
	s6 =	simm.s32 @!p0 $0x0  }
0x23: {  	s18 =	smin.u32 s11, $0x680;
	s8 =	smin.u32 s8, $0x300;
	s11 =	smov.u32 s5  }
0x24: {  	p5 =	seq.s32 s16, $0x0;
	s6 =	simm.s32 @p0 $0x1;
	s21 =	sadd.s32 $0xFFFFFA00, s18  }
0x25: {  	p0 =	sgt.s32 s5, $0x1;
	[smem:$0x7FB] =	sst s6;
	s6 =	smov.u32 s5  }
0x26: {  	s31 =	sadd.s32 $0xFFFFFD80, s8;
	p6 =	seq.s32 s19, $0x0;
	s6 =	simm.s32 @!p0 $0x1  }
0x27: {  	s8 =	simm.s32 $0x800;
	p0 =	sgt.s32 s5, $0x81;
	s20 =	smin.u32 s6, $0x80  }
0x28: {  	s4 =	simm.s32 @!p0 $0x81;
	p0 =	sgt.s32 s5, $0x181;
	s6 =	smov.u32 s5  }
0x29: {  	s4 =	smin.u32 s4, $0x100;
	s6 =	simm.s32 @!p0 $0x181;
	p0 =	sgt.s32 s5, $0x381  }
0x2a: {  	s28 =	sshll.u32 s20, $0x9;
	s6 =	smin.u32 s6, $0x200;
	s9 =	simm.s32 @!p0 $0x381  }
0x2b: {  	p0 =	sgt.s32 s5, $0x481;
	s5 =	simm.s32 @!p1 $0x581;
	s29 =	sadd.s32 $0xFFFFFF80, s4  }
0x2c: {  	p1 =	seq.s32 s12, $0xF;
	s12 =	simm.s32 $0x3;
	s9 =	smin.u32 s9, $0x400  }
0x2d: {  	s11 =	simm.s32 @!p0 $0x481;
	s5 =	smin.u32 s5, $0x600;
	s30 =	sadd.s32 $0xFFFFFE80, s6  }
0x2e: {  	p0 =	seq.s32 s7, $0x0;
	s6 =	simm.s32 $0x80;
	s11 =	smin.u32 s11, $0x500  }
.Ltmp0:
0x2f: {  	s4 =	sadd.s32 $0xFFFFFA80, s5;
	s5 =	simm.s32 @!p0 $0x0;
	(pc) =	sbr.rel .LBB2_1-.Ltmp0, $4  }
0x30: {  	s0 =	sadd.s32 $0xFFFFFC80, s9;
	s5 =	simm.s32 @p0 $0x1;
	p0 =	seq.s32 s10, $0x0  }
0x31: {  	s9 =	simm.s32 $0x4800;
	[smem:$0x7FC] =	sst s5;
	s5 =	simm.s32 @!p0 $0x0  }
0x32: {  	s1 =	sadd.s32 $0xFFFFFB80, s11;
	s11 =	simm.s32 $0x1;
	s5 =	simm.s32 @p0 $0x1  }
0x33: {  	p0 =	seq.s32 s21, $0x0;
	[smem:$0x7FD] =	sst s5;
	s5 =	simm.s32 $0x5  }
.LBB2_67:
0x34: {  	v12 =	vmov v7  }
.LBB2_71:
0x35: {  	v14 =	vmul.f32 v11, v11;
	v12 =	vadd.f32 @p2 v13, v12;
	v1 =	vadd.f32 v11, v1  }
0x36: {  	v0 =	vadd.f32 v9, v0;
	v61 =	vmul.f32 v9, v9;
	v3 =	vadd.f32 v10, v3  }
0x37: {  	v62 =	vmul.f32 v10, v10;
	v63 =	vmul.f32 v8, v8;
	v2 =	vadd.f32 v8, v2  }
0x38: {  	v6 =	vadd.f32 v14, v6;
	v4 =	vadd.f32 v61, v4;
	v7 =	vpsel p2, v12, v7  }
0x39: {  	v5 =	vadd.f32 v62, v5;
	v7 =	vadd.f32 v63, v7  }
.LBB2_72:
0x3a: {  	[hbm4b:s23+s2] =	stream.linear.scatter [tilespmem:s8], [sflag:$0x3], $0x4000, $0x38;
	[tilespmem:$0x8900] =	vst v63  }
0x3b: {  	[tilespmem:$0x8800] =	vst v1  }
0x3c: {  	[tilespmem:$0x8880] =	vst v6  }
0x3d: {  	[tilespmem:$0x8810] =	vst v2  }
0x3e: {  	[tilespmem:$0x8890] =	vst v7  }
0x3f: {  	[tilespmem:$0x8820] =	vst v3  }
0x40: {  	[tilespmem:$0x88A0] =	vst v5  }
0x41: {  	[tilespmem:$0x8830] =	vst v0  }
0x42: {  	s18 =	simm.s32 $0x8800;
	[tilespmem:$0x88B0] =	vst v4  }
0x43: {  	[hbm4b:s24+s2] =	stream.linear.scatter [tilespmem:s18], [sflag:$0x5], $0x80, $0x38;
	[tilespmem:$0x8900] =	vst v63  }
0x44: {  	_ =	swait.ge [sflag:s5], $0x80  }
0x45: {  	[sflag:s5] =	ssyncset.done $0x0  }
0x46: {  	s20 =	simm.s32 $0x8880;
	[sflag:s5] =	ssyncadd.s32 $0xFFFFFF80  }
0x47: {  	[hbm4b:s25+s2] =	stream.linear.scatter [tilespmem:s20], [sflag:$0x5], $0x80, $0x38;
	[tilespmem:$0x8900] =	vst v63  }
0x48: {  	_ =	swait.ge [sflag:s5], $0x80  }
0x49: {  	[sflag:s5] =	ssyncset.done $0x0  }
0x4a: {  	s17 =	sadd.s32 $0x1, s17;
	[sflag:s5] =	ssyncadd.s32 $0xFFFFFF80  }
0x4b: {  	p2 =	sne.s32 s17, s26;
	_ =	swait.ge [sflag:s12], $0x4000  }
.Ltmp1:
0x4c: {  	[sflag:s12] =	ssyncset.done $0x0;
	(pc) =	sbr.rel @!p2 .LBB2_73-.Ltmp1, $4  }
0x4d: {  	[sflag:s12] =	ssyncadd.s32 $0xFFFFC000  }
0x4e: {  	_ =	swait.ge [sflag:s15], $0x4000  }
0x4f: {  	[sflag:s15] =	ssyncset.done $0x0  }
0x50: {  	[sflag:s15] =	ssyncadd.s32 $0xFFFFC000  }
.LBB2_1:
0x51: {  	s18 =	rddreg [dreg:$0x3]  }
0x52: {  	[tilespmem:s2], [sflag:$0x5] =	stream.linear.gather [hbm4b:s18+s2], $0x680, $0x38;
	[tilespmem:$0x8900] =	vst v63  }
0x53: {  	_ =	swait.ge [sflag:s5], $0x680  }
0x54: {  	[sflag:s5] =	ssyncset.done $0x0  }
0x55: {  	[sflag:s5] =	ssyncadd.s32 $0xFFFFF980  }
0x56: {  	[tilespmem:s8], [sflag:$0x1] =	stream.indirect.gather [hbm4b:s3+s6], $0x80, s2, s6, $0xb8;
	[tilespmem:$0x8900] =	vst v63  }
0x57: {  	_ = 	snop  }
0x58: {  	[tilespmem:s9], [sflag:$0x2] =	stream.indirect.gather [hbm4b:s3+s6], $0x80, s6, s6, $0xb8;
	[tilespmem:$0x8900] =	vst v63  }
0x59: {  	_ =	swait.ge [sflag:s11], $0x4000  }
0x5a: {  	s18 =	sld [smem:$0x7FB];
	_ =	sdelay $0x2  }
0x5b: {  	p2 =	seq.s32 s18, $0x1  }
.Ltmp2:
0x5c: {  	_ = 	snop;
	(pc) =	sbr.rel @p2 .LBB2_2-.Ltmp2, $3  }
0x5d: {  	_ =	sdelay $0x1  }
0x5e: {  	[sflag:s11] =	ssyncset.done $0x0  }
0x5f: {  	s20 =	simm.s32 $0x820;
	v1 =	vimm.f32 $0.0e+00;
	[sflag:s11] =	ssyncadd.s32 $0xFFFFC000  }
0x60: {  	v2 =	vld [tilespmem:s20+$0x10];
	p2 =	sne.s32 s28, $0x200  }
.Ltmp3:
0x61: {  	v3 =	vld [tilespmem:s20+$0xFFFFFFF0];
	(pc) =	sbr.rel @!p2 .LBB2_5-.Ltmp3, $4  }
0x62: {  	v7 =	vld [tilespmem:s20+$0x0]  }
0x63: {  	v6 =	vimm.f32 $0.0e+00;
	v4 =	vimm.f32 $0.0e+00;
	v11 =	vld [tilespmem:s20+$0xFFFFFFE0]  }
0x64: {  	v5 =	vimm.f32 $0.0e+00;
	v8 =	vimm.f32 $0.0e+00;
	v9 =	vimm.f32 $0.0e+00  }
0x65: {  	s18 =	sadd.s32 $0xFFFFFE00, s28;
	s20 =	sadd.s32 $0x80, s20;
	v10 =	vimm.f32 $0.0e+00;
	v0 =	vadd.f32 v2, v1;
	v12 =	vmul.f32 v2, v2  }
.LBB2_4:
0x66: {  	v2 =	vld [tilespmem:s20+$0x10];
	p2 =	sne.s32 s18, $0x200;
	s18 =	sadd.s32 $0xFFFFFE00, s18;
	v1 =	vadd.f32 v3, v1;
	v13 =	vmul.f32 v3, v3  }
.Ltmp4:
0x67: {  	v3 =	vld [tilespmem:s20+$0xFFFFFFF0];
	v6 =	vadd.f32 v7, v6;
	v14 =	vmul.f32 v7, v7;
	v4 =	vadd.f32 v12, v4;
	(pc) =	sbr.rel @p2 .LBB2_4-.Ltmp4, $4  }
0x68: {  	v7 =	vld [tilespmem:s20+$0x0];
	v5 =	vadd.f32 v11, v5;
	v12 =	vmul.f32 v11, v11;
	v8 =	vadd.f32 v13, v8  }
0x69: {  	v11 =	vld [tilespmem:s20+$0xFFFFFFE0];
	v9 =	vadd.f32 v14, v9  }
0x6a: {  	v10 =	vadd.f32 v12, v10  }
0x6b: {  	s20 =	sadd.s32 $0x80, s20;
	v0 =	vadd.f32 v2, v0;
	v12 =	vmul.f32 v2, v2  }
.LBB2_5:
.Ltmp5:
0x6c: {  	_ = 	snop;
	(pc) =	sbr.rel .LBB2_6-.Ltmp5, $4  }
0x6d: {  	v2 =	vadd.f32 v3, v1;
	v13 =	vmul.f32 v3, v3;
	v3 =	vadd.f32 v7, v6  }
0x6e: {  	v6 =	vmul.f32 v7, v7;
	v4 =	vadd.f32 v12, v4;
	v63 =	vmul.f32 v11, v11  }
0x6f: {  	v1 =	vadd.f32 v11, v5;
	v7 =	vadd.f32 v13, v8  }
0x70: {  	v5 =	vadd.f32 v6, v9;
	v6 =	vadd.f32 v63, v10  }
.LBB2_2:
0x71: {  	v2 =	vimm.f32 $0.0e+00  }
0x72: {  	v3 =	vimm.f32 $0.0e+00;
	v0 =	vimm.f32 $0.0e+00;
	v6 =	vimm.f32 $0.0e+00  }
0x73: {  	v7 =	vimm.f32 $0.0e+00;
	v5 =	vimm.f32 $0.0e+00;
	v4 =	vimm.f32 $0.0e+00  }
.LBB2_6:
0x74: {  	s18 =	rddreg [dreg:$0x4]  }
0x75: {  	[hbm4b:s18+s2] =	stream.linear.scatter [tilespmem:s8], [sflag:$0x3], $0x4000, $0x38;
	[tilespmem:$0x8900] =	vst v63  }
0x76: {  	_ =	swait.ge [sflag:s12], $0x4000  }
0x77: {  	[sflag:s12] =	ssyncset.done $0x0  }
.Ltmp6:
0x78: {  	s20 =	simm.s32 $0x100;
	[sflag:s12] =	ssyncadd.s32 $0xFFFFC000;
	(pc) =	sbr.rel @p1 .LBB2_10-.Ltmp6, $4  }
0x79: {  	[tilespmem:s8], [sflag:$0x1] =	stream.indirect.gather [hbm4b:s3+s6], $0x80, s20, s6, $0xb8;
	[tilespmem:$0x8900] =	vst v63  }
0x7a: {  	_ =	swait.ge [sflag:s14], $0x4000  }
0x7b: {  	[sflag:s14] =	ssyncset.done $0x0  }
0x7c: {  	s20 =	simm.s32 $0x4800;
	[sflag:s14] =	ssyncadd.s32 $0xFFFFC000  }
0x7d: {  	v11 =	vld [tilespmem:s20+$0x30];
	p2 =	sne.s32 s29, $0x1  }
.Ltmp7:
0x7e: {  	v8 =	vld [tilespmem:s20+$0x10];
	(pc) =	sbr.rel @!p2 .LBB2_9-.Ltmp7, $3  }
0x7f: {  	v10 =	vld [tilespmem:s20+$0x20]  }
0x80: {  	v9 =	vld [tilespmem:s20+$0x0];
	_ =	sdelay $0x1  }
0x81: {  	s18 =	sadd.s32 $0xFFFFFFFF, s29;
	s20 =	sadd.s32 $0x80, s20;
	v0 =	vadd.f32 v11, v0;
	v11 =	vmul.f32 v11, v11  }
.LBB2_8:
0x82: {  	v12 =	vld [tilespmem:s20+$0x30];
	p2 =	sne.s32 s18, $0x1;
	s18 =	sadd.s32 $0xFFFFFFFF, s18;
	v2 =	vadd.f32 v8, v2;
	v13 =	vmul.f32 v8, v8  }
.Ltmp8:
0x83: {  	v8 =	vld [tilespmem:s20+$0x10];
	v3 =	vadd.f32 v10, v3;
	v14 =	vmul.f32 v10, v10;
	v4 =	vadd.f32 v11, v4;
	(pc) =	sbr.rel @p2 .LBB2_8-.Ltmp8, $4  }
0x84: {  	v10 =	vld [tilespmem:s20+$0x20];
	v1 =	vadd.f32 v9, v1;
	v11 =	vmul.f32 v9, v9;
	v7 =	vadd.f32 v13, v7  }
0x85: {  	v9 =	vld [tilespmem:s20+$0x0];
	v5 =	vadd.f32 v14, v5  }
0x86: {  	v6 =	vadd.f32 v11, v6  }
0x87: {  	s20 =	sadd.s32 $0x80, s20;
	v0 =	vadd.f32 v12, v0;
	v11 =	vmul.f32 v12, v12  }
.LBB2_9:
0x88: {  	_ = 	snop  }
0x89: {  	v2 =	vadd.f32 v8, v2;
	v8 =	vmul.f32 v8, v8;
	v3 =	vadd.f32 v10, v3  }
0x8a: {  	v62 =	vmul.f32 v10, v10;
	v4 =	vadd.f32 v11, v4;
	v63 =	vmul.f32 v9, v9  }
0x8b: {  	v1 =	vadd.f32 v9, v1;
	v7 =	vadd.f32 v8, v7  }
0x8c: {  	v5 =	vadd.f32 v62, v5;
	v6 =	vadd.f32 v63, v6  }
.LBB2_10:
0x8d: {  	s20 =	simm.s32 $0x0;
	s18 =	rddreg [dreg:$0x5]  }
0x8e: {  	[hbm4b:s18+s20] =	stream.linear.scatter [tilespmem:s9], [sflag:$0x4], $0x4000, $0x38;
	[tilespmem:$0x8900] =	vst v63  }
0x8f: {  	_ =	swait.ge [sflag:s15], $0x4000  }
0x90: {  	[sflag:s15] =	ssyncset.done $0x0  }
0x91: {  	s18 =	simm.s32 $0x180;
	[sflag:s15] =	ssyncadd.s32 $0xFFFFC000  }
0x92: {  	[tilespmem:s9], [sflag:$0x2] =	stream.indirect.gather [hbm4b:s3+s6], $0x80, s18, s6, $0xb8;
	[tilespmem:$0x8900] =	vst v63  }
0x93: {  	_ =	swait.ge [sflag:s11], $0x4000  }
0x94: {  	[sflag:s11] =	ssyncset.done $0x0  }
0x95: {  	[sflag:s11] =	ssyncadd.s32 $0xFFFFC000;
	[smem:$0x7FA] =	sst s0  }
0x96: {  	s0 =	sld [smem:$0x7FC];
	_ =	sdelay $0x2  }
0x97: {  	p2 =	seq.s32 s0, $0x1  }
.Ltmp9:
0x98: {  	_ = 	snop;
	(pc) =	sbr.rel @p2 .LBB2_17-.Ltmp9, $2  }
0x99: {  	_ =	sdelay $0x2  }
0x9a: {  	s18 =	simm.s32 $0x820;
	s0 =	sld [smem:$0x7FA]  }
0x9b: {  	s20 =	sadd.s32 $0x1, s20  }
0x9c: {  	p3 =	slt.u32 s20, s7  }
.Ltmp10:
0x9d: {  	_ = 	snop;
	(pc) =	sbr.rel @!p3 .LBB2_12-.Ltmp10, $4  }
0x9e: {  	v11 =	vld [tilespmem:s18+$0xFFFFFFE0]  }
0x9f: {  	v9 =	vld [tilespmem:s18+$0x10]  }
0xa0: {  	v10 =	vld [tilespmem:s18+$0x0]  }
0xa1: {  	v8 =	vld [tilespmem:s18+$0xFFFFFFF0];
	p2 =	por $0x0, $0x0  }
0xa2: {  	s20 =	sadd.s32 $0x1, s20  }
0xa3: {  	p3 =	slt.u32 s20, s7  }
.Ltmp11:
0xa4: {  	s18 =	sadd.s32 $0x80, s18;
	v12 =	vmul.f32 v11, v11;
	(pc) =	sbr.rel @!p3 .LBB2_14-.Ltmp11, $4  }
0xa5: {  	v1 =	vadd.f32 v11, v1;
	v11 =	vld [tilespmem:s18+$0xFFFFFFE0];
	v0 =	vadd.f32 v9, v0  }
0xa6: {  	v14 =	vmul.f32 v9, v9;
	v9 =	vld [tilespmem:s18+$0x10];
	v3 =	vadd.f32 v10, v3;
	v15 =	vmul.f32 v10, v10  }
0xa7: {  	v6 =	vadd.f32 v12, v6;
	v10 =	vld [tilespmem:s18+$0x0];
	v2 =	vadd.f32 v8, v2  }
0xa8: {  	p2 =	por $0x1, $0x1;
	v13 =	vmul.f32 v8, v8;
	v4 =	vadd.f32 v14, v4;
	v8 =	vld [tilespmem:s18+$0xFFFFFFF0];
	v5 =	vadd.f32 v15, v5;
	v12 =	vmovc v7  }
.LBB2_15:
0xa9: {  	s20 =	sadd.s32 $0x1, s20  }
0xaa: {  	v12 =	vadd.f32 v13, v12;
	p3 =	slt.u32 s20, s7  }
.Ltmp12:
0xab: {  	s18 =	sadd.s32 $0x80, s18;
	v1 =	vadd.f32 v11, v1;
	v13 =	vmul.f32 v11, v11;
	(pc) =	sbr.rel @p3 .LBB2_15-.Ltmp12, $4  }
0xac: {  	v11 =	vld [tilespmem:s18+$0xFFFFFFE0];
	v0 =	vadd.f32 v9, v0;
	v14 =	vmul.f32 v9, v9  }
0xad: {  	v9 =	vld [tilespmem:s18+$0x10];
	v6 =	vadd.f32 v13, v6;
	v3 =	vadd.f32 v10, v3;
	v15 =	vmul.f32 v10, v10  }
0xae: {  	v10 =	vld [tilespmem:s18+$0x0];
	v2 =	vadd.f32 v8, v2;
	v13 =	vmul.f32 v8, v8;
	v4 =	vadd.f32 v14, v4  }
0xaf: {  	v8 =	vld [tilespmem:s18+$0xFFFFFFF0];
	v5 =	vadd.f32 v15, v5  }
.LBB2_16:
0xb0: {  	_ =	sdelay $0x1  }
0xb1: {  	v12 =	vadd.f32 @p2 v13, v12  }
0xb2: {  	v14 =	vmul.f32 v11, v11;
	v1 =	vadd.f32 v11, v1;
	v0 =	vadd.f32 v9, v0  }
0xb3: {  	v61 =	vmul.f32 v9, v9;
	v7 =	vpsel p2, v12, v7;
	v63 =	vmul.f32 v8, v8  }
0xb4: {  	v6 =	vadd.f32 v14, v6;
	v3 =	vadd.f32 v10, v3;
	v62 =	vmul.f32 v10, v10  }
0xb5: {  	v2 =	vadd.f32 v8, v2;
	v7 =	vadd.f32 v63, v7  }
0xb6: {  	v4 =	vadd.f32 v61, v4;
	v5 =	vadd.f32 v62, v5  }
.LBB2_17:
0xb7: {  	s18 =	rddreg [dreg:$0x6]  }
0xb8: {  	[hbm4b:s18+s2] =	stream.linear.scatter [tilespmem:s8], [sflag:$0x3], $0x4000, $0x38;
	[tilespmem:$0x8900] =	vst v63  }
0xb9: {  	_ =	swait.ge [sflag:s12], $0x4000  }
0xba: {  	[sflag:s12] =	ssyncset.done $0x0  }
.Ltmp13:
0xbb: {  	s20 =	simm.s32 $0x200;
	[sflag:s12] =	ssyncadd.s32 $0xFFFFC000;
	(pc) =	sbr.rel @p1 .LBB2_21-.Ltmp13, $4  }
0xbc: {  	[tilespmem:s8], [sflag:$0x1] =	stream.indirect.gather [hbm4b:s3+s6], $0x80, s20, s6, $0xb8;
	[tilespmem:$0x8900] =	vst v63  }
0xbd: {  	_ =	swait.ge [sflag:s14], $0x4000  }
0xbe: {  	[sflag:s14] =	ssyncset.done $0x0  }
0xbf: {  	s20 =	simm.s32 $0x4800;
	[sflag:s14] =	ssyncadd.s32 $0xFFFFC000  }
0xc0: {  	v11 =	vld [tilespmem:s20+$0x30];
	p2 =	sne.s32 s30, $0x1  }
.Ltmp14:
0xc1: {  	v8 =	vld [tilespmem:s20+$0x10];
	(pc) =	sbr.rel @!p2 .LBB2_20-.Ltmp14, $3  }
0xc2: {  	v10 =	vld [tilespmem:s20+$0x20]  }
0xc3: {  	v9 =	vld [tilespmem:s20+$0x0];
	_ =	sdelay $0x1  }
0xc4: {  	s18 =	sadd.s32 $0xFFFFFFFF, s30;
	s20 =	sadd.s32 $0x80, s20;
	v0 =	vadd.f32 v11, v0;
	v11 =	vmul.f32 v11, v11  }
.LBB2_19:
0xc5: {  	v12 =	vld [tilespmem:s20+$0x30];
	p2 =	sne.s32 s18, $0x1;
	s18 =	sadd.s32 $0xFFFFFFFF, s18;
	v2 =	vadd.f32 v8, v2;
	v13 =	vmul.f32 v8, v8  }
.Ltmp15:
0xc6: {  	v8 =	vld [tilespmem:s20+$0x10];
	v3 =	vadd.f32 v10, v3;
	v14 =	vmul.f32 v10, v10;
	v4 =	vadd.f32 v11, v4;
	(pc) =	sbr.rel @p2 .LBB2_19-.Ltmp15, $4  }
0xc7: {  	v10 =	vld [tilespmem:s20+$0x20];
	v1 =	vadd.f32 v9, v1;
	v11 =	vmul.f32 v9, v9;
	v7 =	vadd.f32 v13, v7  }
0xc8: {  	v9 =	vld [tilespmem:s20+$0x0];
	v5 =	vadd.f32 v14, v5  }
0xc9: {  	v6 =	vadd.f32 v11, v6  }
0xca: {  	s20 =	sadd.s32 $0x80, s20;
	v0 =	vadd.f32 v12, v0;
	v11 =	vmul.f32 v12, v12  }
.LBB2_20:
0xcb: {  	_ = 	snop  }
0xcc: {  	v2 =	vadd.f32 v8, v2;
	v8 =	vmul.f32 v8, v8;
	v3 =	vadd.f32 v10, v3  }
0xcd: {  	v62 =	vmul.f32 v10, v10;
	v4 =	vadd.f32 v11, v4;
	v63 =	vmul.f32 v9, v9  }
0xce: {  	v1 =	vadd.f32 v9, v1;
	v7 =	vadd.f32 v8, v7  }
0xcf: {  	v5 =	vadd.f32 v62, v5;
	v6 =	vadd.f32 v63, v6  }
.LBB2_21:
0xd0: {  	s20 =	simm.s32 $0x0;
	s18 =	rddreg [dreg:$0x7]  }
0xd1: {  	[hbm4b:s18+s20] =	stream.linear.scatter [tilespmem:s9], [sflag:$0x4], $0x4000, $0x38;
	[tilespmem:$0x8900] =	vst v63  }
0xd2: {  	_ =	swait.ge [sflag:s15], $0x4000  }
0xd3: {  	[sflag:s15] =	ssyncset.done $0x0  }
0xd4: {  	s18 =	simm.s32 $0x280;
	[sflag:s15] =	ssyncadd.s32 $0xFFFFC000  }
0xd5: {  	[tilespmem:s9], [sflag:$0x2] =	stream.indirect.gather [hbm4b:s3+s6], $0x80, s18, s6, $0xb8;
	[tilespmem:$0x8900] =	vst v63  }
0xd6: {  	_ =	swait.ge [sflag:s11], $0x4000  }
0xd7: {  	[sflag:s11] =	ssyncset.done $0x0  }
0xd8: {  	[sflag:s11] =	ssyncadd.s32 $0xFFFFC000;
	[smem:$0x7FA] =	sst s0  }
0xd9: {  	s0 =	sld [smem:$0x7FD];
	_ =	sdelay $0x2  }
0xda: {  	p2 =	seq.s32 s0, $0x1  }
.Ltmp16:
0xdb: {  	_ = 	snop;
	(pc) =	sbr.rel @p2 .LBB2_28-.Ltmp16, $2  }
0xdc: {  	_ =	sdelay $0x2  }
0xdd: {  	s18 =	simm.s32 $0x820;
	s0 =	sld [smem:$0x7FA]  }
0xde: {  	s20 =	sadd.s32 $0x1, s20  }
0xdf: {  	p3 =	slt.u32 s20, s10  }
.Ltmp17:
0xe0: {  	_ = 	snop;
	(pc) =	sbr.rel @!p3 .LBB2_23-.Ltmp17, $4  }
0xe1: {  	v11 =	vld [tilespmem:s18+$0xFFFFFFE0]  }
0xe2: {  	v9 =	vld [tilespmem:s18+$0x10]  }
0xe3: {  	v10 =	vld [tilespmem:s18+$0x0]  }
0xe4: {  	v8 =	vld [tilespmem:s18+$0xFFFFFFF0];
	p2 =	por $0x0, $0x0  }
0xe5: {  	s20 =	sadd.s32 $0x1, s20  }
0xe6: {  	p3 =	slt.u32 s20, s10  }
.Ltmp18:
0xe7: {  	s18 =	sadd.s32 $0x80, s18;
	v12 =	vmul.f32 v11, v11;
	(pc) =	sbr.rel @!p3 .LBB2_25-.Ltmp18, $4  }
0xe8: {  	v1 =	vadd.f32 v11, v1;
	v11 =	vld [tilespmem:s18+$0xFFFFFFE0];
	v0 =	vadd.f32 v9, v0  }
0xe9: {  	v14 =	vmul.f32 v9, v9;
	v9 =	vld [tilespmem:s18+$0x10];
	v3 =	vadd.f32 v10, v3;
	v15 =	vmul.f32 v10, v10  }
0xea: {  	v6 =	vadd.f32 v12, v6;
	v10 =	vld [tilespmem:s18+$0x0];
	v2 =	vadd.f32 v8, v2  }
0xeb: {  	p2 =	por $0x1, $0x1;
	v13 =	vmul.f32 v8, v8;
	v4 =	vadd.f32 v14, v4;
	v8 =	vld [tilespmem:s18+$0xFFFFFFF0];
	v5 =	vadd.f32 v15, v5;
	v12 =	vmovc v7  }
.LBB2_26:
0xec: {  	s20 =	sadd.s32 $0x1, s20  }
0xed: {  	v12 =	vadd.f32 v13, v12;
	p3 =	slt.u32 s20, s10  }
.Ltmp19:
0xee: {  	s18 =	sadd.s32 $0x80, s18;
	v1 =	vadd.f32 v11, v1;
	v13 =	vmul.f32 v11, v11;
	(pc) =	sbr.rel @p3 .LBB2_26-.Ltmp19, $4  }
0xef: {  	v11 =	vld [tilespmem:s18+$0xFFFFFFE0];
	v0 =	vadd.f32 v9, v0;
	v14 =	vmul.f32 v9, v9  }
0xf0: {  	v9 =	vld [tilespmem:s18+$0x10];
	v6 =	vadd.f32 v13, v6;
	v3 =	vadd.f32 v10, v3;
	v15 =	vmul.f32 v10, v10  }
0xf1: {  	v10 =	vld [tilespmem:s18+$0x0];
	v2 =	vadd.f32 v8, v2;
	v13 =	vmul.f32 v8, v8;
	v4 =	vadd.f32 v14, v4  }
0xf2: {  	v8 =	vld [tilespmem:s18+$0xFFFFFFF0];
	v5 =	vadd.f32 v15, v5  }
.LBB2_27:
0xf3: {  	_ =	sdelay $0x1  }
0xf4: {  	v12 =	vadd.f32 @p2 v13, v12  }
0xf5: {  	v14 =	vmul.f32 v11, v11;
	v1 =	vadd.f32 v11, v1;
	v0 =	vadd.f32 v9, v0  }
0xf6: {  	v61 =	vmul.f32 v9, v9;
	v7 =	vpsel p2, v12, v7;
	v63 =	vmul.f32 v8, v8  }
0xf7: {  	v6 =	vadd.f32 v14, v6;
	v3 =	vadd.f32 v10, v3;
	v62 =	vmul.f32 v10, v10  }
0xf8: {  	v2 =	vadd.f32 v8, v2;
	v7 =	vadd.f32 v63, v7  }
0xf9: {  	v4 =	vadd.f32 v61, v4;
	v5 =	vadd.f32 v62, v5  }
.LBB2_28:
0xfa: {  	s18 =	rddreg [dreg:$0x8]  }
0xfb: {  	[hbm4b:s18+s2] =	stream.linear.scatter [tilespmem:s8], [sflag:$0x3], $0x4000, $0x38;
	[tilespmem:$0x8900] =	vst v63  }
0xfc: {  	_ =	swait.ge [sflag:s12], $0x4000  }
0xfd: {  	[sflag:s12] =	ssyncset.done $0x0  }
.Ltmp20:
0xfe: {  	s20 =	simm.s32 $0x300;
	[sflag:s12] =	ssyncadd.s32 $0xFFFFC000;
	(pc) =	sbr.rel @p1 .LBB2_32-.Ltmp20, $4  }
0xff: {  	[tilespmem:s8], [sflag:$0x1] =	stream.indirect.gather [hbm4b:s3+s6], $0x80, s20, s6, $0xb8;
	[tilespmem:$0x8900] =	vst v63  }
0x100: {  	_ =	swait.ge [sflag:s14], $0x4000  }
0x101: {  	[sflag:s14] =	ssyncset.done $0x0  }
0x102: {  	s20 =	simm.s32 $0x4800;
	[sflag:s14] =	ssyncadd.s32 $0xFFFFC000  }
0x103: {  	v11 =	vld [tilespmem:s20+$0x30];
	p2 =	sne.s32 s31, $0x1  }
.Ltmp21:
0x104: {  	v8 =	vld [tilespmem:s20+$0x10];
	(pc) =	sbr.rel @!p2 .LBB2_31-.Ltmp21, $3  }
0x105: {  	v10 =	vld [tilespmem:s20+$0x20]  }
0x106: {  	v9 =	vld [tilespmem:s20+$0x0];
	_ =	sdelay $0x1  }
0x107: {  	s18 =	sadd.s32 $0xFFFFFFFF, s31;
	s20 =	sadd.s32 $0x80, s20;
	v0 =	vadd.f32 v11, v0;
	v11 =	vmul.f32 v11, v11  }
.LBB2_30:
0x108: {  	v12 =	vld [tilespmem:s20+$0x30];
	p2 =	sne.s32 s18, $0x1;
	s18 =	sadd.s32 $0xFFFFFFFF, s18;
	v2 =	vadd.f32 v8, v2;
	v13 =	vmul.f32 v8, v8  }
.Ltmp22:
0x109: {  	v8 =	vld [tilespmem:s20+$0x10];
	v3 =	vadd.f32 v10, v3;
	v14 =	vmul.f32 v10, v10;
	v4 =	vadd.f32 v11, v4;
	(pc) =	sbr.rel @p2 .LBB2_30-.Ltmp22, $4  }
0x10a: {  	v10 =	vld [tilespmem:s20+$0x20];
	v1 =	vadd.f32 v9, v1;
	v11 =	vmul.f32 v9, v9;
	v7 =	vadd.f32 v13, v7  }
0x10b: {  	v9 =	vld [tilespmem:s20+$0x0];
	v5 =	vadd.f32 v14, v5  }
0x10c: {  	v6 =	vadd.f32 v11, v6  }
0x10d: {  	s20 =	sadd.s32 $0x80, s20;
	v0 =	vadd.f32 v12, v0;
	v11 =	vmul.f32 v12, v12  }
.LBB2_31:
0x10e: {  	_ = 	snop  }
0x10f: {  	v2 =	vadd.f32 v8, v2;
	v8 =	vmul.f32 v8, v8;
	v3 =	vadd.f32 v10, v3  }
0x110: {  	v62 =	vmul.f32 v10, v10;
	v4 =	vadd.f32 v11, v4;
	v63 =	vmul.f32 v9, v9  }
0x111: {  	v1 =	vadd.f32 v9, v1;
	v7 =	vadd.f32 v8, v7  }
0x112: {  	v5 =	vadd.f32 v62, v5;
	v6 =	vadd.f32 v63, v6  }
.LBB2_32:
0x113: {  	s20 =	simm.s32 $0x0;
	s18 =	rddreg [dreg:$0x9]  }
0x114: {  	[hbm4b:s18+s20] =	stream.linear.scatter [tilespmem:s9], [sflag:$0x4], $0x4000, $0x38;
	[tilespmem:$0x8900] =	vst v63  }
0x115: {  	_ =	swait.ge [sflag:s15], $0x4000  }
0x116: {  	[sflag:s15] =	ssyncset.done $0x0  }
.Ltmp23:
0x117: {  	s18 =	simm.s32 $0x380;
	[sflag:s15] =	ssyncadd.s32 $0xFFFFC000;
	(pc) =	sbr.rel @p4 .LBB2_39-.Ltmp23, $4  }
0x118: {  	[tilespmem:s9], [sflag:$0x2] =	stream.indirect.gather [hbm4b:s3+s6], $0x80, s18, s6, $0xb8;
	[tilespmem:$0x8900] =	vst v63  }
0x119: {  	_ =	swait.ge [sflag:s11], $0x4000  }
0x11a: {  	[sflag:s11] =	ssyncset.done $0x0  }
0x11b: {  	s18 =	simm.s32 $0x820;
	[sflag:s11] =	ssyncadd.s32 $0xFFFFC000  }
0x11c: {  	s20 =	sadd.s32 $0x1, s20  }
0x11d: {  	p3 =	slt.u32 s20, s13  }
.Ltmp24:
0x11e: {  	_ = 	snop;
	(pc) =	sbr.rel @!p3 .LBB2_34-.Ltmp24, $4  }
0x11f: {  	v11 =	vld [tilespmem:s18+$0xFFFFFFE0]  }
0x120: {  	v9 =	vld [tilespmem:s18+$0x10]  }
0x121: {  	v10 =	vld [tilespmem:s18+$0x0]  }
0x122: {  	v8 =	vld [tilespmem:s18+$0xFFFFFFF0];
	p2 =	por $0x0, $0x0  }
0x123: {  	s20 =	sadd.s32 $0x1, s20  }
0x124: {  	p3 =	slt.u32 s20, s13  }
.Ltmp25:
0x125: {  	s18 =	sadd.s32 $0x80, s18;
	v12 =	vmul.f32 v11, v11;
	(pc) =	sbr.rel @!p3 .LBB2_36-.Ltmp25, $4  }
0x126: {  	v1 =	vadd.f32 v11, v1;
	v11 =	vld [tilespmem:s18+$0xFFFFFFE0];
	v0 =	vadd.f32 v9, v0  }
0x127: {  	v14 =	vmul.f32 v9, v9;
	v9 =	vld [tilespmem:s18+$0x10];
	v3 =	vadd.f32 v10, v3;
	v15 =	vmul.f32 v10, v10  }
0x128: {  	v6 =	vadd.f32 v12, v6;
	v10 =	vld [tilespmem:s18+$0x0];
	v2 =	vadd.f32 v8, v2  }
0x129: {  	p2 =	por $0x1, $0x1;
	v13 =	vmul.f32 v8, v8;
	v4 =	vadd.f32 v14, v4;
	v8 =	vld [tilespmem:s18+$0xFFFFFFF0];
	v5 =	vadd.f32 v15, v5;
	v12 =	vmovc v7  }
.LBB2_37:
0x12a: {  	s20 =	sadd.s32 $0x1, s20  }
0x12b: {  	v12 =	vadd.f32 v13, v12;
	p3 =	slt.u32 s20, s13  }
.Ltmp26:
0x12c: {  	s18 =	sadd.s32 $0x80, s18;
	v1 =	vadd.f32 v11, v1;
	v13 =	vmul.f32 v11, v11;
	(pc) =	sbr.rel @p3 .LBB2_37-.Ltmp26, $4  }
0x12d: {  	v11 =	vld [tilespmem:s18+$0xFFFFFFE0];
	v0 =	vadd.f32 v9, v0;
	v14 =	vmul.f32 v9, v9  }
0x12e: {  	v9 =	vld [tilespmem:s18+$0x10];
	v6 =	vadd.f32 v13, v6;
	v3 =	vadd.f32 v10, v3;
	v15 =	vmul.f32 v10, v10  }
0x12f: {  	v10 =	vld [tilespmem:s18+$0x0];
	v2 =	vadd.f32 v8, v2;
	v13 =	vmul.f32 v8, v8;
	v4 =	vadd.f32 v14, v4  }
0x130: {  	v8 =	vld [tilespmem:s18+$0xFFFFFFF0];
	v5 =	vadd.f32 v15, v5  }
.LBB2_38:
0x131: {  	_ =	sdelay $0x1  }
0x132: {  	v12 =	vadd.f32 @p2 v13, v12  }
0x133: {  	v14 =	vmul.f32 v11, v11;
	v1 =	vadd.f32 v11, v1;
	v0 =	vadd.f32 v9, v0  }
0x134: {  	v61 =	vmul.f32 v9, v9;
	v7 =	vpsel p2, v12, v7;
	v63 =	vmul.f32 v8, v8  }
0x135: {  	v6 =	vadd.f32 v14, v6;
	v3 =	vadd.f32 v10, v3;
	v62 =	vmul.f32 v10, v10  }
0x136: {  	v2 =	vadd.f32 v8, v2;
	v7 =	vadd.f32 v63, v7  }
0x137: {  	v4 =	vadd.f32 v61, v4;
	v5 =	vadd.f32 v62, v5  }
.LBB2_39:
0x138: {  	s18 =	rddreg [dreg:$0xa]  }
0x139: {  	[hbm4b:s18+s2] =	stream.linear.scatter [tilespmem:s8], [sflag:$0x3], $0x4000, $0x38;
	[tilespmem:$0x8900] =	vst v63  }
0x13a: {  	_ =	swait.ge [sflag:s12], $0x4000  }
0x13b: {  	[sflag:s12] =	ssyncset.done $0x0  }
.Ltmp27:
0x13c: {  	s20 =	simm.s32 $0x400;
	[sflag:s12] =	ssyncadd.s32 $0xFFFFC000;
	(pc) =	sbr.rel @p1 .LBB2_43-.Ltmp27, $4  }
0x13d: {  	[tilespmem:s8], [sflag:$0x1] =	stream.indirect.gather [hbm4b:s3+s6], $0x80, s20, s6, $0xb8;
	[tilespmem:$0x8900] =	vst v63  }
0x13e: {  	_ =	swait.ge [sflag:s14], $0x4000  }
0x13f: {  	[sflag:s14] =	ssyncset.done $0x0  }
0x140: {  	s20 =	simm.s32 $0x4800;
	[sflag:s14] =	ssyncadd.s32 $0xFFFFC000  }
0x141: {  	v11 =	vld [tilespmem:s20+$0x30];
	p2 =	sne.s32 s0, $0x1  }
.Ltmp28:
0x142: {  	v8 =	vld [tilespmem:s20+$0x10];
	(pc) =	sbr.rel @!p2 .LBB2_42-.Ltmp28, $3  }
0x143: {  	v10 =	vld [tilespmem:s20+$0x20]  }
0x144: {  	v9 =	vld [tilespmem:s20+$0x0];
	_ =	sdelay $0x1  }
0x145: {  	s18 =	sadd.s32 $0xFFFFFFFF, s0;
	s20 =	sadd.s32 $0x80, s20;
	v0 =	vadd.f32 v11, v0;
	v11 =	vmul.f32 v11, v11  }
.LBB2_41:
0x146: {  	v12 =	vld [tilespmem:s20+$0x30];
	p2 =	sne.s32 s18, $0x1;
	s18 =	sadd.s32 $0xFFFFFFFF, s18;
	v2 =	vadd.f32 v8, v2;
	v13 =	vmul.f32 v8, v8  }
.Ltmp29:
0x147: {  	v8 =	vld [tilespmem:s20+$0x10];
	v3 =	vadd.f32 v10, v3;
	v14 =	vmul.f32 v10, v10;
	v4 =	vadd.f32 v11, v4;
	(pc) =	sbr.rel @p2 .LBB2_41-.Ltmp29, $4  }
0x148: {  	v10 =	vld [tilespmem:s20+$0x20];
	v1 =	vadd.f32 v9, v1;
	v11 =	vmul.f32 v9, v9;
	v7 =	vadd.f32 v13, v7  }
0x149: {  	v9 =	vld [tilespmem:s20+$0x0];
	v5 =	vadd.f32 v14, v5  }
0x14a: {  	v6 =	vadd.f32 v11, v6  }
0x14b: {  	s20 =	sadd.s32 $0x80, s20;
	v0 =	vadd.f32 v12, v0;
	v11 =	vmul.f32 v12, v12  }
.LBB2_42:
0x14c: {  	_ = 	snop  }
0x14d: {  	v2 =	vadd.f32 v8, v2;
	v8 =	vmul.f32 v8, v8;
	v3 =	vadd.f32 v10, v3  }
0x14e: {  	v62 =	vmul.f32 v10, v10;
	v4 =	vadd.f32 v11, v4;
	v63 =	vmul.f32 v9, v9  }
0x14f: {  	v1 =	vadd.f32 v9, v1;
	v7 =	vadd.f32 v8, v7  }
0x150: {  	v5 =	vadd.f32 v62, v5;
	v6 =	vadd.f32 v63, v6  }
.LBB2_43:
0x151: {  	s20 =	simm.s32 $0x0;
	s18 =	rddreg [dreg:$0xb]  }
0x152: {  	[hbm4b:s18+s20] =	stream.linear.scatter [tilespmem:s9], [sflag:$0x4], $0x4000, $0x38;
	[tilespmem:$0x8900] =	vst v63  }
0x153: {  	_ =	swait.ge [sflag:s15], $0x4000  }
0x154: {  	[sflag:s15] =	ssyncset.done $0x0  }
.Ltmp30:
0x155: {  	s18 =	simm.s32 $0x480;
	[sflag:s15] =	ssyncadd.s32 $0xFFFFC000;
	(pc) =	sbr.rel @p5 .LBB2_50-.Ltmp30, $4  }
0x156: {  	[tilespmem:s9], [sflag:$0x2] =	stream.indirect.gather [hbm4b:s3+s6], $0x80, s18, s6, $0xb8;
	[tilespmem:$0x8900] =	vst v63  }
0x157: {  	_ =	swait.ge [sflag:s11], $0x4000  }
0x158: {  	[sflag:s11] =	ssyncset.done $0x0  }
0x159: {  	s18 =	simm.s32 $0x820;
	[sflag:s11] =	ssyncadd.s32 $0xFFFFC000  }
0x15a: {  	s20 =	sadd.s32 $0x1, s20  }
0x15b: {  	p3 =	slt.u32 s20, s16  }
.Ltmp31:
0x15c: {  	_ = 	snop;
	(pc) =	sbr.rel @!p3 .LBB2_45-.Ltmp31, $4  }
0x15d: {  	v11 =	vld [tilespmem:s18+$0xFFFFFFE0]  }
0x15e: {  	v9 =	vld [tilespmem:s18+$0x10]  }
0x15f: {  	v10 =	vld [tilespmem:s18+$0x0]  }
0x160: {  	v8 =	vld [tilespmem:s18+$0xFFFFFFF0];
	p2 =	por $0x0, $0x0  }
0x161: {  	s20 =	sadd.s32 $0x1, s20  }
0x162: {  	p3 =	slt.u32 s20, s16  }
.Ltmp32:
0x163: {  	s18 =	sadd.s32 $0x80, s18;
	v12 =	vmul.f32 v11, v11;
	(pc) =	sbr.rel @!p3 .LBB2_47-.Ltmp32, $4  }
0x164: {  	v1 =	vadd.f32 v11, v1;
	v11 =	vld [tilespmem:s18+$0xFFFFFFE0];
	v0 =	vadd.f32 v9, v0  }
0x165: {  	v14 =	vmul.f32 v9, v9;
	v9 =	vld [tilespmem:s18+$0x10];
	v3 =	vadd.f32 v10, v3;
	v15 =	vmul.f32 v10, v10  }
0x166: {  	v6 =	vadd.f32 v12, v6;
	v10 =	vld [tilespmem:s18+$0x0];
	v2 =	vadd.f32 v8, v2  }
0x167: {  	p2 =	por $0x1, $0x1;
	v13 =	vmul.f32 v8, v8;
	v4 =	vadd.f32 v14, v4;
	v8 =	vld [tilespmem:s18+$0xFFFFFFF0];
	v5 =	vadd.f32 v15, v5;
	v12 =	vmovc v7  }
.LBB2_48:
0x168: {  	s20 =	sadd.s32 $0x1, s20  }
0x169: {  	v12 =	vadd.f32 v13, v12;
	p3 =	slt.u32 s20, s16  }
.Ltmp33:
0x16a: {  	s18 =	sadd.s32 $0x80, s18;
	v1 =	vadd.f32 v11, v1;
	v13 =	vmul.f32 v11, v11;
	(pc) =	sbr.rel @p3 .LBB2_48-.Ltmp33, $4  }
0x16b: {  	v11 =	vld [tilespmem:s18+$0xFFFFFFE0];
	v0 =	vadd.f32 v9, v0;
	v14 =	vmul.f32 v9, v9  }
0x16c: {  	v9 =	vld [tilespmem:s18+$0x10];
	v6 =	vadd.f32 v13, v6;
	v3 =	vadd.f32 v10, v3;
	v15 =	vmul.f32 v10, v10  }
0x16d: {  	v10 =	vld [tilespmem:s18+$0x0];
	v2 =	vadd.f32 v8, v2;
	v13 =	vmul.f32 v8, v8;
	v4 =	vadd.f32 v14, v4  }
0x16e: {  	v8 =	vld [tilespmem:s18+$0xFFFFFFF0];
	v5 =	vadd.f32 v15, v5  }
.LBB2_49:
0x16f: {  	_ =	sdelay $0x1  }
0x170: {  	v12 =	vadd.f32 @p2 v13, v12  }
0x171: {  	v14 =	vmul.f32 v11, v11;
	v1 =	vadd.f32 v11, v1;
	v0 =	vadd.f32 v9, v0  }
0x172: {  	v61 =	vmul.f32 v9, v9;
	v7 =	vpsel p2, v12, v7;
	v63 =	vmul.f32 v8, v8  }
0x173: {  	v6 =	vadd.f32 v14, v6;
	v3 =	vadd.f32 v10, v3;
	v62 =	vmul.f32 v10, v10  }
0x174: {  	v2 =	vadd.f32 v8, v2;
	v7 =	vadd.f32 v63, v7  }
0x175: {  	v4 =	vadd.f32 v61, v4;
	v5 =	vadd.f32 v62, v5  }
.LBB2_50:
0x176: {  	s18 =	rddreg [dreg:$0xc]  }
0x177: {  	[hbm4b:s18+s2] =	stream.linear.scatter [tilespmem:s8], [sflag:$0x3], $0x4000, $0x38;
	[tilespmem:$0x8900] =	vst v63  }
0x178: {  	_ =	swait.ge [sflag:s12], $0x4000  }
0x179: {  	[sflag:s12] =	ssyncset.done $0x0  }
.Ltmp34:
0x17a: {  	s20 =	simm.s32 $0x500;
	[sflag:s12] =	ssyncadd.s32 $0xFFFFC000;
	(pc) =	sbr.rel @p1 .LBB2_54-.Ltmp34, $4  }
0x17b: {  	[tilespmem:s8], [sflag:$0x1] =	stream.indirect.gather [hbm4b:s3+s6], $0x80, s20, s6, $0xb8;
	[tilespmem:$0x8900] =	vst v63  }
0x17c: {  	_ =	swait.ge [sflag:s14], $0x4000  }
0x17d: {  	[sflag:s14] =	ssyncset.done $0x0  }
0x17e: {  	s20 =	simm.s32 $0x4800;
	[sflag:s14] =	ssyncadd.s32 $0xFFFFC000  }
0x17f: {  	v11 =	vld [tilespmem:s20+$0x30];
	p2 =	sne.s32 s1, $0x1  }
.Ltmp35:
0x180: {  	v8 =	vld [tilespmem:s20+$0x10];
	(pc) =	sbr.rel @!p2 .LBB2_53-.Ltmp35, $3  }
0x181: {  	v10 =	vld [tilespmem:s20+$0x20]  }
0x182: {  	v9 =	vld [tilespmem:s20+$0x0];
	_ =	sdelay $0x1  }
0x183: {  	s18 =	sadd.s32 $0xFFFFFFFF, s1;
	s20 =	sadd.s32 $0x80, s20;
	v0 =	vadd.f32 v11, v0;
	v11 =	vmul.f32 v11, v11  }
.LBB2_52:
0x184: {  	v12 =	vld [tilespmem:s20+$0x30];
	p2 =	sne.s32 s18, $0x1;
	s18 =	sadd.s32 $0xFFFFFFFF, s18;
	v2 =	vadd.f32 v8, v2;
	v13 =	vmul.f32 v8, v8  }
.Ltmp36:
0x185: {  	v8 =	vld [tilespmem:s20+$0x10];
	v3 =	vadd.f32 v10, v3;
	v14 =	vmul.f32 v10, v10;
	v4 =	vadd.f32 v11, v4;
	(pc) =	sbr.rel @p2 .LBB2_52-.Ltmp36, $4  }
0x186: {  	v10 =	vld [tilespmem:s20+$0x20];
	v1 =	vadd.f32 v9, v1;
	v11 =	vmul.f32 v9, v9;
	v7 =	vadd.f32 v13, v7  }
0x187: {  	v9 =	vld [tilespmem:s20+$0x0];
	v5 =	vadd.f32 v14, v5  }
0x188: {  	v6 =	vadd.f32 v11, v6  }
0x189: {  	s20 =	sadd.s32 $0x80, s20;
	v0 =	vadd.f32 v12, v0;
	v11 =	vmul.f32 v12, v12  }
.LBB2_53:
0x18a: {  	_ = 	snop  }
0x18b: {  	v2 =	vadd.f32 v8, v2;
	v8 =	vmul.f32 v8, v8;
	v3 =	vadd.f32 v10, v3  }
0x18c: {  	v62 =	vmul.f32 v10, v10;
	v4 =	vadd.f32 v11, v4;
	v63 =	vmul.f32 v9, v9  }
0x18d: {  	v1 =	vadd.f32 v9, v1;
	v7 =	vadd.f32 v8, v7  }
0x18e: {  	v5 =	vadd.f32 v62, v5;
	v6 =	vadd.f32 v63, v6  }
.LBB2_54:
0x18f: {  	s20 =	simm.s32 $0x0;
	s18 =	rddreg [dreg:$0xd]  }
0x190: {  	[hbm4b:s18+s20] =	stream.linear.scatter [tilespmem:s9], [sflag:$0x4], $0x4000, $0x38;
	[tilespmem:$0x8900] =	vst v63  }
0x191: {  	_ =	swait.ge [sflag:s15], $0x4000  }
0x192: {  	[sflag:s15] =	ssyncset.done $0x0  }
.Ltmp37:
0x193: {  	s18 =	simm.s32 $0x580;
	[sflag:s15] =	ssyncadd.s32 $0xFFFFC000;
	(pc) =	sbr.rel @p6 .LBB2_61-.Ltmp37, $4  }
0x194: {  	[tilespmem:s9], [sflag:$0x2] =	stream.indirect.gather [hbm4b:s3+s6], $0x80, s18, s6, $0xb8;
	[tilespmem:$0x8900] =	vst v63  }
0x195: {  	_ =	swait.ge [sflag:s11], $0x4000  }
0x196: {  	[sflag:s11] =	ssyncset.done $0x0  }
0x197: {  	s18 =	simm.s32 $0x820;
	[sflag:s11] =	ssyncadd.s32 $0xFFFFC000  }
0x198: {  	s20 =	sadd.s32 $0x1, s20  }
0x199: {  	p3 =	slt.u32 s20, s19  }
.Ltmp38:
0x19a: {  	_ = 	snop;
	(pc) =	sbr.rel @!p3 .LBB2_56-.Ltmp38, $4  }
0x19b: {  	v11 =	vld [tilespmem:s18+$0xFFFFFFE0]  }
0x19c: {  	v9 =	vld [tilespmem:s18+$0x10]  }
0x19d: {  	v10 =	vld [tilespmem:s18+$0x0]  }
0x19e: {  	v8 =	vld [tilespmem:s18+$0xFFFFFFF0];
	p2 =	por $0x0, $0x0  }
0x19f: {  	s20 =	sadd.s32 $0x1, s20  }
0x1a0: {  	p3 =	slt.u32 s20, s19  }
.Ltmp39:
0x1a1: {  	s18 =	sadd.s32 $0x80, s18;
	v12 =	vmul.f32 v11, v11;
	(pc) =	sbr.rel @!p3 .LBB2_58-.Ltmp39, $4  }
0x1a2: {  	v1 =	vadd.f32 v11, v1;
	v11 =	vld [tilespmem:s18+$0xFFFFFFE0];
	v0 =	vadd.f32 v9, v0  }
0x1a3: {  	v14 =	vmul.f32 v9, v9;
	v9 =	vld [tilespmem:s18+$0x10];
	v3 =	vadd.f32 v10, v3;
	v15 =	vmul.f32 v10, v10  }
0x1a4: {  	v6 =	vadd.f32 v12, v6;
	v10 =	vld [tilespmem:s18+$0x0];
	v2 =	vadd.f32 v8, v2  }
0x1a5: {  	p2 =	por $0x1, $0x1;
	v13 =	vmul.f32 v8, v8;
	v4 =	vadd.f32 v14, v4;
	v8 =	vld [tilespmem:s18+$0xFFFFFFF0];
	v5 =	vadd.f32 v15, v5;
	v12 =	vmovc v7  }
.LBB2_59:
0x1a6: {  	s20 =	sadd.s32 $0x1, s20  }
0x1a7: {  	v12 =	vadd.f32 v13, v12;
	p3 =	slt.u32 s20, s19  }
.Ltmp40:
0x1a8: {  	s18 =	sadd.s32 $0x80, s18;
	v1 =	vadd.f32 v11, v1;
	v13 =	vmul.f32 v11, v11;
	(pc) =	sbr.rel @p3 .LBB2_59-.Ltmp40, $4  }
0x1a9: {  	v11 =	vld [tilespmem:s18+$0xFFFFFFE0];
	v0 =	vadd.f32 v9, v0;
	v14 =	vmul.f32 v9, v9  }
0x1aa: {  	v9 =	vld [tilespmem:s18+$0x10];
	v6 =	vadd.f32 v13, v6;
	v3 =	vadd.f32 v10, v3;
	v15 =	vmul.f32 v10, v10  }
0x1ab: {  	v10 =	vld [tilespmem:s18+$0x0];
	v2 =	vadd.f32 v8, v2;
	v13 =	vmul.f32 v8, v8;
	v4 =	vadd.f32 v14, v4  }
0x1ac: {  	v8 =	vld [tilespmem:s18+$0xFFFFFFF0];
	v5 =	vadd.f32 v15, v5  }
.LBB2_60:
0x1ad: {  	_ =	sdelay $0x1  }
0x1ae: {  	v12 =	vadd.f32 @p2 v13, v12  }
0x1af: {  	v14 =	vmul.f32 v11, v11;
	v1 =	vadd.f32 v11, v1;
	v0 =	vadd.f32 v9, v0  }
0x1b0: {  	v61 =	vmul.f32 v9, v9;
	v7 =	vpsel p2, v12, v7;
	v63 =	vmul.f32 v8, v8  }
0x1b1: {  	v6 =	vadd.f32 v14, v6;
	v3 =	vadd.f32 v10, v3;
	v62 =	vmul.f32 v10, v10  }
0x1b2: {  	v2 =	vadd.f32 v8, v2;
	v7 =	vadd.f32 v63, v7  }
0x1b3: {  	v4 =	vadd.f32 v61, v4;
	v5 =	vadd.f32 v62, v5  }
.LBB2_61:
0x1b4: {  	s18 =	rddreg [dreg:$0xe]  }
0x1b5: {  	[hbm4b:s18+s2] =	stream.linear.scatter [tilespmem:s8], [sflag:$0x3], $0x4000, $0x38;
	[tilespmem:$0x8900] =	vst v63  }
0x1b6: {  	_ =	swait.ge [sflag:s12], $0x4000  }
0x1b7: {  	[sflag:s12] =	ssyncset.done $0x0  }
.Ltmp41:
0x1b8: {  	s20 =	simm.s32 $0x600;
	[sflag:s12] =	ssyncadd.s32 $0xFFFFC000;
	(pc) =	sbr.rel @p1 .LBB2_65-.Ltmp41, $4  }
0x1b9: {  	[tilespmem:s8], [sflag:$0x1] =	stream.indirect.gather [hbm4b:s3+s6], $0x80, s20, s6, $0xb8;
	[tilespmem:$0x8900] =	vst v63  }
0x1ba: {  	_ =	swait.ge [sflag:s14], $0x4000  }
0x1bb: {  	[sflag:s14] =	ssyncset.done $0x0  }
0x1bc: {  	s20 =	simm.s32 $0x4800;
	[sflag:s14] =	ssyncadd.s32 $0xFFFFC000  }
0x1bd: {  	v11 =	vld [tilespmem:s20+$0x30];
	p2 =	sne.s32 s4, $0x1  }
.Ltmp42:
0x1be: {  	v8 =	vld [tilespmem:s20+$0x10];
	(pc) =	sbr.rel @!p2 .LBB2_64-.Ltmp42, $3  }
0x1bf: {  	v10 =	vld [tilespmem:s20+$0x20]  }
0x1c0: {  	v9 =	vld [tilespmem:s20+$0x0];
	_ =	sdelay $0x1  }
0x1c1: {  	s18 =	sadd.s32 $0xFFFFFFFF, s4;
	s20 =	sadd.s32 $0x80, s20;
	v0 =	vadd.f32 v11, v0;
	v11 =	vmul.f32 v11, v11  }
.LBB2_63:
0x1c2: {  	v12 =	vld [tilespmem:s20+$0x30];
	p2 =	sne.s32 s18, $0x1;
	s18 =	sadd.s32 $0xFFFFFFFF, s18;
	v2 =	vadd.f32 v8, v2;
	v13 =	vmul.f32 v8, v8  }
.Ltmp43:
0x1c3: {  	v8 =	vld [tilespmem:s20+$0x10];
	v3 =	vadd.f32 v10, v3;
	v14 =	vmul.f32 v10, v10;
	v4 =	vadd.f32 v11, v4;
	(pc) =	sbr.rel @p2 .LBB2_63-.Ltmp43, $4  }
0x1c4: {  	v10 =	vld [tilespmem:s20+$0x20];
	v1 =	vadd.f32 v9, v1;
	v11 =	vmul.f32 v9, v9;
	v7 =	vadd.f32 v13, v7  }
0x1c5: {  	v9 =	vld [tilespmem:s20+$0x0];
	v5 =	vadd.f32 v14, v5  }
0x1c6: {  	v6 =	vadd.f32 v11, v6  }
0x1c7: {  	s20 =	sadd.s32 $0x80, s20;
	v0 =	vadd.f32 v12, v0;
	v11 =	vmul.f32 v12, v12  }
.LBB2_64:
0x1c8: {  	_ = 	snop  }
0x1c9: {  	v2 =	vadd.f32 v8, v2;
	v8 =	vmul.f32 v8, v8;
	v3 =	vadd.f32 v10, v3  }
0x1ca: {  	v62 =	vmul.f32 v10, v10;
	v4 =	vadd.f32 v11, v4;
	v63 =	vmul.f32 v9, v9  }
0x1cb: {  	v1 =	vadd.f32 v9, v1;
	v7 =	vadd.f32 v8, v7  }
0x1cc: {  	v5 =	vadd.f32 v62, v5;
	v6 =	vadd.f32 v63, v6  }
.LBB2_65:
.Ltmp44:
0x1cd: {  	s20 =	simm.s32 $0x0;
	(pc) =	sbr.rel @p0 .LBB2_72-.Ltmp44, $4  }
0x1ce: {  	[hbm4b:s22+s20] =	stream.linear.scatter [tilespmem:s9], [sflag:$0x4], $0x4000, $0x38;
	[tilespmem:$0x8900] =	vst v63  }
0x1cf: {  	_ =	swait.ge [sflag:s11], $0x4000  }
0x1d0: {  	[sflag:s11] =	ssyncset.done $0x0  }
0x1d1: {  	s18 =	simm.s32 $0x820;
	[sflag:s11] =	ssyncadd.s32 $0xFFFFC000  }
0x1d2: {  	s20 =	sadd.s32 $0x1, s20  }
0x1d3: {  	v11 =	vld [tilespmem:s18+$0xFFFFFFE0];
	p3 =	slt.u32 s20, s21  }
.Ltmp45:
0x1d4: {  	v9 =	vld [tilespmem:s18+$0x10];
	(pc) =	sbr.rel @!p3 .LBB2_67-.Ltmp45, $3  }
0x1d5: {  	v10 =	vld [tilespmem:s18+$0x0]  }
0x1d6: {  	v8 =	vld [tilespmem:s18+$0xFFFFFFF0];
	_ =	sdelay $0x1  }
0x1d7: {  	p2 =	por $0x0, $0x0  }
0x1d8: {  	s18 =	sadd.s32 $0x80, s18;
	s20 =	sadd.s32 $0x1, s20  }
0x1d9: {  	v1 =	vadd.f32 v11, v1;
	v12 =	vmul.f32 v11, v11;
	v11 =	vld [tilespmem:s18+$0xFFFFFFE0];
	p3 =	slt.u32 s20, s21  }
.Ltmp46:
0x1da: {  	v0 =	vadd.f32 v9, v0;
	v14 =	vmul.f32 v9, v9;
	v9 =	vld [tilespmem:s18+$0x10];
	(pc) =	sbr.rel @!p3 .LBB2_69-.Ltmp46, $4  }
0x1db: {  	v3 =	vadd.f32 v10, v3;
	v15 =	vmul.f32 v10, v10;
	v10 =	vld [tilespmem:s18+$0x0]  }
0x1dc: {  	v2 =	vadd.f32 v8, v2;
	v13 =	vmul.f32 v8, v8;
	v8 =	vld [tilespmem:s18+$0xFFFFFFF0]  }
0x1dd: {  	v6 =	vadd.f32 v12, v6  }
0x1de: {  	p2 =	por $0x1, $0x1;
	v4 =	vadd.f32 v14, v4;
	v5 =	vadd.f32 v15, v5;
	v12 =	vmov v7  }
.LBB2_70:
0x1df: {  	s20 =	sadd.s32 $0x1, s20  }
0x1e0: {  	v12 =	vadd.f32 v13, v12;
	p3 =	slt.u32 s20, s21  }
.Ltmp47:
0x1e1: {  	v1 =	vadd.f32 v11, v1;
	v13 =	vmul.f32 v11, v11;
	s18 =	sadd.s32 $0x80, s18;
	(pc) =	sbr.rel @p3 .LBB2_70-.Ltmp47, $4  }
0x1e2: {  	v0 =	vadd.f32 v9, v0;
	v14 =	vmul.f32 v9, v9;
	v11 =	vld [tilespmem:s18+$0xFFFFFFE0]  }
0x1e3: {  	v3 =	vadd.f32 v10, v3;
	v15 =	vmul.f32 v10, v10;
	v6 =	vadd.f32 v13, v6;
	v9 =	vld [tilespmem:s18+$0x10]  }
0x1e4: {  	v2 =	vadd.f32 v8, v2;
	v13 =	vmul.f32 v8, v8;
	v4 =	vadd.f32 v14, v4;
	v10 =	vld [tilespmem:s18+$0x0]  }
0x1e5: {  	v5 =	vadd.f32 v15, v5;
	v8 =	vld [tilespmem:s18+$0xFFFFFFF0]  }
.Ltmp48:
0x1e6: {  	_ = 	snop;
	(pc) =	sbr.rel .LBB2_71-.Ltmp48, $1  }
0x1e7: {  	_ =	sdelay $0x3  }
.LBB2_12:
.Ltmp49:
0x1e8: {  	(pc) =	sbr.rel .LBB2_16-.Ltmp49, $2  }
0x1e9: {  	_ =	sdelay $0x2  }
0x1ea: {  	v12 =	vmov v7  }
.LBB2_23:
.Ltmp50:
0x1eb: {  	(pc) =	sbr.rel .LBB2_27-.Ltmp50, $2  }
0x1ec: {  	_ =	sdelay $0x2  }
0x1ed: {  	v12 =	vmov v7  }
.LBB2_34:
.Ltmp51:
0x1ee: {  	(pc) =	sbr.rel .LBB2_38-.Ltmp51, $2  }
0x1ef: {  	_ =	sdelay $0x2  }
0x1f0: {  	v12 =	vmov v7  }
.LBB2_45:
.Ltmp52:
0x1f1: {  	(pc) =	sbr.rel .LBB2_49-.Ltmp52, $2  }
0x1f2: {  	_ =	sdelay $0x2  }
0x1f3: {  	v12 =	vmov v7  }
.LBB2_56:
.Ltmp53:
0x1f4: {  	(pc) =	sbr.rel .LBB2_60-.Ltmp53, $2  }
0x1f5: {  	_ =	sdelay $0x2  }
0x1f6: {  	v12 =	vmov v7  }
.LBB2_14:
.Ltmp54:
0x1f7: {  	(pc) =	sbr.rel .LBB2_16-.Ltmp54, $2  }
0x1f8: {  	_ =	sdelay $0x2  }
0x1f9: {  	v12 =	vmov v7  }
.LBB2_25:
.Ltmp55:
0x1fa: {  	(pc) =	sbr.rel .LBB2_27-.Ltmp55, $2  }
0x1fb: {  	_ =	sdelay $0x2  }
0x1fc: {  	v12 =	vmov v7  }
.LBB2_36:
.Ltmp56:
0x1fd: {  	(pc) =	sbr.rel .LBB2_38-.Ltmp56, $2  }
0x1fe: {  	_ =	sdelay $0x2  }
0x1ff: {  	v12 =	vmov v7  }
.LBB2_47:
.Ltmp57:
0x200: {  	(pc) =	sbr.rel .LBB2_49-.Ltmp57, $2  }
0x201: {  	_ =	sdelay $0x2  }
0x202: {  	v12 =	vmov v7  }
.LBB2_58:
.Ltmp58:
0x203: {  	(pc) =	sbr.rel .LBB2_60-.Ltmp58, $2  }
0x204: {  	_ =	sdelay $0x2  }
0x205: {  	v12 =	vmov v7  }
.LBB2_69:
.Ltmp59:
0x206: {  	(pc) =	sbr.rel .LBB2_71-.Ltmp59, $2  }
0x207: {  	_ =	sdelay $0x2  }
0x208: {  	v12 =	vmov v7  }
.LBB2_73:
0x209: {  	_ =	sfence.sel $0x180000  }
0x20a: {  	[bflag:$0x0] =	sbarrier.arrive $0xFFFF  }
0x20b: {  	_ =	strace $0x90000047  }
0x20c: {  	s0 =	stileid.u32;
	[bflag:$0x2] =	sbarrier.arrive $0xFFFF  }
0x20d: {  	p0 =	sne.s32 s0, $0x0;
	s0 =	rddreg [dreg:$0x2]  }
0x20e: {  	s0 =	sadd.s32 @!p0 $0x100000, s0  }
0x20f: {  	[sflag:s0] =	ssyncadd.tile.s32 @!p0 $0x1;
	_ =	shalt  }
.Lfunc_end2:
_tile_overlayer_lowered:
.L_overlay_start_2:
0x210: {  	(tag) =	ssettag $0x2  }
0x211: {  	s0 =	rddreg [dreg:$0x0];
	s2 =	stileid.u32  }
0x212: {  	s1 =	rddreg [dreg:$0x1];
	p0 =	sne.s32 s2, $0x0  }
0x213: {  	s3 =	rddreg [dreg:$0x2];
	[bflag:$0x3] =	sbarrier.arrive $0xFFFF;
	s2 =	simm.s32 @!p0 $0x1C05  }
0x214: {  	[timem:s3], [sflag:s2] =	dma.local @!p0 [hbm:s0], s1  }
0x215: {  	s0 =	simm.s32 @!p0 $0x5  }
0x216: {  	_ =	swait.ge @!p0 [sflag:s0], s1  }
0x217: {  	s1 =	ssub.s32 @!p0 $0x0, s1;
	[sflag:s0] =	ssyncset.done @!p0 $0x0  }
0x218: {  	[sflag:s0] =	ssyncadd.s32 @!p0 s1  }
0x219: {  	[bflag:$0x3] =	sbarrier.arrive $0xFFFF  }
0x21a: {  	_ =	shalt  }

</sc_bundles>
